<compile_context>
chip_gen: v7x
topology: tpu7x:2x2x1
jax: 0.10.2.dev20260603
libtpu: 0.0.44.dev20260713+nightly
codegen_flags: <defaults>
</compile_context>

<pallas_src>
import functools

import jax
import jax.numpy as jnp
from jax import lax
from jax.experimental import pallas as pl
from jax.experimental.pallas import tpu as pltpu
from jax.experimental.pallas import tpu_sc as plsc

D = 64
NC, NS = 2, 16
NW = NC * NS
NBUF = 4


def _sc_gather(table, idxn, b_, h_):
    nblk, blk = idxn.shape
    nbt = b_ // 128
    mblk = nblk // NW
    ring = 2 * NBUF
    nch = mblk * 8
    ngrp = nch // ring
    mesh = plsc.VectorSubcoreMesh(core_axis_name="c", subcore_axis_name="s")

    @functools.partial(
        pl.kernel,
        mesh=mesh,
        compiler_params=pltpu.CompilerParams(use_tc_tiling_on_sc=False),
        out_type=jax.ShapeDtypeStruct((b_, h_ * 128), jnp.float32),
        scratch_types=[
            pltpu.VMEM((mblk, blk), jnp.int32),
            pltpu.VMEM((ring, 128, D), jnp.float32),
        ] + [pltpu.SemaphoreType.DMA] * (2 * ring),
    )
    def k(table_hbm, idx_hbm, out_hbm, idx_v, rows_v, *sems):
        gsems, osems = sems[:ring], sems[ring:]
        wid = lax.axis_index("s") * NC + lax.axis_index("c")
        pltpu.sync_copy(idx_hbm.at[pl.ds(wid * mblk, mblk)], idx_v)

        def odst(j):
            m = wid * mblk + j // 8
            ht = m // nbt
            bt = lax.rem(m, nbt)
            h = ht * 8 + lax.rem(j, 8)
            return out_hbm.at[pl.ds(bt * 128, 128), pl.ds(h * 128, D)]

        def gstart(j, b):
            pltpu.async_copy(
                table_hbm.at[idx_v.at[j // 8, pl.ds(lax.rem(j, 8) * 128, 128)]],
                rows_v.at[b],
                gsems[b],
            )

        def gwait(j, b):
            pltpu.make_async_copy(
                table_hbm.at[idx_v.at[j // 8, pl.ds(lax.rem(j, 8) * 128, 128)]],
                rows_v.at[b],
                gsems[b],
            ).wait()

        def ostart(j, b):
            pltpu.async_copy(rows_v.at[b], odst(j), osems[b])

        def owait(j, b):
            pltpu.make_async_copy(rows_v.at[b], odst(j), osems[b]).wait()

        for b in range(NBUF):
            gstart(b, b)

        def body(g, carry):
            for b in range(ring):
                j = g * ring + b
                gwait(j, b)
                ostart(j, b)
                bn = (b + NBUF) % ring
                jn = j + NBUF
                if b < NBUF:
                    @pl.when(g >= 1)
                    def _():
                        owait(jn - ring, bn)
                        gstart(jn, bn)

                    @pl.when(g < 1)
                    def _():
                        gstart(jn, bn)
                else:
                    @pl.when(g < ngrp - 1)
                    def _():
                        owait(jn - ring, bn)
                        gstart(jn, bn)
            return carry

        lax.fori_loop(0, ngrp, body, 0)

        for b in range(ring):
            owait(nch - ring + b, b)

    return k(table, idxn)


def kernel(variate_ids, variate_embed_weight):
    b, h = variate_ids.shape
    idxn = (
        variate_ids.T.reshape(h // 8, 8, b // 128, 128)
        .transpose(0, 2, 1, 3)
        .reshape((h // 8) * (b // 128), 8 * 128)
        .astype(jnp.int32)
    )
    out = _sc_gather(variate_embed_weight, idxn, b, h)
    return out.reshape(b, h, 128)[:, :, :D]

# --- scband reference (transcript-rebuilt; emitter-appended) ---
"""Pipeline reference for scband-variate-embedding-20298015440945 (READ-ONLY COPY).

The authoritative reference and input builder live on the scoring server;
editing this copy changes nothing except your own understanding.
"""

import jax, jax.numpy as jnp
import numpy as np

NUM_VARIATES = 100000
D_MODEL = 64
BATCH = 4096
HIST_LEN = 200

def setup_inputs(seed: int = 0) -> dict:
    key = jax.random.key(seed)
    k_idx, k_tab = jax.random.split(key)
    variate_ids = jax.random.randint(k_idx, (BATCH, HIST_LEN), 0, NUM_VARIATES, dtype=jnp.int64 if jax.config.jax_enable_x64 else jnp.int32)
    # learned parameter: embedding table, like nn.Embedding(num_variates, d_model)
    variate_embed_weight = jax.random.normal(k_tab, (NUM_VARIATES, D_MODEL), dtype=jnp.float32)
    return {"variate_ids": variate_ids, "variate_embed_weight": variate_embed_weight}

def reference(variate_ids, variate_embed_weight):
    # Faithful translation of nn.Embedding lookup: gather rows by index
    return jnp.take(variate_embed_weight, variate_ids, axis=0)

if __name__ == "__main__":
    import jax
    _d = setup_inputs()
    print(jax.jit(kernel)(*tuple(_d.values())))

</pallas_src>

<mosaic_0001>
#map = affine_map<(d0, d1) -> (0, 0)>
module attributes {stable_mosaic.version = 14 : i64} {
  func.func @k(%arg0: i32, %arg1: i32, %arg2: memref<100000x64xf32, #tpu.memory_space<hbm>>, %arg3: memref<800x1024xi32, #tpu.memory_space<hbm>>, %arg4: memref<4096x25600xf32, #tpu.memory_space<hbm>>, %arg5: memref<25x1024xi32, #tpu.memory_space<vmem>>, %arg6: memref<8x128x64xf32, #tpu.memory_space<vmem>>, %arg7: memref<!tpu.dma_semaphore, #tpu.memory_space<semaphore_mem>>, %arg8: memref<!tpu.dma_semaphore, #tpu.memory_space<semaphore_mem>>, %arg9: memref<!tpu.dma_semaphore, #tpu.memory_space<semaphore_mem>>, %arg10: memref<!tpu.dma_semaphore, #tpu.memory_space<semaphore_mem>>, %arg11: memref<!tpu.dma_semaphore, #tpu.memory_space<semaphore_mem>>, %arg12: memref<!tpu.dma_semaphore, #tpu.memory_space<semaphore_mem>>, %arg13: memref<!tpu.dma_semaphore, #tpu.memory_space<semaphore_mem>>, %arg14: memref<!tpu.dma_semaphore, #tpu.memory_space<semaphore_mem>>, %arg15: memref<!tpu.dma_semaphore, #tpu.memory_space<semaphore_mem>>, %arg16: memref<!tpu.dma_semaphore, #tpu.memory_space<semaphore_mem>>, %arg17: memref<!tpu.dma_semaphore, #tpu.memory_space<semaphore_mem>>, %arg18: memref<!tpu.dma_semaphore, #tpu.memory_space<semaphore_mem>>, %arg19: memref<!tpu.dma_semaphore, #tpu.memory_space<semaphore_mem>>, %arg20: memref<!tpu.dma_semaphore, #tpu.memory_space<semaphore_mem>>, %arg21: memref<!tpu.dma_semaphore, #tpu.memory_space<semaphore_mem>>, %arg22: memref<!tpu.dma_semaphore, #tpu.memory_space<semaphore_mem>>) attributes {dimension_semantics = [#tpu.dimension_semantics<core_parallel>, #tpu.dimension_semantics<subcore_parallel>], iteration_bounds = array<i64: 2, 16>, scalar_prefetch = 0 : i64, scratch_operands = 18 : i64, tpu.core_type = #tpu.core_type<sc_vector_subcore>, window_params = [{transform_indices = #map}, {transform_indices = #map}, {transform_indices = #map}]} {
    %mul3A = arith.constant 2 : i32
    %mul3A_0 = arith.muli %arg1, %mul3A : i32
    %add3A = arith.addi %mul3A_0, %arg0 : i32
    %mul3A_1 = arith.constant 25 : i32
    %mul3A_2 = arith.muli %add3A, %mul3A_1 : i32
    "tpu.region"() ({
      %run_scoped3A = tpu.sem_alloc : memref<!tpu.dma_semaphore, #tpu.memory_space<semaphore_mem>>
      %dma_start3A_470 = arith.constant 0 : i32
      %dma_start3A_471 = tpu.memref_slice %arg3[%mul3A_2, %dma_start3A_470] : memref<800x1024xi32, #tpu.memory_space<hbm>> -> memref<25x1024xi32, #tpu.memory_space<hbm>>
      %dma_start3A_472 = arith.constant 0 : i32
      %dma_start3A_473 = tpu.memref_slice %arg3[%mul3A_2, %dma_start3A_472] : memref<800x1024xi32, #tpu.memory_space<hbm>> -> memref<25x1024xi32, #tpu.memory_space<hbm>>
      tpu.enqueue_dma source(%dma_start3A_473 : memref<25x1024xi32, #tpu.memory_space<hbm>>) target(%arg5 : memref<25x1024xi32, #tpu.memory_space<vmem>>) target_semaphore(%run_scoped3A : memref<!tpu.dma_semaphore, #tpu.memory_space<semaphore_mem>>)
      %dma_wait3A_474 = arith.constant 0 : i32
      %dma_wait3A_475 = tpu.memref_slice %arg3[%mul3A_2, %dma_wait3A_474] : memref<800x1024xi32, #tpu.memory_space<hbm>> -> memref<25x1024xi32, #tpu.memory_space<hbm>>
      %dma_wait3A_476 = arith.constant 0 : i32
      %dma_wait3A_477 = tpu.memref_slice %arg3[%mul3A_2, %dma_wait3A_476] : memref<800x1024xi32, #tpu.memory_space<hbm>> -> memref<25x1024xi32, #tpu.memory_space<hbm>>
      tpu.wait_dma2 semaphore(%run_scoped3A : memref<!tpu.dma_semaphore, #tpu.memory_space<semaphore_mem>>) src(%dma_wait3A_477 : memref<25x1024xi32, #tpu.memory_space<hbm>>) dst(%arg5 : memref<25x1024xi32, #tpu.memory_space<vmem>>)
      tpu.yield
    }) : () -> ()
    %rem3A = arith.constant 0 : i32
    %rem3A_3 = arith.constant 8 : i32
    %rem3A_4 = arith.remsi %rem3A, %rem3A_3 : i32
    %mul3A_5 = arith.constant 128 : i32
    %mul3A_6 = arith.muli %rem3A_4, %mul3A_5 : i32
    %dma_start3A = arith.constant 0 : i32
    %dma_start3A_7 = arith.constant 0 : i32
    %dma_start3A_8 = arith.constant 0 : i32
    %dma_start3A_9 = arith.constant 0 : i32
    %dma_start3A_10 = tpu.memref_slice %arg6[%dma_start3A_7, %dma_start3A_8, %dma_start3A_9] : memref<8x128x64xf32, #tpu.memory_space<vmem>> -> memref<1x128x64xf32, #tpu.memory_space<vmem>>
    %dma_start3A_11 = tpu.memref_squeeze %dma_start3A_10 : memref<1x128x64xf32, #tpu.memory_space<vmem>> -> memref<128x64xf32, #tpu.memory_space<vmem>>
    %dma_start3A_12 = tpu.memref_slice %arg5[%dma_start3A, %mul3A_6] : memref<25x1024xi32, #tpu.memory_space<vmem>> -> memref<1x128xi32, #tpu.memory_space<vmem>>
    %dma_start3A_13 = tpu.memref_squeeze %dma_start3A_12 : memref<1x128xi32, #tpu.memory_space<vmem>> -> memref<128xi32, #tpu.memory_space<vmem>>
    %dma_start3A_14 = arith.constant 0 : i32
    %dma_start3A_15 = arith.constant 0 : i32
    %dma_start3A_16 = tpu.memref_slice %arg2[%dma_start3A_14, %dma_start3A_15] : memref<100000x64xf32, #tpu.memory_space<hbm>> -> memref<100000x64xf32, #tpu.memory_space<hbm>>
    tpu.enqueue_indirect_dma source(%dma_start3A_16 : memref<100000x64xf32, #tpu.memory_space<hbm>>) target(%dma_start3A_11 : memref<128x64xf32, #tpu.memory_space<vmem>>) offsets(%dma_start3A_13 : memref<128xi32, #tpu.memory_space<vmem>>) semaphore(%arg7 : memref<!tpu.dma_semaphore, #tpu.memory_space<semaphore_mem>>)
    %rem3A_17 = arith.constant 1 : i32
    %rem3A_18 = arith.constant 8 : i32
    %rem3A_19 = arith.remsi %rem3A_17, %rem3A_18 : i32
    %mul3A_20 = arith.constant 128 : i32
    %mul3A_21 = arith.muli %rem3A_19, %mul3A_20 : i32
    %dma_start3A_22 = arith.constant 0 : i32
    %dma_start3A_23 = arith.constant 1 : i32
    %dma_start3A_24 = arith.constant 0 : i32
    %dma_start3A_25 = arith.constant 0 : i32
    %dma_start3A_26 = tpu.memref_slice %arg6[%dma_start3A_23, %dma_start3A_24, %dma_start3A_25] : memref<8x128x64xf32, #tpu.memory_space<vmem>> -> memref<1x128x64xf32, #tpu.memory_space<vmem>>
    %dma_start3A_27 = tpu.memref_squeeze %dma_start3A_26 : memref<1x128x64xf32, #tpu.memory_space<vmem>> -> memref<128x64xf32, #tpu.memory_space<vmem>>
    %dma_start3A_28 = tpu.memref_slice %arg5[%dma_start3A_22, %mul3A_21] : memref<25x1024xi32, #tpu.memory_space<vmem>> -> memref<1x128xi32, #tpu.memory_space<vmem>>
    %dma_start3A_29 = tpu.memref_squeeze %dma_start3A_28 : memref<1x128xi32, #tpu.memory_space<vmem>> -> memref<128xi32, #tpu.memory_space<vmem>>
    %dma_start3A_30 = arith.constant 0 : i32
    %dma_start3A_31 = arith.constant 0 : i32
    %dma_start3A_32 = tpu.memref_slice %arg2[%dma_start3A_30, %dma_start3A_31] : memref<100000x64xf32, #tpu.memory_space<hbm>> -> memref<100000x64xf32, #tpu.memory_space<hbm>>
    tpu.enqueue_indirect_dma source(%dma_start3A_32 : memref<100000x64xf32, #tpu.memory_space<hbm>>) target(%dma_start3A_27 : memref<128x64xf32, #tpu.memory_space<vmem>>) offsets(%dma_start3A_29 : memref<128xi32, #tpu.memory_space<vmem>>) semaphore(%arg8 : memref<!tpu.dma_semaphore, #tpu.memory_space<semaphore_mem>>)
    %rem3A_33 = arith.constant 2 : i32
    %rem3A_34 = arith.constant 8 : i32
    %rem3A_35 = arith.remsi %rem3A_33, %rem3A_34 : i32
    %mul3A_36 = arith.constant 128 : i32
    %mul3A_37 = arith.muli %rem3A_35, %mul3A_36 : i32
    %dma_start3A_38 = arith.constant 0 : i32
    %dma_start3A_39 = arith.constant 2 : i32
    %dma_start3A_40 = arith.constant 0 : i32
    %dma_start3A_41 = arith.constant 0 : i32
    %dma_start3A_42 = tpu.memref_slice %arg6[%dma_start3A_39, %dma_start3A_40, %dma_start3A_41] : memref<8x128x64xf32, #tpu.memory_space<vmem>> -> memref<1x128x64xf32, #tpu.memory_space<vmem>>
    %dma_start3A_43 = tpu.memref_squeeze %dma_start3A_42 : memref<1x128x64xf32, #tpu.memory_space<vmem>> -> memref<128x64xf32, #tpu.memory_space<vmem>>
    %dma_start3A_44 = tpu.memref_slice %arg5[%dma_start3A_38, %mul3A_37] : memref<25x1024xi32, #tpu.memory_space<vmem>> -> memref<1x128xi32, #tpu.memory_space<vmem>>
    %dma_start3A_45 = tpu.memref_squeeze %dma_start3A_44 : memref<1x128xi32, #tpu.memory_space<vmem>> -> memref<128xi32, #tpu.memory_space<vmem>>
    %dma_start3A_46 = arith.constant 0 : i32
    %dma_start3A_47 = arith.constant 0 : i32
    %dma_start3A_48 = tpu.memref_slice %arg2[%dma_start3A_46, %dma_start3A_47] : memref<100000x64xf32, #tpu.memory_space<hbm>> -> memref<100000x64xf32, #tpu.memory_space<hbm>>
    tpu.enqueue_indirect_dma source(%dma_start3A_48 : memref<100000x64xf32, #tpu.memory_space<hbm>>) target(%dma_start3A_43 : memref<128x64xf32, #tpu.memory_space<vmem>>) offsets(%dma_start3A_45 : memref<128xi32, #tpu.memory_space<vmem>>) semaphore(%arg9 : memref<!tpu.dma_semaphore, #tpu.memory_space<semaphore_mem>>)
    %rem3A_49 = arith.constant 3 : i32
    %rem3A_50 = arith.constant 8 : i32
    %rem3A_51 = arith.remsi %rem3A_49, %rem3A_50 : i32
    %mul3A_52 = arith.constant 128 : i32
    %mul3A_53 = arith.muli %rem3A_51, %mul3A_52 : i32
    %dma_start3A_54 = arith.constant 0 : i32
    %dma_start3A_55 = arith.constant 3 : i32
    %dma_start3A_56 = arith.constant 0 : i32
    %dma_start3A_57 = arith.constant 0 : i32
    %dma_start3A_58 = tpu.memref_slice %arg6[%dma_start3A_55, %dma_start3A_56, %dma_start3A_57] : memref<8x128x64xf32, #tpu.memory_space<vmem>> -> memref<1x128x64xf32, #tpu.memory_space<vmem>>
    %dma_start3A_59 = tpu.memref_squeeze %dma_start3A_58 : memref<1x128x64xf32, #tpu.memory_space<vmem>> -> memref<128x64xf32, #tpu.memory_space<vmem>>
    %dma_start3A_60 = tpu.memref_slice %arg5[%dma_start3A_54, %mul3A_53] : memref<25x1024xi32, #tpu.memory_space<vmem>> -> memref<1x128xi32, #tpu.memory_space<vmem>>
    %dma_start3A_61 = tpu.memref_squeeze %dma_start3A_60 : memref<1x128xi32, #tpu.memory_space<vmem>> -> memref<128xi32, #tpu.memory_space<vmem>>
    %dma_start3A_62 = arith.constant 0 : i32
    %dma_start3A_63 = arith.constant 0 : i32
    %dma_start3A_64 = tpu.memref_slice %arg2[%dma_start3A_62, %dma_start3A_63] : memref<100000x64xf32, #tpu.memory_space<hbm>> -> memref<100000x64xf32, #tpu.memory_space<hbm>>
    tpu.enqueue_indirect_dma source(%dma_start3A_64 : memref<100000x64xf32, #tpu.memory_space<hbm>>) target(%dma_start3A_59 : memref<128x64xf32, #tpu.memory_space<vmem>>) offsets(%dma_start3A_61 : memref<128xi32, #tpu.memory_space<vmem>>) semaphore(%arg10 : memref<!tpu.dma_semaphore, #tpu.memory_space<semaphore_mem>>)
    %scan3A = arith.constant 0 : i32
    %scan3A_65 = arith.constant 0 : i32
    %scan3A_66 = arith.constant 25 : i32
    %scan3A_67 = arith.addi %scan3A_65, %scan3A_66 : i32
    %scan3A_68 = arith.constant 1 : i32
    scf.for %scan3A_470 = %scan3A_65 to %scan3A_67 step %scan3A_68  : i32 {
      %mul3A_471 = arith.constant 8 : i32
      %mul3A_472 = arith.muli %scan3A_470, %mul3A_471 : i32
      %add3A_473 = arith.constant 0 : i32
      %add3A_474 = arith.addi %mul3A_472, %add3A_473 : i32
      %jit3A_475 = arith.constant 8 : i32
      %div3A_476 = arith.divsi %add3A_474, %jit3A_475 : i32
      %sign3A_477 = arith.constant 0 : i32
      %sign3A_478 = arith.cmpi sgt, %add3A_474, %sign3A_477 : i32
      %sign3A_479 = arith.extui %sign3A_478 : i1 to i32
      %sign3A_480 = arith.constant 0 : i32
      %sign3A_481 = arith.cmpi slt, %add3A_474, %sign3A_480 : i32
      %sign3A_482 = arith.extui %sign3A_481 : i1 to i32
      %sign3A_483 = arith.subi %sign3A_479, %sign3A_482 : i32
      %sign3A_484 = arith.constant 0 : i32
      %sign3A_485 = arith.cmpi sgt, %jit3A_475, %sign3A_484 : i32
      %sign3A_486 = arith.extui %sign3A_485 : i1 to i32
      %sign3A_487 = arith.constant 0 : i32
      %sign3A_488 = arith.cmpi slt, %jit3A_475, %sign3A_487 : i32
      %sign3A_489 = arith.extui %sign3A_488 : i1 to i32
      %sign3A_490 = arith.subi %sign3A_486, %sign3A_489 : i32
      %ne3A_491 = arith.cmpi ne, %sign3A_483, %sign3A_490 : i32
      %rem3A_492 = arith.remsi %add3A_474, %jit3A_475 : i32
      %ne3A_493 = arith.constant 0 : i32
      %ne3A_494 = arith.cmpi ne, %rem3A_492, %ne3A_493 : i32
      %and3A_495 = arith.andi %ne3A_491, %ne3A_494 : i1
      %sub3A_496 = arith.constant 1 : i32
      %sub3A_497 = arith.subi %div3A_476, %sub3A_496 : i32
      %select_n3A_498 = arith.select %and3A_495, %sub3A_497, %div3A_476 : i32
      %rem3A_499 = arith.constant 8 : i32
      %rem3A_500 = arith.remsi %add3A_474, %rem3A_499 : i32
      %mul3A_501 = arith.constant 128 : i32
      %mul3A_502 = arith.muli %rem3A_500, %mul3A_501 : i32
      %dma_wait3A_503 = arith.constant 0 : i32
      %dma_wait3A_504 = arith.constant 0 : i32
      %dma_wait3A_505 = arith.constant 0 : i32
      %dma_wait3A_506 = tpu.memref_slice %arg6[%dma_wait3A_503, %dma_wait3A_504, %dma_wait3A_505] : memref<8x128x64xf32, #tpu.memory_space<vmem>> -> memref<1x128x64xf32, #tpu.memory_space<vmem>>
      %dma_wait3A_507 = tpu.memref_squeeze %dma_wait3A_506 : memref<1x128x64xf32, #tpu.memory_space<vmem>> -> memref<128x64xf32, #tpu.memory_space<vmem>>
      %dma_wait3A_508 = tpu.memref_slice %arg5[%select_n3A_498, %mul3A_502] : memref<25x1024xi32, #tpu.memory_space<vmem>> -> memref<1x128xi32, #tpu.memory_space<vmem>>
      %dma_wait3A_509 = tpu.memref_squeeze %dma_wait3A_508 : memref<1x128xi32, #tpu.memory_space<vmem>> -> memref<128xi32, #tpu.memory_space<vmem>>
      %dma_wait3A_510 = arith.constant 0 : i32
      %dma_wait3A_511 = arith.constant 0 : i32
      %dma_wait3A_512 = tpu.memref_slice %arg2[%dma_wait3A_510, %dma_wait3A_511] : memref<100000x64xf32, #tpu.memory_space<hbm>> -> memref<100000x64xf32, #tpu.memory_space<hbm>>
      tpu.wait_indirect_dma semaphore(%arg7 : memref<!tpu.dma_semaphore, #tpu.memory_space<semaphore_mem>>) src(%dma_wait3A_512 : memref<100000x64xf32, #tpu.memory_space<hbm>>) dst(%dma_wait3A_507 : memref<128x64xf32, #tpu.memory_space<vmem>>)
      %mul3A_513 = arith.constant 25 : i32
      %mul3A_514 = arith.muli %add3A, %mul3A_513 : i32
      %jit3A_515 = arith.constant 8 : i32
      %div3A_516 = arith.divsi %add3A_474, %jit3A_515 : i32
      %sign3A_517 = arith.constant 0 : i32
      %sign3A_518 = arith.cmpi sgt, %add3A_474, %sign3A_517 : i32
      %sign3A_519 = arith.extui %sign3A_518 : i1 to i32
      %sign3A_520 = arith.constant 0 : i32
      %sign3A_521 = arith.cmpi slt, %add3A_474, %sign3A_520 : i32
      %sign3A_522 = arith.extui %sign3A_521 : i1 to i32
      %sign3A_523 = arith.subi %sign3A_519, %sign3A_522 : i32
      %sign3A_524 = arith.constant 0 : i32
      %sign3A_525 = arith.cmpi sgt, %jit3A_515, %sign3A_524 : i32
      %sign3A_526 = arith.extui %sign3A_525 : i1 to i32
      %sign3A_527 = arith.constant 0 : i32
      %sign3A_528 = arith.cmpi slt, %jit3A_515, %sign3A_527 : i32
      %sign3A_529 = arith.extui %sign3A_528 : i1 to i32
      %sign3A_530 = arith.subi %sign3A_526, %sign3A_529 : i32
      %ne3A_531 = arith.cmpi ne, %sign3A_523, %sign3A_530 : i32
      %rem3A_532 = arith.remsi %add3A_474, %jit3A_515 : i32
      %ne3A_533 = arith.constant 0 : i32
      %ne3A_534 = arith.cmpi ne, %rem3A_532, %ne3A_533 : i32
      %and3A_535 = arith.andi %ne3A_531, %ne3A_534 : i1
      %sub3A_536 = arith.constant 1 : i32
      %sub3A_537 = arith.subi %div3A_516, %sub3A_536 : i32
      %select_n3A_538 = arith.select %and3A_535, %sub3A_537, %div3A_516 : i32
      %add3A_539 = arith.addi %mul3A_514, %select_n3A_538 : i32
      %jit3A_540 = arith.constant 32 : i32
      %div3A_541 = arith.divsi %add3A_539, %jit3A_540 : i32
      %sign3A_542 = arith.constant 0 : i32
      %sign3A_543 = arith.cmpi sgt, %add3A_539, %sign3A_542 : i32
      %sign3A_544 = arith.extui %sign3A_543 : i1 to i32
      %sign3A_545 = arith.constant 0 : i32
      %sign3A_546 = arith.cmpi slt, %add3A_539, %sign3A_545 : i32
      %sign3A_547 = arith.extui %sign3A_546 : i1 to i32
      %sign3A_548 = arith.subi %sign3A_544, %sign3A_547 : i32
      %sign3A_549 = arith.constant 0 : i32
      %sign3A_550 = arith.cmpi sgt, %jit3A_540, %sign3A_549 : i32
      %sign3A_551 = arith.extui %sign3A_550 : i1 to i32
      %sign3A_552 = arith.constant 0 : i32
      %sign3A_553 = arith.cmpi slt, %jit3A_540, %sign3A_552 : i32
      %sign3A_554 = arith.extui %sign3A_553 : i1 to i32
      %sign3A_555 = arith.subi %sign3A_551, %sign3A_554 : i32
      %ne3A_556 = arith.cmpi ne, %sign3A_548, %sign3A_555 : i32
      %rem3A_557 = arith.remsi %add3A_539, %jit3A_540 : i32
      %ne3A_558 = arith.constant 0 : i32
      %ne3A_559 = arith.cmpi ne, %rem3A_557, %ne3A_558 : i32
      %and3A_560 = arith.andi %ne3A_556, %ne3A_559 : i1
      %sub3A_561 = arith.constant 1 : i32
      %sub3A_562 = arith.subi %div3A_541, %sub3A_561 : i32
      %select_n3A_563 = arith.select %and3A_560, %sub3A_562, %div3A_541 : i32
      %rem3A_564 = arith.constant 32 : i32
      %rem3A_565 = arith.remsi %add3A_539, %rem3A_564 : i32
      %mul3A_566 = arith.constant 8 : i32
      %mul3A_567 = arith.muli %select_n3A_563, %mul3A_566 : i32
      %rem3A_568 = arith.constant 8 : i32
      %rem3A_569 = arith.remsi %add3A_474, %rem3A_568 : i32
      %add3A_570 = arith.addi %mul3A_567, %rem3A_569 : i32
      %mul3A_571 = arith.constant 128 : i32
      %mul3A_572 = arith.muli %rem3A_565, %mul3A_571 : i32
      %mul3A_573 = arith.constant 128 : i32
      %mul3A_574 = arith.muli %add3A_570, %mul3A_573 : i32
      %dma_start3A_575 = arith.constant 0 : i32
      %dma_start3A_576 = arith.constant 0 : i32
      %dma_start3A_577 = arith.constant 0 : i32
      %dma_start3A_578 = tpu.memref_slice %arg6[%dma_start3A_575, %dma_start3A_576, %dma_start3A_577] : memref<8x128x64xf32, #tpu.memory_space<vmem>> -> memref<1x128x64xf32, #tpu.memory_space<vmem>>
      %dma_start3A_579 = tpu.memref_squeeze %dma_start3A_578 : memref<1x128x64xf32, #tpu.memory_space<vmem>> -> memref<128x64xf32, #tpu.memory_space<vmem>>
      %dma_start3A_580 = tpu.memref_slice %arg4[%mul3A_572, %mul3A_574] : memref<4096x25600xf32, #tpu.memory_space<hbm>> -> memref<128x64xf32, #tpu.memory_space<hbm>>
      %dma_start3A_581 = tpu.memref_slice %arg4[%mul3A_572, %mul3A_574] : memref<4096x25600xf32, #tpu.memory_space<hbm>> -> memref<128x64xf32, #tpu.memory_space<hbm>>
      %dma_start3A_582 = arith.constant 0 : i32
      %dma_start3A_583 = arith.constant 0 : i32
      %dma_start3A_584 = tpu.memref_slice %arg6[%dma_start3A_575, %dma_start3A_582, %dma_start3A_583] : memref<8x128x64xf32, #tpu.memory_space<vmem>> -> memref<1x128x64xf32, #tpu.memory_space<vmem>>
      %dma_start3A_585 = tpu.memref_squeeze %dma_start3A_584 : memref<1x128x64xf32, #tpu.memory_space<vmem>> -> memref<128x64xf32, #tpu.memory_space<vmem>>
      tpu.enqueue_dma source(%dma_start3A_585 : memref<128x64xf32, #tpu.memory_space<vmem>>) target(%dma_start3A_581 : memref<128x64xf32, #tpu.memory_space<hbm>>) target_semaphore(%arg15 : memref<!tpu.dma_semaphore, #tpu.memory_space<semaphore_mem>>)
      %add3A_586 = arith.constant 4 : i32
      %add3A_587 = arith.addi %add3A_474, %add3A_586 : i32
      %ge3A = arith.constant 1 : i32
      %ge3A_588 = arith.cmpi sge, %scan3A_470, %ge3A : i32
      %convert_element_type3A = arith.extui %ge3A_588 : i1 to i32
      %cond3A = arith.constant 0 : i32
      %cond3A_589 = arith.cmpi ne, %convert_element_type3A, %cond3A : i32
      scf.if %cond3A_589 {
        %sub3A_1463 = arith.constant 8 : i32
        %sub3A_1464 = arith.subi %add3A_587, %sub3A_1463 : i32
        %mul3A_1465 = arith.constant 25 : i32
        %mul3A_1466 = arith.muli %add3A, %mul3A_1465 : i32
        %jit3A_1467 = arith.constant 8 : i32
        %div3A_1468 = arith.divsi %sub3A_1464, %jit3A_1467 : i32
        %sign3A_1469 = arith.constant 0 : i32
        %sign3A_1470 = arith.cmpi sgt, %sub3A_1464, %sign3A_1469 : i32
        %sign3A_1471 = arith.extui %sign3A_1470 : i1 to i32
        %sign3A_1472 = arith.constant 0 : i32
        %sign3A_1473 = arith.cmpi slt, %sub3A_1464, %sign3A_1472 : i32
        %sign3A_1474 = arith.extui %sign3A_1473 : i1 to i32
        %sign3A_1475 = arith.subi %sign3A_1471, %sign3A_1474 : i32
        %sign3A_1476 = arith.constant 0 : i32
        %sign3A_1477 = arith.cmpi sgt, %jit3A_1467, %sign3A_1476 : i32
        %sign3A_1478 = arith.extui %sign3A_1477 : i1 to i32
        %sign3A_1479 = arith.constant 0 : i32
        %sign3A_1480 = arith.cmpi slt, %jit3A_1467, %sign3A_1479 : i32
        %sign3A_1481 = arith.extui %sign3A_1480 : i1 to i32
        %sign3A_1482 = arith.subi %sign3A_1478, %sign3A_1481 : i32
        %ne3A_1483 = arith.cmpi ne, %sign3A_1475, %sign3A_1482 : i32
        %rem3A_1484 = arith.remsi %sub3A_1464, %jit3A_1467 : i32
        %ne3A_1485 = arith.constant 0 : i32
        %ne3A_1486 = arith.cmpi ne, %rem3A_1484, %ne3A_1485 : i32
        %and3A_1487 = arith.andi %ne3A_1483, %ne3A_1486 : i1
        %sub3A_1488 = arith.constant 1 : i32
        %sub3A_1489 = arith.subi %div3A_1468, %sub3A_1488 : i32
        %select_n3A_1490 = arith.select %and3A_1487, %sub3A_1489, %div3A_1468 : i32
        %add3A_1491 = arith.addi %mul3A_1466, %select_n3A_1490 : i32
        %jit3A_1492 = arith.constant 32 : i32
        %div3A_1493 = arith.divsi %add3A_1491, %jit3A_1492 : i32
        %sign3A_1494 = arith.constant 0 : i32
        %sign3A_1495 = arith.cmpi sgt, %add3A_1491, %sign3A_1494 : i32
        %sign3A_1496 = arith.extui %sign3A_1495 : i1 to i32
        %sign3A_1497 = arith.constant 0 : i32
        %sign3A_1498 = arith.cmpi slt, %add3A_1491, %sign3A_1497 : i32
        %sign3A_1499 = arith.extui %sign3A_1498 : i1 to i32
        %sign3A_1500 = arith.subi %sign3A_1496, %sign3A_1499 : i32
        %sign3A_1501 = arith.constant 0 : i32
        %sign3A_1502 = arith.cmpi sgt, %jit3A_1492, %sign3A_1501 : i32
        %sign3A_1503 = arith.extui %sign3A_1502 : i1 to i32
        %sign3A_1504 = arith.constant 0 : i32
        %sign3A_1505 = arith.cmpi slt, %jit3A_1492, %sign3A_1504 : i32
        %sign3A_1506 = arith.extui %sign3A_1505 : i1 to i32
        %sign3A_1507 = arith.subi %sign3A_1503, %sign3A_1506 : i32
        %ne3A_1508 = arith.cmpi ne, %sign3A_1500, %sign3A_1507 : i32
        %rem3A_1509 = arith.remsi %add3A_1491, %jit3A_1492 : i32
        %ne3A_1510 = arith.constant 0 : i32
        %ne3A_1511 = arith.cmpi ne, %rem3A_1509, %ne3A_1510 : i32
        %and3A_1512 = arith.andi %ne3A_1508, %ne3A_1511 : i1
        %sub3A_1513 = arith.constant 1 : i32
        %sub3A_1514 = arith.subi %div3A_1493, %sub3A_1513 : i32
        %select_n3A_1515 = arith.select %and3A_1512, %sub3A_1514, %div3A_1493 : i32
        %rem3A_1516 = arith.constant 32 : i32
        %rem3A_1517 = arith.remsi %add3A_1491, %rem3A_1516 : i32
        %mul3A_1518 = arith.constant 8 : i32
        %mul3A_1519 = arith.muli %select_n3A_1515, %mul3A_1518 : i32
        %rem3A_1520 = arith.constant 8 : i32
        %rem3A_1521 = arith.remsi %sub3A_1464, %rem3A_1520 : i32
        %add3A_1522 = arith.addi %mul3A_1519, %rem3A_1521 : i32
        %mul3A_1523 = arith.constant 128 : i32
        %mul3A_1524 = arith.muli %rem3A_1517, %mul3A_1523 : i32
        %mul3A_1525 = arith.constant 128 : i32
        %mul3A_1526 = arith.muli %add3A_1522, %mul3A_1525 : i32
        %dma_wait3A_1527 = arith.constant 4 : i32
        %dma_wait3A_1528 = arith.constant 0 : i32
        %dma_wait3A_1529 = arith.constant 0 : i32
        %dma_wait3A_1530 = tpu.memref_slice %arg6[%dma_wait3A_1527, %dma_wait3A_1528, %dma_wait3A_1529] : memref<8x128x64xf32, #tpu.memory_space<vmem>> -> memref<1x128x64xf32, #tpu.memory_space<vmem>>
        %dma_wait3A_1531 = tpu.memref_squeeze %dma_wait3A_1530 : memref<1x128x64xf32, #tpu.memory_space<vmem>> -> memref<128x64xf32, #tpu.memory_space<vmem>>
        %dma_wait3A_1532 = tpu.memref_slice %arg4[%mul3A_1524, %mul3A_1526] : memref<4096x25600xf32, #tpu.memory_space<hbm>> -> memref<128x64xf32, #tpu.memory_space<hbm>>
        %dma_wait3A_1533 = tpu.memref_slice %arg4[%mul3A_1524, %mul3A_1526] : memref<4096x25600xf32, #tpu.memory_space<hbm>> -> memref<128x64xf32, #tpu.memory_space<hbm>>
        %dma_wait3A_1534 = arith.constant 0 : i32
        %dma_wait3A_1535 = arith.constant 0 : i32
        %dma_wait3A_1536 = tpu.memref_slice %arg6[%dma_wait3A_1527, %dma_wait3A_1534, %dma_wait3A_1535] : memref<8x128x64xf32, #tpu.memory_space<vmem>> -> memref<1x128x64xf32, #tpu.memory_space<vmem>>
        %dma_wait3A_1537 = tpu.memref_squeeze %dma_wait3A_1536 : memref<1x128x64xf32, #tpu.memory_space<vmem>> -> memref<128x64xf32, #tpu.memory_space<vmem>>
        tpu.wait_dma2 semaphore(%arg19 : memref<!tpu.dma_semaphore, #tpu.memory_space<semaphore_mem>>) src(%dma_wait3A_1537 : memref<128x64xf32, #tpu.memory_space<vmem>>) dst(%dma_wait3A_1533 : memref<128x64xf32, #tpu.memory_space<hbm>>)
        %jit3A_1538 = arith.constant 8 : i32
        %div3A_1539 = arith.divsi %add3A_587, %jit3A_1538 : i32
        %sign3A_1540 = arith.constant 0 : i32
        %sign3A_1541 = arith.cmpi sgt, %add3A_587, %sign3A_1540 : i32
        %sign3A_1542 = arith.extui %sign3A_1541 : i1 to i32
        %sign3A_1543 = arith.constant 0 : i32
        %sign3A_1544 = arith.cmpi slt, %add3A_587, %sign3A_1543 : i32
        %sign3A_1545 = arith.extui %sign3A_1544 : i1 to i32
        %sign3A_1546 = arith.subi %sign3A_1542, %sign3A_1545 : i32
        %sign3A_1547 = arith.constant 0 : i32
        %sign3A_1548 = arith.cmpi sgt, %jit3A_1538, %sign3A_1547 : i32
        %sign3A_1549 = arith.extui %sign3A_1548 : i1 to i32
        %sign3A_1550 = arith.constant 0 : i32
        %sign3A_1551 = arith.cmpi slt, %jit3A_1538, %sign3A_1550 : i32
        %sign3A_1552 = arith.extui %sign3A_1551 : i1 to i32
        %sign3A_1553 = arith.subi %sign3A_1549, %sign3A_1552 : i32
        %ne3A_1554 = arith.cmpi ne, %sign3A_1546, %sign3A_1553 : i32
        %rem3A_1555 = arith.remsi %add3A_587, %jit3A_1538 : i32
        %ne3A_1556 = arith.constant 0 : i32
        %ne3A_1557 = arith.cmpi ne, %rem3A_1555, %ne3A_1556 : i32
        %and3A_1558 = arith.andi %ne3A_1554, %ne3A_1557 : i1
        %sub3A_1559 = arith.constant 1 : i32
        %sub3A_1560 = arith.subi %div3A_1539, %sub3A_1559 : i32
        %select_n3A_1561 = arith.select %and3A_1558, %sub3A_1560, %div3A_1539 : i32
        %rem3A_1562 = arith.constant 8 : i32
        %rem3A_1563 = arith.remsi %add3A_587, %rem3A_1562 : i32
        %mul3A_1564 = arith.constant 128 : i32
        %mul3A_1565 = arith.muli %rem3A_1563, %mul3A_1564 : i32
        %dma_start3A_1566 = arith.constant 4 : i32
        %dma_start3A_1567 = arith.constant 0 : i32
        %dma_start3A_1568 = arith.constant 0 : i32
        %dma_start3A_1569 = tpu.memref_slice %arg6[%dma_start3A_1566, %dma_start3A_1567, %dma_start3A_1568] : memref<8x128x64xf32, #tpu.memory_space<vmem>> -> memref<1x128x64xf32, #tpu.memory_space<vmem>>
        %dma_start3A_1570 = tpu.memref_squeeze %dma_start3A_1569 : memref<1x128x64xf32, #tpu.memory_space<vmem>> -> memref<128x64xf32, #tpu.memory_space<vmem>>
        %dma_start3A_1571 = tpu.memref_slice %arg5[%select_n3A_1561, %mul3A_1565] : memref<25x1024xi32, #tpu.memory_space<vmem>> -> memref<1x128xi32, #tpu.memory_space<vmem>>
        %dma_start3A_1572 = tpu.memref_squeeze %dma_start3A_1571 : memref<1x128xi32, #tpu.memory_space<vmem>> -> memref<128xi32, #tpu.memory_space<vmem>>
        %dma_start3A_1573 = arith.constant 0 : i32
        %dma_start3A_1574 = arith.constant 0 : i32
        %dma_start3A_1575 = tpu.memref_slice %arg2[%dma_start3A_1573, %dma_start3A_1574] : memref<100000x64xf32, #tpu.memory_space<hbm>> -> memref<100000x64xf32, #tpu.memory_space<hbm>>
        tpu.enqueue_indirect_dma source(%dma_start3A_1575 : memref<100000x64xf32, #tpu.memory_space<hbm>>) target(%dma_start3A_1570 : memref<128x64xf32, #tpu.memory_space<vmem>>) offsets(%dma_start3A_1572 : memref<128xi32, #tpu.memory_space<vmem>>) semaphore(%arg11 : memref<!tpu.dma_semaphore, #tpu.memory_space<semaphore_mem>>)
      } else {
      }
      %lt3A = arith.constant 1 : i32
      %lt3A_590 = arith.cmpi slt, %scan3A_470, %lt3A : i32
      %convert_element_type3A_591 = arith.extui %lt3A_590 : i1 to i32
      %cond3A_592 = arith.constant 0 : i32
      %cond3A_593 = arith.cmpi ne, %convert_element_type3A_591, %cond3A_592 : i32
      scf.if %cond3A_593 {
        %jit3A_1463 = arith.constant 8 : i32
        %div3A_1464 = arith.divsi %add3A_587, %jit3A_1463 : i32
        %sign3A_1465 = arith.constant 0 : i32
        %sign3A_1466 = arith.cmpi sgt, %add3A_587, %sign3A_1465 : i32
        %sign3A_1467 = arith.extui %sign3A_1466 : i1 to i32
        %sign3A_1468 = arith.constant 0 : i32
        %sign3A_1469 = arith.cmpi slt, %add3A_587, %sign3A_1468 : i32
        %sign3A_1470 = arith.extui %sign3A_1469 : i1 to i32
        %sign3A_1471 = arith.subi %sign3A_1467, %sign3A_1470 : i32
        %sign3A_1472 = arith.constant 0 : i32
        %sign3A_1473 = arith.cmpi sgt, %jit3A_1463, %sign3A_1472 : i32
        %sign3A_1474 = arith.extui %sign3A_1473 : i1 to i32
        %sign3A_1475 = arith.constant 0 : i32
        %sign3A_1476 = arith.cmpi slt, %jit3A_1463, %sign3A_1475 : i32
        %sign3A_1477 = arith.extui %sign3A_1476 : i1 to i32
        %sign3A_1478 = arith.subi %sign3A_1474, %sign3A_1477 : i32
        %ne3A_1479 = arith.cmpi ne, %sign3A_1471, %sign3A_1478 : i32
        %rem3A_1480 = arith.remsi %add3A_587, %jit3A_1463 : i32
        %ne3A_1481 = arith.constant 0 : i32
        %ne3A_1482 = arith.cmpi ne, %rem3A_1480, %ne3A_1481 : i32
        %and3A_1483 = arith.andi %ne3A_1479, %ne3A_1482 : i1
        %sub3A_1484 = arith.constant 1 : i32
        %sub3A_1485 = arith.subi %div3A_1464, %sub3A_1484 : i32
        %select_n3A_1486 = arith.select %and3A_1483, %sub3A_1485, %div3A_1464 : i32
        %rem3A_1487 = arith.constant 8 : i32
        %rem3A_1488 = arith.remsi %add3A_587, %rem3A_1487 : i32
        %mul3A_1489 = arith.constant 128 : i32
        %mul3A_1490 = arith.muli %rem3A_1488, %mul3A_1489 : i32
        %dma_start3A_1491 = arith.constant 4 : i32
        %dma_start3A_1492 = arith.constant 0 : i32
        %dma_start3A_1493 = arith.constant 0 : i32
        %dma_start3A_1494 = tpu.memref_slice %arg6[%dma_start3A_1491, %dma_start3A_1492, %dma_start3A_1493] : memref<8x128x64xf32, #tpu.memory_space<vmem>> -> memref<1x128x64xf32, #tpu.memory_space<vmem>>
        %dma_start3A_1495 = tpu.memref_squeeze %dma_start3A_1494 : memref<1x128x64xf32, #tpu.memory_space<vmem>> -> memref<128x64xf32, #tpu.memory_space<vmem>>
        %dma_start3A_1496 = tpu.memref_slice %arg5[%select_n3A_1486, %mul3A_1490] : memref<25x1024xi32, #tpu.memory_space<vmem>> -> memref<1x128xi32, #tpu.memory_space<vmem>>
        %dma_start3A_1497 = tpu.memref_squeeze %dma_start3A_1496 : memref<1x128xi32, #tpu.memory_space<vmem>> -> memref<128xi32, #tpu.memory_space<vmem>>
        %dma_start3A_1498 = arith.constant 0 : i32
        %dma_start3A_1499 = arith.constant 0 : i32
        %dma_start3A_1500 = tpu.memref_slice %arg2[%dma_start3A_1498, %dma_start3A_1499] : memref<100000x64xf32, #tpu.memory_space<hbm>> -> memref<100000x64xf32, #tpu.memory_space<hbm>>
        tpu.enqueue_indirect_dma source(%dma_start3A_1500 : memref<100000x64xf32, #tpu.memory_space<hbm>>) target(%dma_start3A_1495 : memref<128x64xf32, #tpu.memory_space<vmem>>) offsets(%dma_start3A_1497 : memref<128xi32, #tpu.memory_space<vmem>>) semaphore(%arg11 : memref<!tpu.dma_semaphore, #tpu.memory_space<semaphore_mem>>)
      } else {
      }
      %mul3A_594 = arith.constant 8 : i32
      %mul3A_595 = arith.muli %scan3A_470, %mul3A_594 : i32
      %add3A_596 = arith.constant 1 : i32
      %add3A_597 = arith.addi %mul3A_595, %add3A_596 : i32
      %jit3A_598 = arith.constant 8 : i32
      %div3A_599 = arith.divsi %add3A_597, %jit3A_598 : i32
      %sign3A_600 = arith.constant 0 : i32
      %sign3A_601 = arith.cmpi sgt, %add3A_597, %sign3A_600 : i32
      %sign3A_602 = arith.extui %sign3A_601 : i1 to i32
      %sign3A_603 = arith.constant 0 : i32
      %sign3A_604 = arith.cmpi slt, %add3A_597, %sign3A_603 : i32
      %sign3A_605 = arith.extui %sign3A_604 : i1 to i32
      %sign3A_606 = arith.subi %sign3A_602, %sign3A_605 : i32
      %sign3A_607 = arith.constant 0 : i32
      %sign3A_608 = arith.cmpi sgt, %jit3A_598, %sign3A_607 : i32
      %sign3A_609 = arith.extui %sign3A_608 : i1 to i32
      %sign3A_610 = arith.constant 0 : i32
      %sign3A_611 = arith.cmpi slt, %jit3A_598, %sign3A_610 : i32
      %sign3A_612 = arith.extui %sign3A_611 : i1 to i32
      %sign3A_613 = arith.subi %sign3A_609, %sign3A_612 : i32
      %ne3A_614 = arith.cmpi ne, %sign3A_606, %sign3A_613 : i32
      %rem3A_615 = arith.remsi %add3A_597, %jit3A_598 : i32
      %ne3A_616 = arith.constant 0 : i32
      %ne3A_617 = arith.cmpi ne, %rem3A_615, %ne3A_616 : i32
      %and3A_618 = arith.andi %ne3A_614, %ne3A_617 : i1
      %sub3A_619 = arith.constant 1 : i32
      %sub3A_620 = arith.subi %div3A_599, %sub3A_619 : i32
      %select_n3A_621 = arith.select %and3A_618, %sub3A_620, %div3A_599 : i32
      %rem3A_622 = arith.constant 8 : i32
      %rem3A_623 = arith.remsi %add3A_597, %rem3A_622 : i32
      %mul3A_624 = arith.constant 128 : i32
      %mul3A_625 = arith.muli %rem3A_623, %mul3A_624 : i32
      %dma_wait3A_626 = arith.constant 1 : i32
      %dma_wait3A_627 = arith.constant 0 : i32
      %dma_wait3A_628 = arith.constant 0 : i32
      %dma_wait3A_629 = tpu.memref_slice %arg6[%dma_wait3A_626, %dma_wait3A_627, %dma_wait3A_628] : memref<8x128x64xf32, #tpu.memory_space<vmem>> -> memref<1x128x64xf32, #tpu.memory_space<vmem>>
      %dma_wait3A_630 = tpu.memref_squeeze %dma_wait3A_629 : memref<1x128x64xf32, #tpu.memory_space<vmem>> -> memref<128x64xf32, #tpu.memory_space<vmem>>
      %dma_wait3A_631 = tpu.memref_slice %arg5[%select_n3A_621, %mul3A_625] : memref<25x1024xi32, #tpu.memory_space<vmem>> -> memref<1x128xi32, #tpu.memory_space<vmem>>
      %dma_wait3A_632 = tpu.memref_squeeze %dma_wait3A_631 : memref<1x128xi32, #tpu.memory_space<vmem>> -> memref<128xi32, #tpu.memory_space<vmem>>
      %dma_wait3A_633 = arith.constant 0 : i32
      %dma_wait3A_634 = arith.constant 0 : i32
      %dma_wait3A_635 = tpu.memref_slice %arg2[%dma_wait3A_633, %dma_wait3A_634] : memref<100000x64xf32, #tpu.memory_space<hbm>> -> memref<100000x64xf32, #tpu.memory_space<hbm>>
      tpu.wait_indirect_dma semaphore(%arg8 : memref<!tpu.dma_semaphore, #tpu.memory_space<semaphore_mem>>) src(%dma_wait3A_635 : memref<100000x64xf32, #tpu.memory_space<hbm>>) dst(%dma_wait3A_630 : memref<128x64xf32, #tpu.memory_space<vmem>>)
      %mul3A_636 = arith.constant 25 : i32
      %mul3A_637 = arith.muli %add3A, %mul3A_636 : i32
      %jit3A_638 = arith.constant 8 : i32
      %div3A_639 = arith.divsi %add3A_597, %jit3A_638 : i32
      %sign3A_640 = arith.constant 0 : i32
      %sign3A_641 = arith.cmpi sgt, %add3A_597, %sign3A_640 : i32
      %sign3A_642 = arith.extui %sign3A_641 : i1 to i32
      %sign3A_643 = arith.constant 0 : i32
      %sign3A_644 = arith.cmpi slt, %add3A_597, %sign3A_643 : i32
      %sign3A_645 = arith.extui %sign3A_644 : i1 to i32
      %sign3A_646 = arith.subi %sign3A_642, %sign3A_645 : i32
      %sign3A_647 = arith.constant 0 : i32
      %sign3A_648 = arith.cmpi sgt, %jit3A_638, %sign3A_647 : i32
      %sign3A_649 = arith.extui %sign3A_648 : i1 to i32
      %sign3A_650 = arith.constant 0 : i32
      %sign3A_651 = arith.cmpi slt, %jit3A_638, %sign3A_650 : i32
      %sign3A_652 = arith.extui %sign3A_651 : i1 to i32
      %sign3A_653 = arith.subi %sign3A_649, %sign3A_652 : i32
      %ne3A_654 = arith.cmpi ne, %sign3A_646, %sign3A_653 : i32
      %rem3A_655 = arith.remsi %add3A_597, %jit3A_638 : i32
      %ne3A_656 = arith.constant 0 : i32
      %ne3A_657 = arith.cmpi ne, %rem3A_655, %ne3A_656 : i32
      %and3A_658 = arith.andi %ne3A_654, %ne3A_657 : i1
      %sub3A_659 = arith.constant 1 : i32
      %sub3A_660 = arith.subi %div3A_639, %sub3A_659 : i32
      %select_n3A_661 = arith.select %and3A_658, %sub3A_660, %div3A_639 : i32
      %add3A_662 = arith.addi %mul3A_637, %select_n3A_661 : i32
      %jit3A_663 = arith.constant 32 : i32
      %div3A_664 = arith.divsi %add3A_662, %jit3A_663 : i32
      %sign3A_665 = arith.constant 0 : i32
      %sign3A_666 = arith.cmpi sgt, %add3A_662, %sign3A_665 : i32
      %sign3A_667 = arith.extui %sign3A_666 : i1 to i32
      %sign3A_668 = arith.constant 0 : i32
      %sign3A_669 = arith.cmpi slt, %add3A_662, %sign3A_668 : i32
      %sign3A_670 = arith.extui %sign3A_669 : i1 to i32
      %sign3A_671 = arith.subi %sign3A_667, %sign3A_670 : i32
      %sign3A_672 = arith.constant 0 : i32
      %sign3A_673 = arith.cmpi sgt, %jit3A_663, %sign3A_672 : i32
      %sign3A_674 = arith.extui %sign3A_673 : i1 to i32
      %sign3A_675 = arith.constant 0 : i32
      %sign3A_676 = arith.cmpi slt, %jit3A_663, %sign3A_675 : i32
      %sign3A_677 = arith.extui %sign3A_676 : i1 to i32
      %sign3A_678 = arith.subi %sign3A_674, %sign3A_677 : i32
      %ne3A_679 = arith.cmpi ne, %sign3A_671, %sign3A_678 : i32
      %rem3A_680 = arith.remsi %add3A_662, %jit3A_663 : i32
      %ne3A_681 = arith.constant 0 : i32
      %ne3A_682 = arith.cmpi ne, %rem3A_680, %ne3A_681 : i32
      %and3A_683 = arith.andi %ne3A_679, %ne3A_682 : i1
      %sub3A_684 = arith.constant 1 : i32
      %sub3A_685 = arith.subi %div3A_664, %sub3A_684 : i32
      %select_n3A_686 = arith.select %and3A_683, %sub3A_685, %div3A_664 : i32
      %rem3A_687 = arith.constant 32 : i32
      %rem3A_688 = arith.remsi %add3A_662, %rem3A_687 : i32
      %mul3A_689 = arith.constant 8 : i32
      %mul3A_690 = arith.muli %select_n3A_686, %mul3A_689 : i32
      %rem3A_691 = arith.constant 8 : i32
      %rem3A_692 = arith.remsi %add3A_597, %rem3A_691 : i32
      %add3A_693 = arith.addi %mul3A_690, %rem3A_692 : i32
      %mul3A_694 = arith.constant 128 : i32
      %mul3A_695 = arith.muli %rem3A_688, %mul3A_694 : i32
      %mul3A_696 = arith.constant 128 : i32
      %mul3A_697 = arith.muli %add3A_693, %mul3A_696 : i32
      %dma_start3A_698 = arith.constant 1 : i32
      %dma_start3A_699 = arith.constant 0 : i32
      %dma_start3A_700 = arith.constant 0 : i32
      %dma_start3A_701 = tpu.memref_slice %arg6[%dma_start3A_698, %dma_start3A_699, %dma_start3A_700] : memref<8x128x64xf32, #tpu.memory_space<vmem>> -> memref<1x128x64xf32, #tpu.memory_space<vmem>>
      %dma_start3A_702 = tpu.memref_squeeze %dma_start3A_701 : memref<1x128x64xf32, #tpu.memory_space<vmem>> -> memref<128x64xf32, #tpu.memory_space<vmem>>
      %dma_start3A_703 = tpu.memref_slice %arg4[%mul3A_695, %mul3A_697] : memref<4096x25600xf32, #tpu.memory_space<hbm>> -> memref<128x64xf32, #tpu.memory_space<hbm>>
      %dma_start3A_704 = tpu.memref_slice %arg4[%mul3A_695, %mul3A_697] : memref<4096x25600xf32, #tpu.memory_space<hbm>> -> memref<128x64xf32, #tpu.memory_space<hbm>>
      %dma_start3A_705 = arith.constant 0 : i32
      %dma_start3A_706 = arith.constant 0 : i32
      %dma_start3A_707 = tpu.memref_slice %arg6[%dma_start3A_698, %dma_start3A_705, %dma_start3A_706] : memref<8x128x64xf32, #tpu.memory_space<vmem>> -> memref<1x128x64xf32, #tpu.memory_space<vmem>>
      %dma_start3A_708 = tpu.memref_squeeze %dma_start3A_707 : memref<1x128x64xf32, #tpu.memory_space<vmem>> -> memref<128x64xf32, #tpu.memory_space<vmem>>
      tpu.enqueue_dma source(%dma_start3A_708 : memref<128x64xf32, #tpu.memory_space<vmem>>) target(%dma_start3A_704 : memref<128x64xf32, #tpu.memory_space<hbm>>) target_semaphore(%arg16 : memref<!tpu.dma_semaphore, #tpu.memory_space<semaphore_mem>>)
      %add3A_709 = arith.constant 4 : i32
      %add3A_710 = arith.addi %add3A_597, %add3A_709 : i32
      %ge3A_711 = arith.constant 1 : i32
      %ge3A_712 = arith.cmpi sge, %scan3A_470, %ge3A_711 : i32
      %convert_element_type3A_713 = arith.extui %ge3A_712 : i1 to i32
      %cond3A_714 = arith.constant 0 : i32
      %cond3A_715 = arith.cmpi ne, %convert_element_type3A_713, %cond3A_714 : i32
      scf.if %cond3A_715 {
        %sub3A_1463 = arith.constant 8 : i32
        %sub3A_1464 = arith.subi %add3A_710, %sub3A_1463 : i32
        %mul3A_1465 = arith.constant 25 : i32
        %mul3A_1466 = arith.muli %add3A, %mul3A_1465 : i32
        %jit3A_1467 = arith.constant 8 : i32
        %div3A_1468 = arith.divsi %sub3A_1464, %jit3A_1467 : i32
        %sign3A_1469 = arith.constant 0 : i32
        %sign3A_1470 = arith.cmpi sgt, %sub3A_1464, %sign3A_1469 : i32
        %sign3A_1471 = arith.extui %sign3A_1470 : i1 to i32
        %sign3A_1472 = arith.constant 0 : i32
        %sign3A_1473 = arith.cmpi slt, %sub3A_1464, %sign3A_1472 : i32
        %sign3A_1474 = arith.extui %sign3A_1473 : i1 to i32
        %sign3A_1475 = arith.subi %sign3A_1471, %sign3A_1474 : i32
        %sign3A_1476 = arith.constant 0 : i32
        %sign3A_1477 = arith.cmpi sgt, %jit3A_1467, %sign3A_1476 : i32
        %sign3A_1478 = arith.extui %sign3A_1477 : i1 to i32
        %sign3A_1479 = arith.constant 0 : i32
        %sign3A_1480 = arith.cmpi slt, %jit3A_1467, %sign3A_1479 : i32
        %sign3A_1481 = arith.extui %sign3A_1480 : i1 to i32
        %sign3A_1482 = arith.subi %sign3A_1478, %sign3A_1481 : i32
        %ne3A_1483 = arith.cmpi ne, %sign3A_1475, %sign3A_1482 : i32
        %rem3A_1484 = arith.remsi %sub3A_1464, %jit3A_1467 : i32
        %ne3A_1485 = arith.constant 0 : i32
        %ne3A_1486 = arith.cmpi ne, %rem3A_1484, %ne3A_1485 : i32
        %and3A_1487 = arith.andi %ne3A_1483, %ne3A_1486 : i1
        %sub3A_1488 = arith.constant 1 : i32
        %sub3A_1489 = arith.subi %div3A_1468, %sub3A_1488 : i32
        %select_n3A_1490 = arith.select %and3A_1487, %sub3A_1489, %div3A_1468 : i32
        %add3A_1491 = arith.addi %mul3A_1466, %select_n3A_1490 : i32
        %jit3A_1492 = arith.constant 32 : i32
        %div3A_1493 = arith.divsi %add3A_1491, %jit3A_1492 : i32
        %sign3A_1494 = arith.constant 0 : i32
        %sign3A_1495 = arith.cmpi sgt, %add3A_1491, %sign3A_1494 : i32
        %sign3A_1496 = arith.extui %sign3A_1495 : i1 to i32
        %sign3A_1497 = arith.constant 0 : i32
        %sign3A_1498 = arith.cmpi slt, %add3A_1491, %sign3A_1497 : i32
        %sign3A_1499 = arith.extui %sign3A_1498 : i1 to i32
        %sign3A_1500 = arith.subi %sign3A_1496, %sign3A_1499 : i32
        %sign3A_1501 = arith.constant 0 : i32
        %sign3A_1502 = arith.cmpi sgt, %jit3A_1492, %sign3A_1501 : i32
        %sign3A_1503 = arith.extui %sign3A_1502 : i1 to i32
        %sign3A_1504 = arith.constant 0 : i32
        %sign3A_1505 = arith.cmpi slt, %jit3A_1492, %sign3A_1504 : i32
        %sign3A_1506 = arith.extui %sign3A_1505 : i1 to i32
        %sign3A_1507 = arith.subi %sign3A_1503, %sign3A_1506 : i32
        %ne3A_1508 = arith.cmpi ne, %sign3A_1500, %sign3A_1507 : i32
        %rem3A_1509 = arith.remsi %add3A_1491, %jit3A_1492 : i32
        %ne3A_1510 = arith.constant 0 : i32
        %ne3A_1511 = arith.cmpi ne, %rem3A_1509, %ne3A_1510 : i32
        %and3A_1512 = arith.andi %ne3A_1508, %ne3A_1511 : i1
        %sub3A_1513 = arith.constant 1 : i32
        %sub3A_1514 = arith.subi %div3A_1493, %sub3A_1513 : i32
        %select_n3A_1515 = arith.select %and3A_1512, %sub3A_1514, %div3A_1493 : i32
        %rem3A_1516 = arith.constant 32 : i32
        %rem3A_1517 = arith.remsi %add3A_1491, %rem3A_1516 : i32
        %mul3A_1518 = arith.constant 8 : i32
        %mul3A_1519 = arith.muli %select_n3A_1515, %mul3A_1518 : i32
        %rem3A_1520 = arith.constant 8 : i32
        %rem3A_1521 = arith.remsi %sub3A_1464, %rem3A_1520 : i32
        %add3A_1522 = arith.addi %mul3A_1519, %rem3A_1521 : i32
        %mul3A_1523 = arith.constant 128 : i32
        %mul3A_1524 = arith.muli %rem3A_1517, %mul3A_1523 : i32
        %mul3A_1525 = arith.constant 128 : i32
        %mul3A_1526 = arith.muli %add3A_1522, %mul3A_1525 : i32
        %dma_wait3A_1527 = arith.constant 5 : i32
        %dma_wait3A_1528 = arith.constant 0 : i32
        %dma_wait3A_1529 = arith.constant 0 : i32
        %dma_wait3A_1530 = tpu.memref_slice %arg6[%dma_wait3A_1527, %dma_wait3A_1528, %dma_wait3A_1529] : memref<8x128x64xf32, #tpu.memory_space<vmem>> -> memref<1x128x64xf32, #tpu.memory_space<vmem>>
        %dma_wait3A_1531 = tpu.memref_squeeze %dma_wait3A_1530 : memref<1x128x64xf32, #tpu.memory_space<vmem>> -> memref<128x64xf32, #tpu.memory_space<vmem>>
        %dma_wait3A_1532 = tpu.memref_slice %arg4[%mul3A_1524, %mul3A_1526] : memref<4096x25600xf32, #tpu.memory_space<hbm>> -> memref<128x64xf32, #tpu.memory_space<hbm>>
        %dma_wait3A_1533 = tpu.memref_slice %arg4[%mul3A_1524, %mul3A_1526] : memref<4096x25600xf32, #tpu.memory_space<hbm>> -> memref<128x64xf32, #tpu.memory_space<hbm>>
        %dma_wait3A_1534 = arith.constant 0 : i32
        %dma_wait3A_1535 = arith.constant 0 : i32
        %dma_wait3A_1536 = tpu.memref_slice %arg6[%dma_wait3A_1527, %dma_wait3A_1534, %dma_wait3A_1535] : memref<8x128x64xf32, #tpu.memory_space<vmem>> -> memref<1x128x64xf32, #tpu.memory_space<vmem>>
        %dma_wait3A_1537 = tpu.memref_squeeze %dma_wait3A_1536 : memref<1x128x64xf32, #tpu.memory_space<vmem>> -> memref<128x64xf32, #tpu.memory_space<vmem>>
        tpu.wait_dma2 semaphore(%arg20 : memref<!tpu.dma_semaphore, #tpu.memory_space<semaphore_mem>>) src(%dma_wait3A_1537 : memref<128x64xf32, #tpu.memory_space<vmem>>) dst(%dma_wait3A_1533 : memref<128x64xf32, #tpu.memory_space<hbm>>)
        %jit3A_1538 = arith.constant 8 : i32
        %div3A_1539 = arith.divsi %add3A_710, %jit3A_1538 : i32
        %sign3A_1540 = arith.constant 0 : i32
        %sign3A_1541 = arith.cmpi sgt, %add3A_710, %sign3A_1540 : i32
        %sign3A_1542 = arith.extui %sign3A_1541 : i1 to i32
        %sign3A_1543 = arith.constant 0 : i32
        %sign3A_1544 = arith.cmpi slt, %add3A_710, %sign3A_1543 : i32
        %sign3A_1545 = arith.extui %sign3A_1544 : i1 to i32
        %sign3A_1546 = arith.subi %sign3A_1542, %sign3A_1545 : i32
        %sign3A_1547 = arith.constant 0 : i32
        %sign3A_1548 = arith.cmpi sgt, %jit3A_1538, %sign3A_1547 : i32
        %sign3A_1549 = arith.extui %sign3A_1548 : i1 to i32
        %sign3A_1550 = arith.constant 0 : i32
        %sign3A_1551 = arith.cmpi slt, %jit3A_1538, %sign3A_1550 : i32
        %sign3A_1552 = arith.extui %sign3A_1551 : i1 to i32
        %sign3A_1553 = arith.subi %sign3A_1549, %sign3A_1552 : i32
        %ne3A_1554 = arith.cmpi ne, %sign3A_1546, %sign3A_1553 : i32
        %rem3A_1555 = arith.remsi %add3A_710, %jit3A_1538 : i32
        %ne3A_1556 = arith.constant 0 : i32
        %ne3A_1557 = arith.cmpi ne, %rem3A_1555, %ne3A_1556 : i32
        %and3A_1558 = arith.andi %ne3A_1554, %ne3A_1557 : i1
        %sub3A_1559 = arith.constant 1 : i32
        %sub3A_1560 = arith.subi %div3A_1539, %sub3A_1559 : i32
        %select_n3A_1561 = arith.select %and3A_1558, %sub3A_1560, %div3A_1539 : i32
        %rem3A_1562 = arith.constant 8 : i32
        %rem3A_1563 = arith.remsi %add3A_710, %rem3A_1562 : i32
        %mul3A_1564 = arith.constant 128 : i32
        %mul3A_1565 = arith.muli %rem3A_1563, %mul3A_1564 : i32
        %dma_start3A_1566 = arith.constant 5 : i32
        %dma_start3A_1567 = arith.constant 0 : i32
        %dma_start3A_1568 = arith.constant 0 : i32
        %dma_start3A_1569 = tpu.memref_slice %arg6[%dma_start3A_1566, %dma_start3A_1567, %dma_start3A_1568] : memref<8x128x64xf32, #tpu.memory_space<vmem>> -> memref<1x128x64xf32, #tpu.memory_space<vmem>>
        %dma_start3A_1570 = tpu.memref_squeeze %dma_start3A_1569 : memref<1x128x64xf32, #tpu.memory_space<vmem>> -> memref<128x64xf32, #tpu.memory_space<vmem>>
        %dma_start3A_1571 = tpu.memref_slice %arg5[%select_n3A_1561, %mul3A_1565] : memref<25x1024xi32, #tpu.memory_space<vmem>> -> memref<1x128xi32, #tpu.memory_space<vmem>>
        %dma_start3A_1572 = tpu.memref_squeeze %dma_start3A_1571 : memref<1x128xi32, #tpu.memory_space<vmem>> -> memref<128xi32, #tpu.memory_space<vmem>>
        %dma_start3A_1573 = arith.constant 0 : i32
        %dma_start3A_1574 = arith.constant 0 : i32
        %dma_start3A_1575 = tpu.memref_slice %arg2[%dma_start3A_1573, %dma_start3A_1574] : memref<100000x64xf32, #tpu.memory_space<hbm>> -> memref<100000x64xf32, #tpu.memory_space<hbm>>
        tpu.enqueue_indirect_dma source(%dma_start3A_1575 : memref<100000x64xf32, #tpu.memory_space<hbm>>) target(%dma_start3A_1570 : memref<128x64xf32, #tpu.memory_space<vmem>>) offsets(%dma_start3A_1572 : memref<128xi32, #tpu.memory_space<vmem>>) semaphore(%arg12 : memref<!tpu.dma_semaphore, #tpu.memory_space<semaphore_mem>>)
      } else {
      }
      %lt3A_716 = arith.constant 1 : i32
      %lt3A_717 = arith.cmpi slt, %scan3A_470, %lt3A_716 : i32
      %convert_element_type3A_718 = arith.extui %lt3A_717 : i1 to i32
      %cond3A_719 = arith.constant 0 : i32
      %cond3A_720 = arith.cmpi ne, %convert_element_type3A_718, %cond3A_719 : i32
      scf.if %cond3A_720 {
        %jit3A_1463 = arith.constant 8 : i32
        %div3A_1464 = arith.divsi %add3A_710, %jit3A_1463 : i32
        %sign3A_1465 = arith.constant 0 : i32
        %sign3A_1466 = arith.cmpi sgt, %add3A_710, %sign3A_1465 : i32
        %sign3A_1467 = arith.extui %sign3A_1466 : i1 to i32
        %sign3A_1468 = arith.constant 0 : i32
        %sign3A_1469 = arith.cmpi slt, %add3A_710, %sign3A_1468 : i32
        %sign3A_1470 = arith.extui %sign3A_1469 : i1 to i32
        %sign3A_1471 = arith.subi %sign3A_1467, %sign3A_1470 : i32
        %sign3A_1472 = arith.constant 0 : i32
        %sign3A_1473 = arith.cmpi sgt, %jit3A_1463, %sign3A_1472 : i32
        %sign3A_1474 = arith.extui %sign3A_1473 : i1 to i32
        %sign3A_1475 = arith.constant 0 : i32
        %sign3A_1476 = arith.cmpi slt, %jit3A_1463, %sign3A_1475 : i32
        %sign3A_1477 = arith.extui %sign3A_1476 : i1 to i32
        %sign3A_1478 = arith.subi %sign3A_1474, %sign3A_1477 : i32
        %ne3A_1479 = arith.cmpi ne, %sign3A_1471, %sign3A_1478 : i32
        %rem3A_1480 = arith.remsi %add3A_710, %jit3A_1463 : i32
        %ne3A_1481 = arith.constant 0 : i32
        %ne3A_1482 = arith.cmpi ne, %rem3A_1480, %ne3A_1481 : i32
        %and3A_1483 = arith.andi %ne3A_1479, %ne3A_1482 : i1
        %sub3A_1484 = arith.constant 1 : i32
        %sub3A_1485 = arith.subi %div3A_1464, %sub3A_1484 : i32
        %select_n3A_1486 = arith.select %and3A_1483, %sub3A_1485, %div3A_1464 : i32
        %rem3A_1487 = arith.constant 8 : i32
        %rem3A_1488 = arith.remsi %add3A_710, %rem3A_1487 : i32
        %mul3A_1489 = arith.constant 128 : i32
        %mul3A_1490 = arith.muli %rem3A_1488, %mul3A_1489 : i32
        %dma_start3A_1491 = arith.constant 5 : i32
        %dma_start3A_1492 = arith.constant 0 : i32
        %dma_start3A_1493 = arith.constant 0 : i32
        %dma_start3A_1494 = tpu.memref_slice %arg6[%dma_start3A_1491, %dma_start3A_1492, %dma_start3A_1493] : memref<8x128x64xf32, #tpu.memory_space<vmem>> -> memref<1x128x64xf32, #tpu.memory_space<vmem>>
        %dma_start3A_1495 = tpu.memref_squeeze %dma_start3A_1494 : memref<1x128x64xf32, #tpu.memory_space<vmem>> -> memref<128x64xf32, #tpu.memory_space<vmem>>
        %dma_start3A_1496 = tpu.memref_slice %arg5[%select_n3A_1486, %mul3A_1490] : memref<25x1024xi32, #tpu.memory_space<vmem>> -> memref<1x128xi32, #tpu.memory_space<vmem>>
        %dma_start3A_1497 = tpu.memref_squeeze %dma_start3A_1496 : memref<1x128xi32, #tpu.memory_space<vmem>> -> memref<128xi32, #tpu.memory_space<vmem>>
        %dma_start3A_1498 = arith.constant 0 : i32
        %dma_start3A_1499 = arith.constant 0 : i32
        %dma_start3A_1500 = tpu.memref_slice %arg2[%dma_start3A_1498, %dma_start3A_1499] : memref<100000x64xf32, #tpu.memory_space<hbm>> -> memref<100000x64xf32, #tpu.memory_space<hbm>>
        tpu.enqueue_indirect_dma source(%dma_start3A_1500 : memref<100000x64xf32, #tpu.memory_space<hbm>>) target(%dma_start3A_1495 : memref<128x64xf32, #tpu.memory_space<vmem>>) offsets(%dma_start3A_1497 : memref<128xi32, #tpu.memory_space<vmem>>) semaphore(%arg12 : memref<!tpu.dma_semaphore, #tpu.memory_space<semaphore_mem>>)
      } else {
      }
      %mul3A_721 = arith.constant 8 : i32
      %mul3A_722 = arith.muli %scan3A_470, %mul3A_721 : i32
      %add3A_723 = arith.constant 2 : i32
      %add3A_724 = arith.addi %mul3A_722, %add3A_723 : i32
      %jit3A_725 = arith.constant 8 : i32
      %div3A_726 = arith.divsi %add3A_724, %jit3A_725 : i32
      %sign3A_727 = arith.constant 0 : i32
      %sign3A_728 = arith.cmpi sgt, %add3A_724, %sign3A_727 : i32
      %sign3A_729 = arith.extui %sign3A_728 : i1 to i32
      %sign3A_730 = arith.constant 0 : i32
      %sign3A_731 = arith.cmpi slt, %add3A_724, %sign3A_730 : i32
      %sign3A_732 = arith.extui %sign3A_731 : i1 to i32
      %sign3A_733 = arith.subi %sign3A_729, %sign3A_732 : i32
      %sign3A_734 = arith.constant 0 : i32
      %sign3A_735 = arith.cmpi sgt, %jit3A_725, %sign3A_734 : i32
      %sign3A_736 = arith.extui %sign3A_735 : i1 to i32
      %sign3A_737 = arith.constant 0 : i32
      %sign3A_738 = arith.cmpi slt, %jit3A_725, %sign3A_737 : i32
      %sign3A_739 = arith.extui %sign3A_738 : i1 to i32
      %sign3A_740 = arith.subi %sign3A_736, %sign3A_739 : i32
      %ne3A_741 = arith.cmpi ne, %sign3A_733, %sign3A_740 : i32
      %rem3A_742 = arith.remsi %add3A_724, %jit3A_725 : i32
      %ne3A_743 = arith.constant 0 : i32
      %ne3A_744 = arith.cmpi ne, %rem3A_742, %ne3A_743 : i32
      %and3A_745 = arith.andi %ne3A_741, %ne3A_744 : i1
      %sub3A_746 = arith.constant 1 : i32
      %sub3A_747 = arith.subi %div3A_726, %sub3A_746 : i32
      %select_n3A_748 = arith.select %and3A_745, %sub3A_747, %div3A_726 : i32
      %rem3A_749 = arith.constant 8 : i32
      %rem3A_750 = arith.remsi %add3A_724, %rem3A_749 : i32
      %mul3A_751 = arith.constant 128 : i32
      %mul3A_752 = arith.muli %rem3A_750, %mul3A_751 : i32
      %dma_wait3A_753 = arith.constant 2 : i32
      %dma_wait3A_754 = arith.constant 0 : i32
      %dma_wait3A_755 = arith.constant 0 : i32
      %dma_wait3A_756 = tpu.memref_slice %arg6[%dma_wait3A_753, %dma_wait3A_754, %dma_wait3A_755] : memref<8x128x64xf32, #tpu.memory_space<vmem>> -> memref<1x128x64xf32, #tpu.memory_space<vmem>>
      %dma_wait3A_757 = tpu.memref_squeeze %dma_wait3A_756 : memref<1x128x64xf32, #tpu.memory_space<vmem>> -> memref<128x64xf32, #tpu.memory_space<vmem>>
      %dma_wait3A_758 = tpu.memref_slice %arg5[%select_n3A_748, %mul3A_752] : memref<25x1024xi32, #tpu.memory_space<vmem>> -> memref<1x128xi32, #tpu.memory_space<vmem>>
      %dma_wait3A_759 = tpu.memref_squeeze %dma_wait3A_758 : memref<1x128xi32, #tpu.memory_space<vmem>> -> memref<128xi32, #tpu.memory_space<vmem>>
      %dma_wait3A_760 = arith.constant 0 : i32
      %dma_wait3A_761 = arith.constant 0 : i32
      %dma_wait3A_762 = tpu.memref_slice %arg2[%dma_wait3A_760, %dma_wait3A_761] : memref<100000x64xf32, #tpu.memory_space<hbm>> -> memref<100000x64xf32, #tpu.memory_space<hbm>>
      tpu.wait_indirect_dma semaphore(%arg9 : memref<!tpu.dma_semaphore, #tpu.memory_space<semaphore_mem>>) src(%dma_wait3A_762 : memref<100000x64xf32, #tpu.memory_space<hbm>>) dst(%dma_wait3A_757 : memref<128x64xf32, #tpu.memory_space<vmem>>)
      %mul3A_763 = arith.constant 25 : i32
      %mul3A_764 = arith.muli %add3A, %mul3A_763 : i32
      %jit3A_765 = arith.constant 8 : i32
      %div3A_766 = arith.divsi %add3A_724, %jit3A_765 : i32
      %sign3A_767 = arith.constant 0 : i32
      %sign3A_768 = arith.cmpi sgt, %add3A_724, %sign3A_767 : i32
      %sign3A_769 = arith.extui %sign3A_768 : i1 to i32
      %sign3A_770 = arith.constant 0 : i32
      %sign3A_771 = arith.cmpi slt, %add3A_724, %sign3A_770 : i32
      %sign3A_772 = arith.extui %sign3A_771 : i1 to i32
      %sign3A_773 = arith.subi %sign3A_769, %sign3A_772 : i32
      %sign3A_774 = arith.constant 0 : i32
      %sign3A_775 = arith.cmpi sgt, %jit3A_765, %sign3A_774 : i32
      %sign3A_776 = arith.extui %sign3A_775 : i1 to i32
      %sign3A_777 = arith.constant 0 : i32
      %sign3A_778 = arith.cmpi slt, %jit3A_765, %sign3A_777 : i32
      %sign3A_779 = arith.extui %sign3A_778 : i1 to i32
      %sign3A_780 = arith.subi %sign3A_776, %sign3A_779 : i32
      %ne3A_781 = arith.cmpi ne, %sign3A_773, %sign3A_780 : i32
      %rem3A_782 = arith.remsi %add3A_724, %jit3A_765 : i32
      %ne3A_783 = arith.constant 0 : i32
      %ne3A_784 = arith.cmpi ne, %rem3A_782, %ne3A_783 : i32
      %and3A_785 = arith.andi %ne3A_781, %ne3A_784 : i1
      %sub3A_786 = arith.constant 1 : i32
      %sub3A_787 = arith.subi %div3A_766, %sub3A_786 : i32
      %select_n3A_788 = arith.select %and3A_785, %sub3A_787, %div3A_766 : i32
      %add3A_789 = arith.addi %mul3A_764, %select_n3A_788 : i32
      %jit3A_790 = arith.constant 32 : i32
      %div3A_791 = arith.divsi %add3A_789, %jit3A_790 : i32
      %sign3A_792 = arith.constant 0 : i32
      %sign3A_793 = arith.cmpi sgt, %add3A_789, %sign3A_792 : i32
      %sign3A_794 = arith.extui %sign3A_793 : i1 to i32
      %sign3A_795 = arith.constant 0 : i32
      %sign3A_796 = arith.cmpi slt, %add3A_789, %sign3A_795 : i32
      %sign3A_797 = arith.extui %sign3A_796 : i1 to i32
      %sign3A_798 = arith.subi %sign3A_794, %sign3A_797 : i32
      %sign3A_799 = arith.constant 0 : i32
      %sign3A_800 = arith.cmpi sgt, %jit3A_790, %sign3A_799 : i32
      %sign3A_801 = arith.extui %sign3A_800 : i1 to i32
      %sign3A_802 = arith.constant 0 : i32
      %sign3A_803 = arith.cmpi slt, %jit3A_790, %sign3A_802 : i32
      %sign3A_804 = arith.extui %sign3A_803 : i1 to i32
      %sign3A_805 = arith.subi %sign3A_801, %sign3A_804 : i32
      %ne3A_806 = arith.cmpi ne, %sign3A_798, %sign3A_805 : i32
      %rem3A_807 = arith.remsi %add3A_789, %jit3A_790 : i32
      %ne3A_808 = arith.constant 0 : i32
      %ne3A_809 = arith.cmpi ne, %rem3A_807, %ne3A_808 : i32
      %and3A_810 = arith.andi %ne3A_806, %ne3A_809 : i1
      %sub3A_811 = arith.constant 1 : i32
      %sub3A_812 = arith.subi %div3A_791, %sub3A_811 : i32
      %select_n3A_813 = arith.select %and3A_810, %sub3A_812, %div3A_791 : i32
      %rem3A_814 = arith.constant 32 : i32
      %rem3A_815 = arith.remsi %add3A_789, %rem3A_814 : i32
      %mul3A_816 = arith.constant 8 : i32
      %mul3A_817 = arith.muli %select_n3A_813, %mul3A_816 : i32
      %rem3A_818 = arith.constant 8 : i32
      %rem3A_819 = arith.remsi %add3A_724, %rem3A_818 : i32
      %add3A_820 = arith.addi %mul3A_817, %rem3A_819 : i32
      %mul3A_821 = arith.constant 128 : i32
      %mul3A_822 = arith.muli %rem3A_815, %mul3A_821 : i32
      %mul3A_823 = arith.constant 128 : i32
      %mul3A_824 = arith.muli %add3A_820, %mul3A_823 : i32
      %dma_start3A_825 = arith.constant 2 : i32
      %dma_start3A_826 = arith.constant 0 : i32
      %dma_start3A_827 = arith.constant 0 : i32
      %dma_start3A_828 = tpu.memref_slice %arg6[%dma_start3A_825, %dma_start3A_826, %dma_start3A_827] : memref<8x128x64xf32, #tpu.memory_space<vmem>> -> memref<1x128x64xf32, #tpu.memory_space<vmem>>
      %dma_start3A_829 = tpu.memref_squeeze %dma_start3A_828 : memref<1x128x64xf32, #tpu.memory_space<vmem>> -> memref<128x64xf32, #tpu.memory_space<vmem>>
      %dma_start3A_830 = tpu.memref_slice %arg4[%mul3A_822, %mul3A_824] : memref<4096x25600xf32, #tpu.memory_space<hbm>> -> memref<128x64xf32, #tpu.memory_space<hbm>>
      %dma_start3A_831 = tpu.memref_slice %arg4[%mul3A_822, %mul3A_824] : memref<4096x25600xf32, #tpu.memory_space<hbm>> -> memref<128x64xf32, #tpu.memory_space<hbm>>
      %dma_start3A_832 = arith.constant 0 : i32
      %dma_start3A_833 = arith.constant 0 : i32
      %dma_start3A_834 = tpu.memref_slice %arg6[%dma_start3A_825, %dma_start3A_832, %dma_start3A_833] : memref<8x128x64xf32, #tpu.memory_space<vmem>> -> memref<1x128x64xf32, #tpu.memory_space<vmem>>
      %dma_start3A_835 = tpu.memref_squeeze %dma_start3A_834 : memref<1x128x64xf32, #tpu.memory_space<vmem>> -> memref<128x64xf32, #tpu.memory_space<vmem>>
      tpu.enqueue_dma source(%dma_start3A_835 : memref<128x64xf32, #tpu.memory_space<vmem>>) target(%dma_start3A_831 : memref<128x64xf32, #tpu.memory_space<hbm>>) target_semaphore(%arg17 : memref<!tpu.dma_semaphore, #tpu.memory_space<semaphore_mem>>)
      %add3A_836 = arith.constant 4 : i32
      %add3A_837 = arith.addi %add3A_724, %add3A_836 : i32
      %ge3A_838 = arith.constant 1 : i32
      %ge3A_839 = arith.cmpi sge, %scan3A_470, %ge3A_838 : i32
      %convert_element_type3A_840 = arith.extui %ge3A_839 : i1 to i32
      %cond3A_841 = arith.constant 0 : i32
      %cond3A_842 = arith.cmpi ne, %convert_element_type3A_840, %cond3A_841 : i32
      scf.if %cond3A_842 {
        %sub3A_1463 = arith.constant 8 : i32
        %sub3A_1464 = arith.subi %add3A_837, %sub3A_1463 : i32
        %mul3A_1465 = arith.constant 25 : i32
        %mul3A_1466 = arith.muli %add3A, %mul3A_1465 : i32
        %jit3A_1467 = arith.constant 8 : i32
        %div3A_1468 = arith.divsi %sub3A_1464, %jit3A_1467 : i32
        %sign3A_1469 = arith.constant 0 : i32
        %sign3A_1470 = arith.cmpi sgt, %sub3A_1464, %sign3A_1469 : i32
        %sign3A_1471 = arith.extui %sign3A_1470 : i1 to i32
        %sign3A_1472 = arith.constant 0 : i32
        %sign3A_1473 = arith.cmpi slt, %sub3A_1464, %sign3A_1472 : i32
        %sign3A_1474 = arith.extui %sign3A_1473 : i1 to i32
        %sign3A_1475 = arith.subi %sign3A_1471, %sign3A_1474 : i32
        %sign3A_1476 = arith.constant 0 : i32
        %sign3A_1477 = arith.cmpi sgt, %jit3A_1467, %sign3A_1476 : i32
        %sign3A_1478 = arith.extui %sign3A_1477 : i1 to i32
        %sign3A_1479 = arith.constant 0 : i32
        %sign3A_1480 = arith.cmpi slt, %jit3A_1467, %sign3A_1479 : i32
        %sign3A_1481 = arith.extui %sign3A_1480 : i1 to i32
        %sign3A_1482 = arith.subi %sign3A_1478, %sign3A_1481 : i32
        %ne3A_1483 = arith.cmpi ne, %sign3A_1475, %sign3A_1482 : i32
        %rem3A_1484 = arith.remsi %sub3A_1464, %jit3A_1467 : i32
        %ne3A_1485 = arith.constant 0 : i32
        %ne3A_1486 = arith.cmpi ne, %rem3A_1484, %ne3A_1485 : i32
        %and3A_1487 = arith.andi %ne3A_1483, %ne3A_1486 : i1
        %sub3A_1488 = arith.constant 1 : i32
        %sub3A_1489 = arith.subi %div3A_1468, %sub3A_1488 : i32
        %select_n3A_1490 = arith.select %and3A_1487, %sub3A_1489, %div3A_1468 : i32
        %add3A_1491 = arith.addi %mul3A_1466, %select_n3A_1490 : i32
        %jit3A_1492 = arith.constant 32 : i32
        %div3A_1493 = arith.divsi %add3A_1491, %jit3A_1492 : i32
        %sign3A_1494 = arith.constant 0 : i32
        %sign3A_1495 = arith.cmpi sgt, %add3A_1491, %sign3A_1494 : i32
        %sign3A_1496 = arith.extui %sign3A_1495 : i1 to i32
        %sign3A_1497 = arith.constant 0 : i32
        %sign3A_1498 = arith.cmpi slt, %add3A_1491, %sign3A_1497 : i32
        %sign3A_1499 = arith.extui %sign3A_1498 : i1 to i32
        %sign3A_1500 = arith.subi %sign3A_1496, %sign3A_1499 : i32
        %sign3A_1501 = arith.constant 0 : i32
        %sign3A_1502 = arith.cmpi sgt, %jit3A_1492, %sign3A_1501 : i32
        %sign3A_1503 = arith.extui %sign3A_1502 : i1 to i32
        %sign3A_1504 = arith.constant 0 : i32
        %sign3A_1505 = arith.cmpi slt, %jit3A_1492, %sign3A_1504 : i32
        %sign3A_1506 = arith.extui %sign3A_1505 : i1 to i32
        %sign3A_1507 = arith.subi %sign3A_1503, %sign3A_1506 : i32
        %ne3A_1508 = arith.cmpi ne, %sign3A_1500, %sign3A_1507 : i32
        %rem3A_1509 = arith.remsi %add3A_1491, %jit3A_1492 : i32
        %ne3A_1510 = arith.constant 0 : i32
        %ne3A_1511 = arith.cmpi ne, %rem3A_1509, %ne3A_1510 : i32
        %and3A_1512 = arith.andi %ne3A_1508, %ne3A_1511 : i1
        %sub3A_1513 = arith.constant 1 : i32
        %sub3A_1514 = arith.subi %div3A_1493, %sub3A_1513 : i32
        %select_n3A_1515 = arith.select %and3A_1512, %sub3A_1514, %div3A_1493 : i32
        %rem3A_1516 = arith.constant 32 : i32
        %rem3A_1517 = arith.remsi %add3A_1491, %rem3A_1516 : i32
        %mul3A_1518 = arith.constant 8 : i32
        %mul3A_1519 = arith.muli %select_n3A_1515, %mul3A_1518 : i32
        %rem3A_1520 = arith.constant 8 : i32
        %rem3A_1521 = arith.remsi %sub3A_1464, %rem3A_1520 : i32
        %add3A_1522 = arith.addi %mul3A_1519, %rem3A_1521 : i32
        %mul3A_1523 = arith.constant 128 : i32
        %mul3A_1524 = arith.muli %rem3A_1517, %mul3A_1523 : i32
        %mul3A_1525 = arith.constant 128 : i32
        %mul3A_1526 = arith.muli %add3A_1522, %mul3A_1525 : i32
        %dma_wait3A_1527 = arith.constant 6 : i32
        %dma_wait3A_1528 = arith.constant 0 : i32
        %dma_wait3A_1529 = arith.constant 0 : i32
        %dma_wait3A_1530 = tpu.memref_slice %arg6[%dma_wait3A_1527, %dma_wait3A_1528, %dma_wait3A_1529] : memref<8x128x64xf32, #tpu.memory_space<vmem>> -> memref<1x128x64xf32, #tpu.memory_space<vmem>>
        %dma_wait3A_1531 = tpu.memref_squeeze %dma_wait3A_1530 : memref<1x128x64xf32, #tpu.memory_space<vmem>> -> memref<128x64xf32, #tpu.memory_space<vmem>>
        %dma_wait3A_1532 = tpu.memref_slice %arg4[%mul3A_1524, %mul3A_1526] : memref<4096x25600xf32, #tpu.memory_space<hbm>> -> memref<128x64xf32, #tpu.memory_space<hbm>>
        %dma_wait3A_1533 = tpu.memref_slice %arg4[%mul3A_1524, %mul3A_1526] : memref<4096x25600xf32, #tpu.memory_space<hbm>> -> memref<128x64xf32, #tpu.memory_space<hbm>>
        %dma_wait3A_1534 = arith.constant 0 : i32
        %dma_wait3A_1535 = arith.constant 0 : i32
        %dma_wait3A_1536 = tpu.memref_slice %arg6[%dma_wait3A_1527, %dma_wait3A_1534, %dma_wait3A_1535] : memref<8x128x64xf32, #tpu.memory_space<vmem>> -> memref<1x128x64xf32, #tpu.memory_space<vmem>>
        %dma_wait3A_1537 = tpu.memref_squeeze %dma_wait3A_1536 : memref<1x128x64xf32, #tpu.memory_space<vmem>> -> memref<128x64xf32, #tpu.memory_space<vmem>>
        tpu.wait_dma2 semaphore(%arg21 : memref<!tpu.dma_semaphore, #tpu.memory_space<semaphore_mem>>) src(%dma_wait3A_1537 : memref<128x64xf32, #tpu.memory_space<vmem>>) dst(%dma_wait3A_1533 : memref<128x64xf32, #tpu.memory_space<hbm>>)
        %jit3A_1538 = arith.constant 8 : i32
        %div3A_1539 = arith.divsi %add3A_837, %jit3A_1538 : i32
        %sign3A_1540 = arith.constant 0 : i32
        %sign3A_1541 = arith.cmpi sgt, %add3A_837, %sign3A_1540 : i32
        %sign3A_1542 = arith.extui %sign3A_1541 : i1 to i32
        %sign3A_1543 = arith.constant 0 : i32
        %sign3A_1544 = arith.cmpi slt, %add3A_837, %sign3A_1543 : i32
        %sign3A_1545 = arith.extui %sign3A_1544 : i1 to i32
        %sign3A_1546 = arith.subi %sign3A_1542, %sign3A_1545 : i32
        %sign3A_1547 = arith.constant 0 : i32
        %sign3A_1548 = arith.cmpi sgt, %jit3A_1538, %sign3A_1547 : i32
        %sign3A_1549 = arith.extui %sign3A_1548 : i1 to i32
        %sign3A_1550 = arith.constant 0 : i32
        %sign3A_1551 = arith.cmpi slt, %jit3A_1538, %sign3A_1550 : i32
        %sign3A_1552 = arith.extui %sign3A_1551 : i1 to i32
        %sign3A_1553 = arith.subi %sign3A_1549, %sign3A_1552 : i32
        %ne3A_1554 = arith.cmpi ne, %sign3A_1546, %sign3A_1553 : i32
        %rem3A_1555 = arith.remsi %add3A_837, %jit3A_1538 : i32
        %ne3A_1556 = arith.constant 0 : i32
        %ne3A_1557 = arith.cmpi ne, %rem3A_1555, %ne3A_1556 : i32
        %and3A_1558 = arith.andi %ne3A_1554, %ne3A_1557 : i1
        %sub3A_1559 = arith.constant 1 : i32
        %sub3A_1560 = arith.subi %div3A_1539, %sub3A_1559 : i32
        %select_n3A_1561 = arith.select %and3A_1558, %sub3A_1560, %div3A_1539 : i32
        %rem3A_1562 = arith.constant 8 : i32
        %rem3A_1563 = arith.remsi %add3A_837, %rem3A_1562 : i32
        %mul3A_1564 = arith.constant 128 : i32
        %mul3A_1565 = arith.muli %rem3A_1563, %mul3A_1564 : i32
        %dma_start3A_1566 = arith.constant 6 : i32
        %dma_start3A_1567 = arith.constant 0 : i32
        %dma_start3A_1568 = arith.constant 0 : i32
        %dma_start3A_1569 = tpu.memref_slice %arg6[%dma_start3A_1566, %dma_start3A_1567, %dma_start3A_1568] : memref<8x128x64xf32, #tpu.memory_space<vmem>> -> memref<1x128x64xf32, #tpu.memory_space<vmem>>
        %dma_start3A_1570 = tpu.memref_squeeze %dma_start3A_1569 : memref<1x128x64xf32, #tpu.memory_space<vmem>> -> memref<128x64xf32, #tpu.memory_space<vmem>>
        %dma_start3A_1571 = tpu.memref_slice %arg5[%select_n3A_1561, %mul3A_1565] : memref<25x1024xi32, #tpu.memory_space<vmem>> -> memref<1x128xi32, #tpu.memory_space<vmem>>
        %dma_start3A_1572 = tpu.memref_squeeze %dma_start3A_1571 : memref<1x128xi32, #tpu.memory_space<vmem>> -> memref<128xi32, #tpu.memory_space<vmem>>
        %dma_start3A_1573 = arith.constant 0 : i32
        %dma_start3A_1574 = arith.constant 0 : i32
        %dma_start3A_1575 = tpu.memref_slice %arg2[%dma_start3A_1573, %dma_start3A_1574] : memref<100000x64xf32, #tpu.memory_space<hbm>> -> memref<100000x64xf32, #tpu.memory_space<hbm>>
        tpu.enqueue_indirect_dma source(%dma_start3A_1575 : memref<100000x64xf32, #tpu.memory_space<hbm>>) target(%dma_start3A_1570 : memref<128x64xf32, #tpu.memory_space<vmem>>) offsets(%dma_start3A_1572 : memref<128xi32, #tpu.memory_space<vmem>>) semaphore(%arg13 : memref<!tpu.dma_semaphore, #tpu.memory_space<semaphore_mem>>)
      } else {
      }
      %lt3A_843 = arith.constant 1 : i32
      %lt3A_844 = arith.cmpi slt, %scan3A_470, %lt3A_843 : i32
      %convert_element_type3A_845 = arith.extui %lt3A_844 : i1 to i32
      %cond3A_846 = arith.constant 0 : i32
      %cond3A_847 = arith.cmpi ne, %convert_element_type3A_845, %cond3A_846 : i32
      scf.if %cond3A_847 {
        %jit3A_1463 = arith.constant 8 : i32
        %div3A_1464 = arith.divsi %add3A_837, %jit3A_1463 : i32
        %sign3A_1465 = arith.constant 0 : i32
        %sign3A_1466 = arith.cmpi sgt, %add3A_837, %sign3A_1465 : i32
        %sign3A_1467 = arith.extui %sign3A_1466 : i1 to i32
        %sign3A_1468 = arith.constant 0 : i32
        %sign3A_1469 = arith.cmpi slt, %add3A_837, %sign3A_1468 : i32
        %sign3A_1470 = arith.extui %sign3A_1469 : i1 to i32
        %sign3A_1471 = arith.subi %sign3A_1467, %sign3A_1470 : i32
        %sign3A_1472 = arith.constant 0 : i32
        %sign3A_1473 = arith.cmpi sgt, %jit3A_1463, %sign3A_1472 : i32
        %sign3A_1474 = arith.extui %sign3A_1473 : i1 to i32
        %sign3A_1475 = arith.constant 0 : i32
        %sign3A_1476 = arith.cmpi slt, %jit3A_1463, %sign3A_1475 : i32
        %sign3A_1477 = arith.extui %sign3A_1476 : i1 to i32
        %sign3A_1478 = arith.subi %sign3A_1474, %sign3A_1477 : i32
        %ne3A_1479 = arith.cmpi ne, %sign3A_1471, %sign3A_1478 : i32
        %rem3A_1480 = arith.remsi %add3A_837, %jit3A_1463 : i32
        %ne3A_1481 = arith.constant 0 : i32
        %ne3A_1482 = arith.cmpi ne, %rem3A_1480, %ne3A_1481 : i32
        %and3A_1483 = arith.andi %ne3A_1479, %ne3A_1482 : i1
        %sub3A_1484 = arith.constant 1 : i32
        %sub3A_1485 = arith.subi %div3A_1464, %sub3A_1484 : i32
        %select_n3A_1486 = arith.select %and3A_1483, %sub3A_1485, %div3A_1464 : i32
        %rem3A_1487 = arith.constant 8 : i32
        %rem3A_1488 = arith.remsi %add3A_837, %rem3A_1487 : i32
        %mul3A_1489 = arith.constant 128 : i32
        %mul3A_1490 = arith.muli %rem3A_1488, %mul3A_1489 : i32
        %dma_start3A_1491 = arith.constant 6 : i32
        %dma_start3A_1492 = arith.constant 0 : i32
        %dma_start3A_1493 = arith.constant 0 : i32
        %dma_start3A_1494 = tpu.memref_slice %arg6[%dma_start3A_1491, %dma_start3A_1492, %dma_start3A_1493] : memref<8x128x64xf32, #tpu.memory_space<vmem>> -> memref<1x128x64xf32, #tpu.memory_space<vmem>>
        %dma_start3A_1495 = tpu.memref_squeeze %dma_start3A_1494 : memref<1x128x64xf32, #tpu.memory_space<vmem>> -> memref<128x64xf32, #tpu.memory_space<vmem>>
        %dma_start3A_1496 = tpu.memref_slice %arg5[%select_n3A_1486, %mul3A_1490] : memref<25x1024xi32, #tpu.memory_space<vmem>> -> memref<1x128xi32, #tpu.memory_space<vmem>>
        %dma_start3A_1497 = tpu.memref_squeeze %dma_start3A_1496 : memref<1x128xi32, #tpu.memory_space<vmem>> -> memref<128xi32, #tpu.memory_space<vmem>>
        %dma_start3A_1498 = arith.constant 0 : i32
        %dma_start3A_1499 = arith.constant 0 : i32
        %dma_start3A_1500 = tpu.memref_slice %arg2[%dma_start3A_1498, %dma_start3A_1499] : memref<100000x64xf32, #tpu.memory_space<hbm>> -> memref<100000x64xf32, #tpu.memory_space<hbm>>
        tpu.enqueue_indirect_dma source(%dma_start3A_1500 : memref<100000x64xf32, #tpu.memory_space<hbm>>) target(%dma_start3A_1495 : memref<128x64xf32, #tpu.memory_space<vmem>>) offsets(%dma_start3A_1497 : memref<128xi32, #tpu.memory_space<vmem>>) semaphore(%arg13 : memref<!tpu.dma_semaphore, #tpu.memory_space<semaphore_mem>>)
      } else {
      }
      %mul3A_848 = arith.constant 8 : i32
      %mul3A_849 = arith.muli %scan3A_470, %mul3A_848 : i32
      %add3A_850 = arith.constant 3 : i32
      %add3A_851 = arith.addi %mul3A_849, %add3A_850 : i32
      %jit3A_852 = arith.constant 8 : i32
      %div3A_853 = arith.divsi %add3A_851, %jit3A_852 : i32
      %sign3A_854 = arith.constant 0 : i32
      %sign3A_855 = arith.cmpi sgt, %add3A_851, %sign3A_854 : i32
      %sign3A_856 = arith.extui %sign3A_855 : i1 to i32
      %sign3A_857 = arith.constant 0 : i32
      %sign3A_858 = arith.cmpi slt, %add3A_851, %sign3A_857 : i32
      %sign3A_859 = arith.extui %sign3A_858 : i1 to i32
      %sign3A_860 = arith.subi %sign3A_856, %sign3A_859 : i32
      %sign3A_861 = arith.constant 0 : i32
      %sign3A_862 = arith.cmpi sgt, %jit3A_852, %sign3A_861 : i32
      %sign3A_863 = arith.extui %sign3A_862 : i1 to i32
      %sign3A_864 = arith.constant 0 : i32
      %sign3A_865 = arith.cmpi slt, %jit3A_852, %sign3A_864 : i32
      %sign3A_866 = arith.extui %sign3A_865 : i1 to i32
      %sign3A_867 = arith.subi %sign3A_863, %sign3A_866 : i32
      %ne3A_868 = arith.cmpi ne, %sign3A_860, %sign3A_867 : i32
      %rem3A_869 = arith.remsi %add3A_851, %jit3A_852 : i32
      %ne3A_870 = arith.constant 0 : i32
      %ne3A_871 = arith.cmpi ne, %rem3A_869, %ne3A_870 : i32
      %and3A_872 = arith.andi %ne3A_868, %ne3A_871 : i1
      %sub3A_873 = arith.constant 1 : i32
      %sub3A_874 = arith.subi %div3A_853, %sub3A_873 : i32
      %select_n3A_875 = arith.select %and3A_872, %sub3A_874, %div3A_853 : i32
      %rem3A_876 = arith.constant 8 : i32
      %rem3A_877 = arith.remsi %add3A_851, %rem3A_876 : i32
      %mul3A_878 = arith.constant 128 : i32
      %mul3A_879 = arith.muli %rem3A_877, %mul3A_878 : i32
      %dma_wait3A_880 = arith.constant 3 : i32
      %dma_wait3A_881 = arith.constant 0 : i32
      %dma_wait3A_882 = arith.constant 0 : i32
      %dma_wait3A_883 = tpu.memref_slice %arg6[%dma_wait3A_880, %dma_wait3A_881, %dma_wait3A_882] : memref<8x128x64xf32, #tpu.memory_space<vmem>> -> memref<1x128x64xf32, #tpu.memory_space<vmem>>
      %dma_wait3A_884 = tpu.memref_squeeze %dma_wait3A_883 : memref<1x128x64xf32, #tpu.memory_space<vmem>> -> memref<128x64xf32, #tpu.memory_space<vmem>>
      %dma_wait3A_885 = tpu.memref_slice %arg5[%select_n3A_875, %mul3A_879] : memref<25x1024xi32, #tpu.memory_space<vmem>> -> memref<1x128xi32, #tpu.memory_space<vmem>>
      %dma_wait3A_886 = tpu.memref_squeeze %dma_wait3A_885 : memref<1x128xi32, #tpu.memory_space<vmem>> -> memref<128xi32, #tpu.memory_space<vmem>>
      %dma_wait3A_887 = arith.constant 0 : i32
      %dma_wait3A_888 = arith.constant 0 : i32
      %dma_wait3A_889 = tpu.memref_slice %arg2[%dma_wait3A_887, %dma_wait3A_888] : memref<100000x64xf32, #tpu.memory_space<hbm>> -> memref<100000x64xf32, #tpu.memory_space<hbm>>
      tpu.wait_indirect_dma semaphore(%arg10 : memref<!tpu.dma_semaphore, #tpu.memory_space<semaphore_mem>>) src(%dma_wait3A_889 : memref<100000x64xf32, #tpu.memory_space<hbm>>) dst(%dma_wait3A_884 : memref<128x64xf32, #tpu.memory_space<vmem>>)
      %mul3A_890 = arith.constant 25 : i32
      %mul3A_891 = arith.muli %add3A, %mul3A_890 : i32
      %jit3A_892 = arith.constant 8 : i32
      %div3A_893 = arith.divsi %add3A_851, %jit3A_892 : i32
      %sign3A_894 = arith.constant 0 : i32
      %sign3A_895 = arith.cmpi sgt, %add3A_851, %sign3A_894 : i32
      %sign3A_896 = arith.extui %sign3A_895 : i1 to i32
      %sign3A_897 = arith.constant 0 : i32
      %sign3A_898 = arith.cmpi slt, %add3A_851, %sign3A_897 : i32
      %sign3A_899 = arith.extui %sign3A_898 : i1 to i32
      %sign3A_900 = arith.subi %sign3A_896, %sign3A_899 : i32
      %sign3A_901 = arith.constant 0 : i32
      %sign3A_902 = arith.cmpi sgt, %jit3A_892, %sign3A_901 : i32
      %sign3A_903 = arith.extui %sign3A_902 : i1 to i32
      %sign3A_904 = arith.constant 0 : i32
      %sign3A_905 = arith.cmpi slt, %jit3A_892, %sign3A_904 : i32
      %sign3A_906 = arith.extui %sign3A_905 : i1 to i32
      %sign3A_907 = arith.subi %sign3A_903, %sign3A_906 : i32
      %ne3A_908 = arith.cmpi ne, %sign3A_900, %sign3A_907 : i32
      %rem3A_909 = arith.remsi %add3A_851, %jit3A_892 : i32
      %ne3A_910 = arith.constant 0 : i32
      %ne3A_911 = arith.cmpi ne, %rem3A_909, %ne3A_910 : i32
      %and3A_912 = arith.andi %ne3A_908, %ne3A_911 : i1
      %sub3A_913 = arith.constant 1 : i32
      %sub3A_914 = arith.subi %div3A_893, %sub3A_913 : i32
      %select_n3A_915 = arith.select %and3A_912, %sub3A_914, %div3A_893 : i32
      %add3A_916 = arith.addi %mul3A_891, %select_n3A_915 : i32
      %jit3A_917 = arith.constant 32 : i32
      %div3A_918 = arith.divsi %add3A_916, %jit3A_917 : i32
      %sign3A_919 = arith.constant 0 : i32
      %sign3A_920 = arith.cmpi sgt, %add3A_916, %sign3A_919 : i32
      %sign3A_921 = arith.extui %sign3A_920 : i1 to i32
      %sign3A_922 = arith.constant 0 : i32
      %sign3A_923 = arith.cmpi slt, %add3A_916, %sign3A_922 : i32
      %sign3A_924 = arith.extui %sign3A_923 : i1 to i32
      %sign3A_925 = arith.subi %sign3A_921, %sign3A_924 : i32
      %sign3A_926 = arith.constant 0 : i32
      %sign3A_927 = arith.cmpi sgt, %jit3A_917, %sign3A_926 : i32
      %sign3A_928 = arith.extui %sign3A_927 : i1 to i32
      %sign3A_929 = arith.constant 0 : i32
      %sign3A_930 = arith.cmpi slt, %jit3A_917, %sign3A_929 : i32
      %sign3A_931 = arith.extui %sign3A_930 : i1 to i32
      %sign3A_932 = arith.subi %sign3A_928, %sign3A_931 : i32
      %ne3A_933 = arith.cmpi ne, %sign3A_925, %sign3A_932 : i32
      %rem3A_934 = arith.remsi %add3A_916, %jit3A_917 : i32
      %ne3A_935 = arith.constant 0 : i32
      %ne3A_936 = arith.cmpi ne, %rem3A_934, %ne3A_935 : i32
      %and3A_937 = arith.andi %ne3A_933, %ne3A_936 : i1
      %sub3A_938 = arith.constant 1 : i32
      %sub3A_939 = arith.subi %div3A_918, %sub3A_938 : i32
      %select_n3A_940 = arith.select %and3A_937, %sub3A_939, %div3A_918 : i32
      %rem3A_941 = arith.constant 32 : i32
      %rem3A_942 = arith.remsi %add3A_916, %rem3A_941 : i32
      %mul3A_943 = arith.constant 8 : i32
      %mul3A_944 = arith.muli %select_n3A_940, %mul3A_943 : i32
      %rem3A_945 = arith.constant 8 : i32
      %rem3A_946 = arith.remsi %add3A_851, %rem3A_945 : i32
      %add3A_947 = arith.addi %mul3A_944, %rem3A_946 : i32
      %mul3A_948 = arith.constant 128 : i32
      %mul3A_949 = arith.muli %rem3A_942, %mul3A_948 : i32
      %mul3A_950 = arith.constant 128 : i32
      %mul3A_951 = arith.muli %add3A_947, %mul3A_950 : i32
      %dma_start3A_952 = arith.constant 3 : i32
      %dma_start3A_953 = arith.constant 0 : i32
      %dma_start3A_954 = arith.constant 0 : i32
      %dma_start3A_955 = tpu.memref_slice %arg6[%dma_start3A_952, %dma_start3A_953, %dma_start3A_954] : memref<8x128x64xf32, #tpu.memory_space<vmem>> -> memref<1x128x64xf32, #tpu.memory_space<vmem>>
      %dma_start3A_956 = tpu.memref_squeeze %dma_start3A_955 : memref<1x128x64xf32, #tpu.memory_space<vmem>> -> memref<128x64xf32, #tpu.memory_space<vmem>>
      %dma_start3A_957 = tpu.memref_slice %arg4[%mul3A_949, %mul3A_951] : memref<4096x25600xf32, #tpu.memory_space<hbm>> -> memref<128x64xf32, #tpu.memory_space<hbm>>
      %dma_start3A_958 = tpu.memref_slice %arg4[%mul3A_949, %mul3A_951] : memref<4096x25600xf32, #tpu.memory_space<hbm>> -> memref<128x64xf32, #tpu.memory_space<hbm>>
      %dma_start3A_959 = arith.constant 0 : i32
      %dma_start3A_960 = arith.constant 0 : i32
      %dma_start3A_961 = tpu.memref_slice %arg6[%dma_start3A_952, %dma_start3A_959, %dma_start3A_960] : memref<8x128x64xf32, #tpu.memory_space<vmem>> -> memref<1x128x64xf32, #tpu.memory_space<vmem>>
      %dma_start3A_962 = tpu.memref_squeeze %dma_start3A_961 : memref<1x128x64xf32, #tpu.memory_space<vmem>> -> memref<128x64xf32, #tpu.memory_space<vmem>>
      tpu.enqueue_dma source(%dma_start3A_962 : memref<128x64xf32, #tpu.memory_space<vmem>>) target(%dma_start3A_958 : memref<128x64xf32, #tpu.memory_space<hbm>>) target_semaphore(%arg18 : memref<!tpu.dma_semaphore, #tpu.memory_space<semaphore_mem>>)
      %add3A_963 = arith.constant 4 : i32
      %add3A_964 = arith.addi %add3A_851, %add3A_963 : i32
      %ge3A_965 = arith.constant 1 : i32
      %ge3A_966 = arith.cmpi sge, %scan3A_470, %ge3A_965 : i32
      %convert_element_type3A_967 = arith.extui %ge3A_966 : i1 to i32
      %cond3A_968 = arith.constant 0 : i32
      %cond3A_969 = arith.cmpi ne, %convert_element_type3A_967, %cond3A_968 : i32
      scf.if %cond3A_969 {
        %sub3A_1463 = arith.constant 8 : i32
        %sub3A_1464 = arith.subi %add3A_964, %sub3A_1463 : i32
        %mul3A_1465 = arith.constant 25 : i32
        %mul3A_1466 = arith.muli %add3A, %mul3A_1465 : i32
        %jit3A_1467 = arith.constant 8 : i32
        %div3A_1468 = arith.divsi %sub3A_1464, %jit3A_1467 : i32
        %sign3A_1469 = arith.constant 0 : i32
        %sign3A_1470 = arith.cmpi sgt, %sub3A_1464, %sign3A_1469 : i32
        %sign3A_1471 = arith.extui %sign3A_1470 : i1 to i32
        %sign3A_1472 = arith.constant 0 : i32
        %sign3A_1473 = arith.cmpi slt, %sub3A_1464, %sign3A_1472 : i32
        %sign3A_1474 = arith.extui %sign3A_1473 : i1 to i32
        %sign3A_1475 = arith.subi %sign3A_1471, %sign3A_1474 : i32
        %sign3A_1476 = arith.constant 0 : i32
        %sign3A_1477 = arith.cmpi sgt, %jit3A_1467, %sign3A_1476 : i32
        %sign3A_1478 = arith.extui %sign3A_1477 : i1 to i32
        %sign3A_1479 = arith.constant 0 : i32
        %sign3A_1480 = arith.cmpi slt, %jit3A_1467, %sign3A_1479 : i32
        %sign3A_1481 = arith.extui %sign3A_1480 : i1 to i32
        %sign3A_1482 = arith.subi %sign3A_1478, %sign3A_1481 : i32
        %ne3A_1483 = arith.cmpi ne, %sign3A_1475, %sign3A_1482 : i32
        %rem3A_1484 = arith.remsi %sub3A_1464, %jit3A_1467 : i32
        %ne3A_1485 = arith.constant 0 : i32
        %ne3A_1486 = arith.cmpi ne, %rem3A_1484, %ne3A_1485 : i32
        %and3A_1487 = arith.andi %ne3A_1483, %ne3A_1486 : i1
        %sub3A_1488 = arith.constant 1 : i32
        %sub3A_1489 = arith.subi %div3A_1468, %sub3A_1488 : i32
        %select_n3A_1490 = arith.select %and3A_1487, %sub3A_1489, %div3A_1468 : i32
        %add3A_1491 = arith.addi %mul3A_1466, %select_n3A_1490 : i32
        %jit3A_1492 = arith.constant 32 : i32
        %div3A_1493 = arith.divsi %add3A_1491, %jit3A_1492 : i32
        %sign3A_1494 = arith.constant 0 : i32
        %sign3A_1495 = arith.cmpi sgt, %add3A_1491, %sign3A_1494 : i32
        %sign3A_1496 = arith.extui %sign3A_1495 : i1 to i32
        %sign3A_1497 = arith.constant 0 : i32
        %sign3A_1498 = arith.cmpi slt, %add3A_1491, %sign3A_1497 : i32
        %sign3A_1499 = arith.extui %sign3A_1498 : i1 to i32
        %sign3A_1500 = arith.subi %sign3A_1496, %sign3A_1499 : i32
        %sign3A_1501 = arith.constant 0 : i32
        %sign3A_1502 = arith.cmpi sgt, %jit3A_1492, %sign3A_1501 : i32
        %sign3A_1503 = arith.extui %sign3A_1502 : i1 to i32
        %sign3A_1504 = arith.constant 0 : i32
        %sign3A_1505 = arith.cmpi slt, %jit3A_1492, %sign3A_1504 : i32
        %sign3A_1506 = arith.extui %sign3A_1505 : i1 to i32
        %sign3A_1507 = arith.subi %sign3A_1503, %sign3A_1506 : i32
        %ne3A_1508 = arith.cmpi ne, %sign3A_1500, %sign3A_1507 : i32
        %rem3A_1509 = arith.remsi %add3A_1491, %jit3A_1492 : i32
        %ne3A_1510 = arith.constant 0 : i32
        %ne3A_1511 = arith.cmpi ne, %rem3A_1509, %ne3A_1510 : i32
        %and3A_1512 = arith.andi %ne3A_1508, %ne3A_1511 : i1
        %sub3A_1513 = arith.constant 1 : i32
        %sub3A_1514 = arith.subi %div3A_1493, %sub3A_1513 : i32
        %select_n3A_1515 = arith.select %and3A_1512, %sub3A_1514, %div3A_1493 : i32
        %rem3A_1516 = arith.constant 32 : i32
        %rem3A_1517 = arith.remsi %add3A_1491, %rem3A_1516 : i32
        %mul3A_1518 = arith.constant 8 : i32
        %mul3A_1519 = arith.muli %select_n3A_1515, %mul3A_1518 : i32
        %rem3A_1520 = arith.constant 8 : i32
        %rem3A_1521 = arith.remsi %sub3A_1464, %rem3A_1520 : i32
        %add3A_1522 = arith.addi %mul3A_1519, %rem3A_1521 : i32
        %mul3A_1523 = arith.constant 128 : i32
        %mul3A_1524 = arith.muli %rem3A_1517, %mul3A_1523 : i32
        %mul3A_1525 = arith.constant 128 : i32
        %mul3A_1526 = arith.muli %add3A_1522, %mul3A_1525 : i32
        %dma_wait3A_1527 = arith.constant 7 : i32
        %dma_wait3A_1528 = arith.constant 0 : i32
        %dma_wait3A_1529 = arith.constant 0 : i32
        %dma_wait3A_1530 = tpu.memref_slice %arg6[%dma_wait3A_1527, %dma_wait3A_1528, %dma_wait3A_1529] : memref<8x128x64xf32, #tpu.memory_space<vmem>> -> memref<1x128x64xf32, #tpu.memory_space<vmem>>
        %dma_wait3A_1531 = tpu.memref_squeeze %dma_wait3A_1530 : memref<1x128x64xf32, #tpu.memory_space<vmem>> -> memref<128x64xf32, #tpu.memory_space<vmem>>
        %dma_wait3A_1532 = tpu.memref_slice %arg4[%mul3A_1524, %mul3A_1526] : memref<4096x25600xf32, #tpu.memory_space<hbm>> -> memref<128x64xf32, #tpu.memory_space<hbm>>
        %dma_wait3A_1533 = tpu.memref_slice %arg4[%mul3A_1524, %mul3A_1526] : memref<4096x25600xf32, #tpu.memory_space<hbm>> -> memref<128x64xf32, #tpu.memory_space<hbm>>
        %dma_wait3A_1534 = arith.constant 0 : i32
        %dma_wait3A_1535 = arith.constant 0 : i32
        %dma_wait3A_1536 = tpu.memref_slice %arg6[%dma_wait3A_1527, %dma_wait3A_1534, %dma_wait3A_1535] : memref<8x128x64xf32, #tpu.memory_space<vmem>> -> memref<1x128x64xf32, #tpu.memory_space<vmem>>
        %dma_wait3A_1537 = tpu.memref_squeeze %dma_wait3A_1536 : memref<1x128x64xf32, #tpu.memory_space<vmem>> -> memref<128x64xf32, #tpu.memory_space<vmem>>
        tpu.wait_dma2 semaphore(%arg22 : memref<!tpu.dma_semaphore, #tpu.memory_space<semaphore_mem>>) src(%dma_wait3A_1537 : memref<128x64xf32, #tpu.memory_space<vmem>>) dst(%dma_wait3A_1533 : memref<128x64xf32, #tpu.memory_space<hbm>>)
        %jit3A_1538 = arith.constant 8 : i32
        %div3A_1539 = arith.divsi %add3A_964, %jit3A_1538 : i32
        %sign3A_1540 = arith.constant 0 : i32
        %sign3A_1541 = arith.cmpi sgt, %add3A_964, %sign3A_1540 : i32
        %sign3A_1542 = arith.extui %sign3A_1541 : i1 to i32
        %sign3A_1543 = arith.constant 0 : i32
        %sign3A_1544 = arith.cmpi slt, %add3A_964, %sign3A_1543 : i32
        %sign3A_1545 = arith.extui %sign3A_1544 : i1 to i32
        %sign3A_1546 = arith.subi %sign3A_1542, %sign3A_1545 : i32
        %sign3A_1547 = arith.constant 0 : i32
        %sign3A_1548 = arith.cmpi sgt, %jit3A_1538, %sign3A_1547 : i32
        %sign3A_1549 = arith.extui %sign3A_1548 : i1 to i32
        %sign3A_1550 = arith.constant 0 : i32
        %sign3A_1551 = arith.cmpi slt, %jit3A_1538, %sign3A_1550 : i32
        %sign3A_1552 = arith.extui %sign3A_1551 : i1 to i32
        %sign3A_1553 = arith.subi %sign3A_1549, %sign3A_1552 : i32
        %ne3A_1554 = arith.cmpi ne, %sign3A_1546, %sign3A_1553 : i32
        %rem3A_1555 = arith.remsi %add3A_964, %jit3A_1538 : i32
        %ne3A_1556 = arith.constant 0 : i32
        %ne3A_1557 = arith.cmpi ne, %rem3A_1555, %ne3A_1556 : i32
        %and3A_1558 = arith.andi %ne3A_1554, %ne3A_1557 : i1
        %sub3A_1559 = arith.constant 1 : i32
        %sub3A_1560 = arith.subi %div3A_1539, %sub3A_1559 : i32
        %select_n3A_1561 = arith.select %and3A_1558, %sub3A_1560, %div3A_1539 : i32
        %rem3A_1562 = arith.constant 8 : i32
        %rem3A_1563 = arith.remsi %add3A_964, %rem3A_1562 : i32
        %mul3A_1564 = arith.constant 128 : i32
        %mul3A_1565 = arith.muli %rem3A_1563, %mul3A_1564 : i32
        %dma_start3A_1566 = arith.constant 7 : i32
        %dma_start3A_1567 = arith.constant 0 : i32
        %dma_start3A_1568 = arith.constant 0 : i32
        %dma_start3A_1569 = tpu.memref_slice %arg6[%dma_start3A_1566, %dma_start3A_1567, %dma_start3A_1568] : memref<8x128x64xf32, #tpu.memory_space<vmem>> -> memref<1x128x64xf32, #tpu.memory_space<vmem>>
        %dma_start3A_1570 = tpu.memref_squeeze %dma_start3A_1569 : memref<1x128x64xf32, #tpu.memory_space<vmem>> -> memref<128x64xf32, #tpu.memory_space<vmem>>
        %dma_start3A_1571 = tpu.memref_slice %arg5[%select_n3A_1561, %mul3A_1565] : memref<25x1024xi32, #tpu.memory_space<vmem>> -> memref<1x128xi32, #tpu.memory_space<vmem>>
        %dma_start3A_1572 = tpu.memref_squeeze %dma_start3A_1571 : memref<1x128xi32, #tpu.memory_space<vmem>> -> memref<128xi32, #tpu.memory_space<vmem>>
        %dma_start3A_1573 = arith.constant 0 : i32
        %dma_start3A_1574 = arith.constant 0 : i32
        %dma_start3A_1575 = tpu.memref_slice %arg2[%dma_start3A_1573, %dma_start3A_1574] : memref<100000x64xf32, #tpu.memory_space<hbm>> -> memref<100000x64xf32, #tpu.memory_space<hbm>>
        tpu.enqueue_indirect_dma source(%dma_start3A_1575 : memref<100000x64xf32, #tpu.memory_space<hbm>>) target(%dma_start3A_1570 : memref<128x64xf32, #tpu.memory_space<vmem>>) offsets(%dma_start3A_1572 : memref<128xi32, #tpu.memory_space<vmem>>) semaphore(%arg14 : memref<!tpu.dma_semaphore, #tpu.memory_space<semaphore_mem>>)
      } else {
      }
      %lt3A_970 = arith.constant 1 : i32
      %lt3A_971 = arith.cmpi slt, %scan3A_470, %lt3A_970 : i32
      %convert_element_type3A_972 = arith.extui %lt3A_971 : i1 to i32
      %cond3A_973 = arith.constant 0 : i32
      %cond3A_974 = arith.cmpi ne, %convert_element_type3A_972, %cond3A_973 : i32
      scf.if %cond3A_974 {
        %jit3A_1463 = arith.constant 8 : i32
        %div3A_1464 = arith.divsi %add3A_964, %jit3A_1463 : i32
        %sign3A_1465 = arith.constant 0 : i32
        %sign3A_1466 = arith.cmpi sgt, %add3A_964, %sign3A_1465 : i32
        %sign3A_1467 = arith.extui %sign3A_1466 : i1 to i32
        %sign3A_1468 = arith.constant 0 : i32
        %sign3A_1469 = arith.cmpi slt, %add3A_964, %sign3A_1468 : i32
        %sign3A_1470 = arith.extui %sign3A_1469 : i1 to i32
        %sign3A_1471 = arith.subi %sign3A_1467, %sign3A_1470 : i32
        %sign3A_1472 = arith.constant 0 : i32
        %sign3A_1473 = arith.cmpi sgt, %jit3A_1463, %sign3A_1472 : i32
        %sign3A_1474 = arith.extui %sign3A_1473 : i1 to i32
        %sign3A_1475 = arith.constant 0 : i32
        %sign3A_1476 = arith.cmpi slt, %jit3A_1463, %sign3A_1475 : i32
        %sign3A_1477 = arith.extui %sign3A_1476 : i1 to i32
        %sign3A_1478 = arith.subi %sign3A_1474, %sign3A_1477 : i32
        %ne3A_1479 = arith.cmpi ne, %sign3A_1471, %sign3A_1478 : i32
        %rem3A_1480 = arith.remsi %add3A_964, %jit3A_1463 : i32
        %ne3A_1481 = arith.constant 0 : i32
        %ne3A_1482 = arith.cmpi ne, %rem3A_1480, %ne3A_1481 : i32
        %and3A_1483 = arith.andi %ne3A_1479, %ne3A_1482 : i1
        %sub3A_1484 = arith.constant 1 : i32
        %sub3A_1485 = arith.subi %div3A_1464, %sub3A_1484 : i32
        %select_n3A_1486 = arith.select %and3A_1483, %sub3A_1485, %div3A_1464 : i32
        %rem3A_1487 = arith.constant 8 : i32
        %rem3A_1488 = arith.remsi %add3A_964, %rem3A_1487 : i32
        %mul3A_1489 = arith.constant 128 : i32
        %mul3A_1490 = arith.muli %rem3A_1488, %mul3A_1489 : i32
        %dma_start3A_1491 = arith.constant 7 : i32
        %dma_start3A_1492 = arith.constant 0 : i32
        %dma_start3A_1493 = arith.constant 0 : i32
        %dma_start3A_1494 = tpu.memref_slice %arg6[%dma_start3A_1491, %dma_start3A_1492, %dma_start3A_1493] : memref<8x128x64xf32, #tpu.memory_space<vmem>> -> memref<1x128x64xf32, #tpu.memory_space<vmem>>
        %dma_start3A_1495 = tpu.memref_squeeze %dma_start3A_1494 : memref<1x128x64xf32, #tpu.memory_space<vmem>> -> memref<128x64xf32, #tpu.memory_space<vmem>>
        %dma_start3A_1496 = tpu.memref_slice %arg5[%select_n3A_1486, %mul3A_1490] : memref<25x1024xi32, #tpu.memory_space<vmem>> -> memref<1x128xi32, #tpu.memory_space<vmem>>
        %dma_start3A_1497 = tpu.memref_squeeze %dma_start3A_1496 : memref<1x128xi32, #tpu.memory_space<vmem>> -> memref<128xi32, #tpu.memory_space<vmem>>
        %dma_start3A_1498 = arith.constant 0 : i32
        %dma_start3A_1499 = arith.constant 0 : i32
        %dma_start3A_1500 = tpu.memref_slice %arg2[%dma_start3A_1498, %dma_start3A_1499] : memref<100000x64xf32, #tpu.memory_space<hbm>> -> memref<100000x64xf32, #tpu.memory_space<hbm>>
        tpu.enqueue_indirect_dma source(%dma_start3A_1500 : memref<100000x64xf32, #tpu.memory_space<hbm>>) target(%dma_start3A_1495 : memref<128x64xf32, #tpu.memory_space<vmem>>) offsets(%dma_start3A_1497 : memref<128xi32, #tpu.memory_space<vmem>>) semaphore(%arg14 : memref<!tpu.dma_semaphore, #tpu.memory_space<semaphore_mem>>)
      } else {
      }
      %mul3A_975 = arith.constant 8 : i32
      %mul3A_976 = arith.muli %scan3A_470, %mul3A_975 : i32
      %add3A_977 = arith.constant 4 : i32
      %add3A_978 = arith.addi %mul3A_976, %add3A_977 : i32
      %jit3A_979 = arith.constant 8 : i32
      %div3A_980 = arith.divsi %add3A_978, %jit3A_979 : i32
      %sign3A_981 = arith.constant 0 : i32
      %sign3A_982 = arith.cmpi sgt, %add3A_978, %sign3A_981 : i32
      %sign3A_983 = arith.extui %sign3A_982 : i1 to i32
      %sign3A_984 = arith.constant 0 : i32
      %sign3A_985 = arith.cmpi slt, %add3A_978, %sign3A_984 : i32
      %sign3A_986 = arith.extui %sign3A_985 : i1 to i32
      %sign3A_987 = arith.subi %sign3A_983, %sign3A_986 : i32
      %sign3A_988 = arith.constant 0 : i32
      %sign3A_989 = arith.cmpi sgt, %jit3A_979, %sign3A_988 : i32
      %sign3A_990 = arith.extui %sign3A_989 : i1 to i32
      %sign3A_991 = arith.constant 0 : i32
      %sign3A_992 = arith.cmpi slt, %jit3A_979, %sign3A_991 : i32
      %sign3A_993 = arith.extui %sign3A_992 : i1 to i32
      %sign3A_994 = arith.subi %sign3A_990, %sign3A_993 : i32
      %ne3A_995 = arith.cmpi ne, %sign3A_987, %sign3A_994 : i32
      %rem3A_996 = arith.remsi %add3A_978, %jit3A_979 : i32
      %ne3A_997 = arith.constant 0 : i32
      %ne3A_998 = arith.cmpi ne, %rem3A_996, %ne3A_997 : i32
      %and3A_999 = arith.andi %ne3A_995, %ne3A_998 : i1
      %sub3A_1000 = arith.constant 1 : i32
      %sub3A_1001 = arith.subi %div3A_980, %sub3A_1000 : i32
      %select_n3A_1002 = arith.select %and3A_999, %sub3A_1001, %div3A_980 : i32
      %rem3A_1003 = arith.constant 8 : i32
      %rem3A_1004 = arith.remsi %add3A_978, %rem3A_1003 : i32
      %mul3A_1005 = arith.constant 128 : i32
      %mul3A_1006 = arith.muli %rem3A_1004, %mul3A_1005 : i32
      %dma_wait3A_1007 = arith.constant 4 : i32
      %dma_wait3A_1008 = arith.constant 0 : i32
      %dma_wait3A_1009 = arith.constant 0 : i32
      %dma_wait3A_1010 = tpu.memref_slice %arg6[%dma_wait3A_1007, %dma_wait3A_1008, %dma_wait3A_1009] : memref<8x128x64xf32, #tpu.memory_space<vmem>> -> memref<1x128x64xf32, #tpu.memory_space<vmem>>
      %dma_wait3A_1011 = tpu.memref_squeeze %dma_wait3A_1010 : memref<1x128x64xf32, #tpu.memory_space<vmem>> -> memref<128x64xf32, #tpu.memory_space<vmem>>
      %dma_wait3A_1012 = tpu.memref_slice %arg5[%select_n3A_1002, %mul3A_1006] : memref<25x1024xi32, #tpu.memory_space<vmem>> -> memref<1x128xi32, #tpu.memory_space<vmem>>
      %dma_wait3A_1013 = tpu.memref_squeeze %dma_wait3A_1012 : memref<1x128xi32, #tpu.memory_space<vmem>> -> memref<128xi32, #tpu.memory_space<vmem>>
      %dma_wait3A_1014 = arith.constant 0 : i32
      %dma_wait3A_1015 = arith.constant 0 : i32
      %dma_wait3A_1016 = tpu.memref_slice %arg2[%dma_wait3A_1014, %dma_wait3A_1015] : memref<100000x64xf32, #tpu.memory_space<hbm>> -> memref<100000x64xf32, #tpu.memory_space<hbm>>
      tpu.wait_indirect_dma semaphore(%arg11 : memref<!tpu.dma_semaphore, #tpu.memory_space<semaphore_mem>>) src(%dma_wait3A_1016 : memref<100000x64xf32, #tpu.memory_space<hbm>>) dst(%dma_wait3A_1011 : memref<128x64xf32, #tpu.memory_space<vmem>>)
      %mul3A_1017 = arith.constant 25 : i32
      %mul3A_1018 = arith.muli %add3A, %mul3A_1017 : i32
      %jit3A_1019 = arith.constant 8 : i32
      %div3A_1020 = arith.divsi %add3A_978, %jit3A_1019 : i32
      %sign3A_1021 = arith.constant 0 : i32
      %sign3A_1022 = arith.cmpi sgt, %add3A_978, %sign3A_1021 : i32
      %sign3A_1023 = arith.extui %sign3A_1022 : i1 to i32
      %sign3A_1024 = arith.constant 0 : i32
      %sign3A_1025 = arith.cmpi slt, %add3A_978, %sign3A_1024 : i32
      %sign3A_1026 = arith.extui %sign3A_1025 : i1 to i32
      %sign3A_1027 = arith.subi %sign3A_1023, %sign3A_1026 : i32
      %sign3A_1028 = arith.constant 0 : i32
      %sign3A_1029 = arith.cmpi sgt, %jit3A_1019, %sign3A_1028 : i32
      %sign3A_1030 = arith.extui %sign3A_1029 : i1 to i32
      %sign3A_1031 = arith.constant 0 : i32
      %sign3A_1032 = arith.cmpi slt, %jit3A_1019, %sign3A_1031 : i32
      %sign3A_1033 = arith.extui %sign3A_1032 : i1 to i32
      %sign3A_1034 = arith.subi %sign3A_1030, %sign3A_1033 : i32
      %ne3A_1035 = arith.cmpi ne, %sign3A_1027, %sign3A_1034 : i32
      %rem3A_1036 = arith.remsi %add3A_978, %jit3A_1019 : i32
      %ne3A_1037 = arith.constant 0 : i32
      %ne3A_1038 = arith.cmpi ne, %rem3A_1036, %ne3A_1037 : i32
      %and3A_1039 = arith.andi %ne3A_1035, %ne3A_1038 : i1
      %sub3A_1040 = arith.constant 1 : i32
      %sub3A_1041 = arith.subi %div3A_1020, %sub3A_1040 : i32
      %select_n3A_1042 = arith.select %and3A_1039, %sub3A_1041, %div3A_1020 : i32
      %add3A_1043 = arith.addi %mul3A_1018, %select_n3A_1042 : i32
      %jit3A_1044 = arith.constant 32 : i32
      %div3A_1045 = arith.divsi %add3A_1043, %jit3A_1044 : i32
      %sign3A_1046 = arith.constant 0 : i32
      %sign3A_1047 = arith.cmpi sgt, %add3A_1043, %sign3A_1046 : i32
      %sign3A_1048 = arith.extui %sign3A_1047 : i1 to i32
      %sign3A_1049 = arith.constant 0 : i32
      %sign3A_1050 = arith.cmpi slt, %add3A_1043, %sign3A_1049 : i32
      %sign3A_1051 = arith.extui %sign3A_1050 : i1 to i32
      %sign3A_1052 = arith.subi %sign3A_1048, %sign3A_1051 : i32
      %sign3A_1053 = arith.constant 0 : i32
      %sign3A_1054 = arith.cmpi sgt, %jit3A_1044, %sign3A_1053 : i32
      %sign3A_1055 = arith.extui %sign3A_1054 : i1 to i32
      %sign3A_1056 = arith.constant 0 : i32
      %sign3A_1057 = arith.cmpi slt, %jit3A_1044, %sign3A_1056 : i32
      %sign3A_1058 = arith.extui %sign3A_1057 : i1 to i32
      %sign3A_1059 = arith.subi %sign3A_1055, %sign3A_1058 : i32
      %ne3A_1060 = arith.cmpi ne, %sign3A_1052, %sign3A_1059 : i32
      %rem3A_1061 = arith.remsi %add3A_1043, %jit3A_1044 : i32
      %ne3A_1062 = arith.constant 0 : i32
      %ne3A_1063 = arith.cmpi ne, %rem3A_1061, %ne3A_1062 : i32
      %and3A_1064 = arith.andi %ne3A_1060, %ne3A_1063 : i1
      %sub3A_1065 = arith.constant 1 : i32
      %sub3A_1066 = arith.subi %div3A_1045, %sub3A_1065 : i32
      %select_n3A_1067 = arith.select %and3A_1064, %sub3A_1066, %div3A_1045 : i32
      %rem3A_1068 = arith.constant 32 : i32
      %rem3A_1069 = arith.remsi %add3A_1043, %rem3A_1068 : i32
      %mul3A_1070 = arith.constant 8 : i32
      %mul3A_1071 = arith.muli %select_n3A_1067, %mul3A_1070 : i32
      %rem3A_1072 = arith.constant 8 : i32
      %rem3A_1073 = arith.remsi %add3A_978, %rem3A_1072 : i32
      %add3A_1074 = arith.addi %mul3A_1071, %rem3A_1073 : i32
      %mul3A_1075 = arith.constant 128 : i32
      %mul3A_1076 = arith.muli %rem3A_1069, %mul3A_1075 : i32
      %mul3A_1077 = arith.constant 128 : i32
      %mul3A_1078 = arith.muli %add3A_1074, %mul3A_1077 : i32
      %dma_start3A_1079 = arith.constant 4 : i32
      %dma_start3A_1080 = arith.constant 0 : i32
      %dma_start3A_1081 = arith.constant 0 : i32
      %dma_start3A_1082 = tpu.memref_slice %arg6[%dma_start3A_1079, %dma_start3A_1080, %dma_start3A_1081] : memref<8x128x64xf32, #tpu.memory_space<vmem>> -> memref<1x128x64xf32, #tpu.memory_space<vmem>>
      %dma_start3A_1083 = tpu.memref_squeeze %dma_start3A_1082 : memref<1x128x64xf32, #tpu.memory_space<vmem>> -> memref<128x64xf32, #tpu.memory_space<vmem>>
      %dma_start3A_1084 = tpu.memref_slice %arg4[%mul3A_1076, %mul3A_1078] : memref<4096x25600xf32, #tpu.memory_space<hbm>> -> memref<128x64xf32, #tpu.memory_space<hbm>>
      %dma_start3A_1085 = tpu.memref_slice %arg4[%mul3A_1076, %mul3A_1078] : memref<4096x25600xf32, #tpu.memory_space<hbm>> -> memref<128x64xf32, #tpu.memory_space<hbm>>
      %dma_start3A_1086 = arith.constant 0 : i32
      %dma_start3A_1087 = arith.constant 0 : i32
      %dma_start3A_1088 = tpu.memref_slice %arg6[%dma_start3A_1079, %dma_start3A_1086, %dma_start3A_1087] : memref<8x128x64xf32, #tpu.memory_space<vmem>> -> memref<1x128x64xf32, #tpu.memory_space<vmem>>
      %dma_start3A_1089 = tpu.memref_squeeze %dma_start3A_1088 : memref<1x128x64xf32, #tpu.memory_space<vmem>> -> memref<128x64xf32, #tpu.memory_space<vmem>>
      tpu.enqueue_dma source(%dma_start3A_1089 : memref<128x64xf32, #tpu.memory_space<vmem>>) target(%dma_start3A_1085 : memref<128x64xf32, #tpu.memory_space<hbm>>) target_semaphore(%arg19 : memref<!tpu.dma_semaphore, #tpu.memory_space<semaphore_mem>>)
      %add3A_1090 = arith.constant 4 : i32
      %add3A_1091 = arith.addi %add3A_978, %add3A_1090 : i32
      %lt3A_1092 = arith.constant 24 : i32
      %lt3A_1093 = arith.cmpi slt, %scan3A_470, %lt3A_1092 : i32
      %convert_element_type3A_1094 = arith.extui %lt3A_1093 : i1 to i32
      %cond3A_1095 = arith.constant 0 : i32
      %cond3A_1096 = arith.cmpi ne, %convert_element_type3A_1094, %cond3A_1095 : i32
      scf.if %cond3A_1096 {
        %sub3A_1463 = arith.constant 8 : i32
        %sub3A_1464 = arith.subi %add3A_1091, %sub3A_1463 : i32
        %mul3A_1465 = arith.constant 25 : i32
        %mul3A_1466 = arith.muli %add3A, %mul3A_1465 : i32
        %jit3A_1467 = arith.constant 8 : i32
        %div3A_1468 = arith.divsi %sub3A_1464, %jit3A_1467 : i32
        %sign3A_1469 = arith.constant 0 : i32
        %sign3A_1470 = arith.cmpi sgt, %sub3A_1464, %sign3A_1469 : i32
        %sign3A_1471 = arith.extui %sign3A_1470 : i1 to i32
        %sign3A_1472 = arith.constant 0 : i32
        %sign3A_1473 = arith.cmpi slt, %sub3A_1464, %sign3A_1472 : i32
        %sign3A_1474 = arith.extui %sign3A_1473 : i1 to i32
        %sign3A_1475 = arith.subi %sign3A_1471, %sign3A_1474 : i32
        %sign3A_1476 = arith.constant 0 : i32
        %sign3A_1477 = arith.cmpi sgt, %jit3A_1467, %sign3A_1476 : i32
        %sign3A_1478 = arith.extui %sign3A_1477 : i1 to i32
        %sign3A_1479 = arith.constant 0 : i32
        %sign3A_1480 = arith.cmpi slt, %jit3A_1467, %sign3A_1479 : i32
        %sign3A_1481 = arith.extui %sign3A_1480 : i1 to i32
        %sign3A_1482 = arith.subi %sign3A_1478, %sign3A_1481 : i32
        %ne3A_1483 = arith.cmpi ne, %sign3A_1475, %sign3A_1482 : i32
        %rem3A_1484 = arith.remsi %sub3A_1464, %jit3A_1467 : i32
        %ne3A_1485 = arith.constant 0 : i32
        %ne3A_1486 = arith.cmpi ne, %rem3A_1484, %ne3A_1485 : i32
        %and3A_1487 = arith.andi %ne3A_1483, %ne3A_1486 : i1
        %sub3A_1488 = arith.constant 1 : i32
        %sub3A_1489 = arith.subi %div3A_1468, %sub3A_1488 : i32
        %select_n3A_1490 = arith.select %and3A_1487, %sub3A_1489, %div3A_1468 : i32
        %add3A_1491 = arith.addi %mul3A_1466, %select_n3A_1490 : i32
        %jit3A_1492 = arith.constant 32 : i32
        %div3A_1493 = arith.divsi %add3A_1491, %jit3A_1492 : i32
        %sign3A_1494 = arith.constant 0 : i32
        %sign3A_1495 = arith.cmpi sgt, %add3A_1491, %sign3A_1494 : i32
        %sign3A_1496 = arith.extui %sign3A_1495 : i1 to i32
        %sign3A_1497 = arith.constant 0 : i32
        %sign3A_1498 = arith.cmpi slt, %add3A_1491, %sign3A_1497 : i32
        %sign3A_1499 = arith.extui %sign3A_1498 : i1 to i32
        %sign3A_1500 = arith.subi %sign3A_1496, %sign3A_1499 : i32
        %sign3A_1501 = arith.constant 0 : i32
        %sign3A_1502 = arith.cmpi sgt, %jit3A_1492, %sign3A_1501 : i32
        %sign3A_1503 = arith.extui %sign3A_1502 : i1 to i32
        %sign3A_1504 = arith.constant 0 : i32
        %sign3A_1505 = arith.cmpi slt, %jit3A_1492, %sign3A_1504 : i32
        %sign3A_1506 = arith.extui %sign3A_1505 : i1 to i32
        %sign3A_1507 = arith.subi %sign3A_1503, %sign3A_1506 : i32
        %ne3A_1508 = arith.cmpi ne, %sign3A_1500, %sign3A_1507 : i32
        %rem3A_1509 = arith.remsi %add3A_1491, %jit3A_1492 : i32
        %ne3A_1510 = arith.constant 0 : i32
        %ne3A_1511 = arith.cmpi ne, %rem3A_1509, %ne3A_1510 : i32
        %and3A_1512 = arith.andi %ne3A_1508, %ne3A_1511 : i1
        %sub3A_1513 = arith.constant 1 : i32
        %sub3A_1514 = arith.subi %div3A_1493, %sub3A_1513 : i32
        %select_n3A_1515 = arith.select %and3A_1512, %sub3A_1514, %div3A_1493 : i32
        %rem3A_1516 = arith.constant 32 : i32
        %rem3A_1517 = arith.remsi %add3A_1491, %rem3A_1516 : i32
        %mul3A_1518 = arith.constant 8 : i32
        %mul3A_1519 = arith.muli %select_n3A_1515, %mul3A_1518 : i32
        %rem3A_1520 = arith.constant 8 : i32
        %rem3A_1521 = arith.remsi %sub3A_1464, %rem3A_1520 : i32
        %add3A_1522 = arith.addi %mul3A_1519, %rem3A_1521 : i32
        %mul3A_1523 = arith.constant 128 : i32
        %mul3A_1524 = arith.muli %rem3A_1517, %mul3A_1523 : i32
        %mul3A_1525 = arith.constant 128 : i32
        %mul3A_1526 = arith.muli %add3A_1522, %mul3A_1525 : i32
        %dma_wait3A_1527 = arith.constant 0 : i32
        %dma_wait3A_1528 = arith.constant 0 : i32
        %dma_wait3A_1529 = arith.constant 0 : i32
        %dma_wait3A_1530 = tpu.memref_slice %arg6[%dma_wait3A_1527, %dma_wait3A_1528, %dma_wait3A_1529] : memref<8x128x64xf32, #tpu.memory_space<vmem>> -> memref<1x128x64xf32, #tpu.memory_space<vmem>>
        %dma_wait3A_1531 = tpu.memref_squeeze %dma_wait3A_1530 : memref<1x128x64xf32, #tpu.memory_space<vmem>> -> memref<128x64xf32, #tpu.memory_space<vmem>>
        %dma_wait3A_1532 = tpu.memref_slice %arg4[%mul3A_1524, %mul3A_1526] : memref<4096x25600xf32, #tpu.memory_space<hbm>> -> memref<128x64xf32, #tpu.memory_space<hbm>>
        %dma_wait3A_1533 = tpu.memref_slice %arg4[%mul3A_1524, %mul3A_1526] : memref<4096x25600xf32, #tpu.memory_space<hbm>> -> memref<128x64xf32, #tpu.memory_space<hbm>>
        %dma_wait3A_1534 = arith.constant 0 : i32
        %dma_wait3A_1535 = arith.constant 0 : i32
        %dma_wait3A_1536 = tpu.memref_slice %arg6[%dma_wait3A_1527, %dma_wait3A_1534, %dma_wait3A_1535] : memref<8x128x64xf32, #tpu.memory_space<vmem>> -> memref<1x128x64xf32, #tpu.memory_space<vmem>>
        %dma_wait3A_1537 = tpu.memref_squeeze %dma_wait3A_1536 : memref<1x128x64xf32, #tpu.memory_space<vmem>> -> memref<128x64xf32, #tpu.memory_space<vmem>>
        tpu.wait_dma2 semaphore(%arg15 : memref<!tpu.dma_semaphore, #tpu.memory_space<semaphore_mem>>) src(%dma_wait3A_1537 : memref<128x64xf32, #tpu.memory_space<vmem>>) dst(%dma_wait3A_1533 : memref<128x64xf32, #tpu.memory_space<hbm>>)
        %jit3A_1538 = arith.constant 8 : i32
        %div3A_1539 = arith.divsi %add3A_1091, %jit3A_1538 : i32
        %sign3A_1540 = arith.constant 0 : i32
        %sign3A_1541 = arith.cmpi sgt, %add3A_1091, %sign3A_1540 : i32
        %sign3A_1542 = arith.extui %sign3A_1541 : i1 to i32
        %sign3A_1543 = arith.constant 0 : i32
        %sign3A_1544 = arith.cmpi slt, %add3A_1091, %sign3A_1543 : i32
        %sign3A_1545 = arith.extui %sign3A_1544 : i1 to i32
        %sign3A_1546 = arith.subi %sign3A_1542, %sign3A_1545 : i32
        %sign3A_1547 = arith.constant 0 : i32
        %sign3A_1548 = arith.cmpi sgt, %jit3A_1538, %sign3A_1547 : i32
        %sign3A_1549 = arith.extui %sign3A_1548 : i1 to i32
        %sign3A_1550 = arith.constant 0 : i32
        %sign3A_1551 = arith.cmpi slt, %jit3A_1538, %sign3A_1550 : i32
        %sign3A_1552 = arith.extui %sign3A_1551 : i1 to i32
        %sign3A_1553 = arith.subi %sign3A_1549, %sign3A_1552 : i32
        %ne3A_1554 = arith.cmpi ne, %sign3A_1546, %sign3A_1553 : i32
        %rem3A_1555 = arith.remsi %add3A_1091, %jit3A_1538 : i32
        %ne3A_1556 = arith.constant 0 : i32
        %ne3A_1557 = arith.cmpi ne, %rem3A_1555, %ne3A_1556 : i32
        %and3A_1558 = arith.andi %ne3A_1554, %ne3A_1557 : i1
        %sub3A_1559 = arith.constant 1 : i32
        %sub3A_1560 = arith.subi %div3A_1539, %sub3A_1559 : i32
        %select_n3A_1561 = arith.select %and3A_1558, %sub3A_1560, %div3A_1539 : i32
        %rem3A_1562 = arith.constant 8 : i32
        %rem3A_1563 = arith.remsi %add3A_1091, %rem3A_1562 : i32
        %mul3A_1564 = arith.constant 128 : i32
        %mul3A_1565 = arith.muli %rem3A_1563, %mul3A_1564 : i32
        %dma_start3A_1566 = arith.constant 0 : i32
        %dma_start3A_1567 = arith.constant 0 : i32
        %dma_start3A_1568 = arith.constant 0 : i32
        %dma_start3A_1569 = tpu.memref_slice %arg6[%dma_start3A_1566, %dma_start3A_1567, %dma_start3A_1568] : memref<8x128x64xf32, #tpu.memory_space<vmem>> -> memref<1x128x64xf32, #tpu.memory_space<vmem>>
        %dma_start3A_1570 = tpu.memref_squeeze %dma_start3A_1569 : memref<1x128x64xf32, #tpu.memory_space<vmem>> -> memref<128x64xf32, #tpu.memory_space<vmem>>
        %dma_start3A_1571 = tpu.memref_slice %arg5[%select_n3A_1561, %mul3A_1565] : memref<25x1024xi32, #tpu.memory_space<vmem>> -> memref<1x128xi32, #tpu.memory_space<vmem>>
        %dma_start3A_1572 = tpu.memref_squeeze %dma_start3A_1571 : memref<1x128xi32, #tpu.memory_space<vmem>> -> memref<128xi32, #tpu.memory_space<vmem>>
        %dma_start3A_1573 = arith.constant 0 : i32
        %dma_start3A_1574 = arith.constant 0 : i32
        %dma_start3A_1575 = tpu.memref_slice %arg2[%dma_start3A_1573, %dma_start3A_1574] : memref<100000x64xf32, #tpu.memory_space<hbm>> -> memref<100000x64xf32, #tpu.memory_space<hbm>>
        tpu.enqueue_indirect_dma source(%dma_start3A_1575 : memref<100000x64xf32, #tpu.memory_space<hbm>>) target(%dma_start3A_1570 : memref<128x64xf32, #tpu.memory_space<vmem>>) offsets(%dma_start3A_1572 : memref<128xi32, #tpu.memory_space<vmem>>) semaphore(%arg7 : memref<!tpu.dma_semaphore, #tpu.memory_space<semaphore_mem>>)
      } else {
      }
      %mul3A_1097 = arith.constant 8 : i32
      %mul3A_1098 = arith.muli %scan3A_470, %mul3A_1097 : i32
      %add3A_1099 = arith.constant 5 : i32
      %add3A_1100 = arith.addi %mul3A_1098, %add3A_1099 : i32
      %jit3A_1101 = arith.constant 8 : i32
      %div3A_1102 = arith.divsi %add3A_1100, %jit3A_1101 : i32
      %sign3A_1103 = arith.constant 0 : i32
      %sign3A_1104 = arith.cmpi sgt, %add3A_1100, %sign3A_1103 : i32
      %sign3A_1105 = arith.extui %sign3A_1104 : i1 to i32
      %sign3A_1106 = arith.constant 0 : i32
      %sign3A_1107 = arith.cmpi slt, %add3A_1100, %sign3A_1106 : i32
      %sign3A_1108 = arith.extui %sign3A_1107 : i1 to i32
      %sign3A_1109 = arith.subi %sign3A_1105, %sign3A_1108 : i32
      %sign3A_1110 = arith.constant 0 : i32
      %sign3A_1111 = arith.cmpi sgt, %jit3A_1101, %sign3A_1110 : i32
      %sign3A_1112 = arith.extui %sign3A_1111 : i1 to i32
      %sign3A_1113 = arith.constant 0 : i32
      %sign3A_1114 = arith.cmpi slt, %jit3A_1101, %sign3A_1113 : i32
      %sign3A_1115 = arith.extui %sign3A_1114 : i1 to i32
      %sign3A_1116 = arith.subi %sign3A_1112, %sign3A_1115 : i32
      %ne3A_1117 = arith.cmpi ne, %sign3A_1109, %sign3A_1116 : i32
      %rem3A_1118 = arith.remsi %add3A_1100, %jit3A_1101 : i32
      %ne3A_1119 = arith.constant 0 : i32
      %ne3A_1120 = arith.cmpi ne, %rem3A_1118, %ne3A_1119 : i32
      %and3A_1121 = arith.andi %ne3A_1117, %ne3A_1120 : i1
      %sub3A_1122 = arith.constant 1 : i32
      %sub3A_1123 = arith.subi %div3A_1102, %sub3A_1122 : i32
      %select_n3A_1124 = arith.select %and3A_1121, %sub3A_1123, %div3A_1102 : i32
      %rem3A_1125 = arith.constant 8 : i32
      %rem3A_1126 = arith.remsi %add3A_1100, %rem3A_1125 : i32
      %mul3A_1127 = arith.constant 128 : i32
      %mul3A_1128 = arith.muli %rem3A_1126, %mul3A_1127 : i32
      %dma_wait3A_1129 = arith.constant 5 : i32
      %dma_wait3A_1130 = arith.constant 0 : i32
      %dma_wait3A_1131 = arith.constant 0 : i32
      %dma_wait3A_1132 = tpu.memref_slice %arg6[%dma_wait3A_1129, %dma_wait3A_1130, %dma_wait3A_1131] : memref<8x128x64xf32, #tpu.memory_space<vmem>> -> memref<1x128x64xf32, #tpu.memory_space<vmem>>
      %dma_wait3A_1133 = tpu.memref_squeeze %dma_wait3A_1132 : memref<1x128x64xf32, #tpu.memory_space<vmem>> -> memref<128x64xf32, #tpu.memory_space<vmem>>
      %dma_wait3A_1134 = tpu.memref_slice %arg5[%select_n3A_1124, %mul3A_1128] : memref<25x1024xi32, #tpu.memory_space<vmem>> -> memref<1x128xi32, #tpu.memory_space<vmem>>
      %dma_wait3A_1135 = tpu.memref_squeeze %dma_wait3A_1134 : memref<1x128xi32, #tpu.memory_space<vmem>> -> memref<128xi32, #tpu.memory_space<vmem>>
      %dma_wait3A_1136 = arith.constant 0 : i32
      %dma_wait3A_1137 = arith.constant 0 : i32
      %dma_wait3A_1138 = tpu.memref_slice %arg2[%dma_wait3A_1136, %dma_wait3A_1137] : memref<100000x64xf32, #tpu.memory_space<hbm>> -> memref<100000x64xf32, #tpu.memory_space<hbm>>
      tpu.wait_indirect_dma semaphore(%arg12 : memref<!tpu.dma_semaphore, #tpu.memory_space<semaphore_mem>>) src(%dma_wait3A_1138 : memref<100000x64xf32, #tpu.memory_space<hbm>>) dst(%dma_wait3A_1133 : memref<128x64xf32, #tpu.memory_space<vmem>>)
      %mul3A_1139 = arith.constant 25 : i32
      %mul3A_1140 = arith.muli %add3A, %mul3A_1139 : i32
      %jit3A_1141 = arith.constant 8 : i32
      %div3A_1142 = arith.divsi %add3A_1100, %jit3A_1141 : i32
      %sign3A_1143 = arith.constant 0 : i32
      %sign3A_1144 = arith.cmpi sgt, %add3A_1100, %sign3A_1143 : i32
      %sign3A_1145 = arith.extui %sign3A_1144 : i1 to i32
      %sign3A_1146 = arith.constant 0 : i32
      %sign3A_1147 = arith.cmpi slt, %add3A_1100, %sign3A_1146 : i32
      %sign3A_1148 = arith.extui %sign3A_1147 : i1 to i32
      %sign3A_1149 = arith.subi %sign3A_1145, %sign3A_1148 : i32
      %sign3A_1150 = arith.constant 0 : i32
      %sign3A_1151 = arith.cmpi sgt, %jit3A_1141, %sign3A_1150 : i32
      %sign3A_1152 = arith.extui %sign3A_1151 : i1 to i32
      %sign3A_1153 = arith.constant 0 : i32
      %sign3A_1154 = arith.cmpi slt, %jit3A_1141, %sign3A_1153 : i32
      %sign3A_1155 = arith.extui %sign3A_1154 : i1 to i32
      %sign3A_1156 = arith.subi %sign3A_1152, %sign3A_1155 : i32
      %ne3A_1157 = arith.cmpi ne, %sign3A_1149, %sign3A_1156 : i32
      %rem3A_1158 = arith.remsi %add3A_1100, %jit3A_1141 : i32
      %ne3A_1159 = arith.constant 0 : i32
      %ne3A_1160 = arith.cmpi ne, %rem3A_1158, %ne3A_1159 : i32
      %and3A_1161 = arith.andi %ne3A_1157, %ne3A_1160 : i1
      %sub3A_1162 = arith.constant 1 : i32
      %sub3A_1163 = arith.subi %div3A_1142, %sub3A_1162 : i32
      %select_n3A_1164 = arith.select %and3A_1161, %sub3A_1163, %div3A_1142 : i32
      %add3A_1165 = arith.addi %mul3A_1140, %select_n3A_1164 : i32
      %jit3A_1166 = arith.constant 32 : i32
      %div3A_1167 = arith.divsi %add3A_1165, %jit3A_1166 : i32
      %sign3A_1168 = arith.constant 0 : i32
      %sign3A_1169 = arith.cmpi sgt, %add3A_1165, %sign3A_1168 : i32
      %sign3A_1170 = arith.extui %sign3A_1169 : i1 to i32
      %sign3A_1171 = arith.constant 0 : i32
      %sign3A_1172 = arith.cmpi slt, %add3A_1165, %sign3A_1171 : i32
      %sign3A_1173 = arith.extui %sign3A_1172 : i1 to i32
      %sign3A_1174 = arith.subi %sign3A_1170, %sign3A_1173 : i32
      %sign3A_1175 = arith.constant 0 : i32
      %sign3A_1176 = arith.cmpi sgt, %jit3A_1166, %sign3A_1175 : i32
      %sign3A_1177 = arith.extui %sign3A_1176 : i1 to i32
      %sign3A_1178 = arith.constant 0 : i32
      %sign3A_1179 = arith.cmpi slt, %jit3A_1166, %sign3A_1178 : i32
      %sign3A_1180 = arith.extui %sign3A_1179 : i1 to i32
      %sign3A_1181 = arith.subi %sign3A_1177, %sign3A_1180 : i32
      %ne3A_1182 = arith.cmpi ne, %sign3A_1174, %sign3A_1181 : i32
      %rem3A_1183 = arith.remsi %add3A_1165, %jit3A_1166 : i32
      %ne3A_1184 = arith.constant 0 : i32
      %ne3A_1185 = arith.cmpi ne, %rem3A_1183, %ne3A_1184 : i32
      %and3A_1186 = arith.andi %ne3A_1182, %ne3A_1185 : i1
      %sub3A_1187 = arith.constant 1 : i32
      %sub3A_1188 = arith.subi %div3A_1167, %sub3A_1187 : i32
      %select_n3A_1189 = arith.select %and3A_1186, %sub3A_1188, %div3A_1167 : i32
      %rem3A_1190 = arith.constant 32 : i32
      %rem3A_1191 = arith.remsi %add3A_1165, %rem3A_1190 : i32
      %mul3A_1192 = arith.constant 8 : i32
      %mul3A_1193 = arith.muli %select_n3A_1189, %mul3A_1192 : i32
      %rem3A_1194 = arith.constant 8 : i32
      %rem3A_1195 = arith.remsi %add3A_1100, %rem3A_1194 : i32
      %add3A_1196 = arith.addi %mul3A_1193, %rem3A_1195 : i32
      %mul3A_1197 = arith.constant 128 : i32
      %mul3A_1198 = arith.muli %rem3A_1191, %mul3A_1197 : i32
      %mul3A_1199 = arith.constant 128 : i32
      %mul3A_1200 = arith.muli %add3A_1196, %mul3A_1199 : i32
      %dma_start3A_1201 = arith.constant 5 : i32
      %dma_start3A_1202 = arith.constant 0 : i32
      %dma_start3A_1203 = arith.constant 0 : i32
      %dma_start3A_1204 = tpu.memref_slice %arg6[%dma_start3A_1201, %dma_start3A_1202, %dma_start3A_1203] : memref<8x128x64xf32, #tpu.memory_space<vmem>> -> memref<1x128x64xf32, #tpu.memory_space<vmem>>
      %dma_start3A_1205 = tpu.memref_squeeze %dma_start3A_1204 : memref<1x128x64xf32, #tpu.memory_space<vmem>> -> memref<128x64xf32, #tpu.memory_space<vmem>>
      %dma_start3A_1206 = tpu.memref_slice %arg4[%mul3A_1198, %mul3A_1200] : memref<4096x25600xf32, #tpu.memory_space<hbm>> -> memref<128x64xf32, #tpu.memory_space<hbm>>
      %dma_start3A_1207 = tpu.memref_slice %arg4[%mul3A_1198, %mul3A_1200] : memref<4096x25600xf32, #tpu.memory_space<hbm>> -> memref<128x64xf32, #tpu.memory_space<hbm>>
      %dma_start3A_1208 = arith.constant 0 : i32
      %dma_start3A_1209 = arith.constant 0 : i32
      %dma_start3A_1210 = tpu.memref_slice %arg6[%dma_start3A_1201, %dma_start3A_1208, %dma_start3A_1209] : memref<8x128x64xf32, #tpu.memory_space<vmem>> -> memref<1x128x64xf32, #tpu.memory_space<vmem>>
      %dma_start3A_1211 = tpu.memref_squeeze %dma_start3A_1210 : memref<1x128x64xf32, #tpu.memory_space<vmem>> -> memref<128x64xf32, #tpu.memory_space<vmem>>
      tpu.enqueue_dma source(%dma_start3A_1211 : memref<128x64xf32, #tpu.memory_space<vmem>>) target(%dma_start3A_1207 : memref<128x64xf32, #tpu.memory_space<hbm>>) target_semaphore(%arg20 : memref<!tpu.dma_semaphore, #tpu.memory_space<semaphore_mem>>)
      %add3A_1212 = arith.constant 4 : i32
      %add3A_1213 = arith.addi %add3A_1100, %add3A_1212 : i32
      %lt3A_1214 = arith.constant 24 : i32
      %lt3A_1215 = arith.cmpi slt, %scan3A_470, %lt3A_1214 : i32
      %convert_element_type3A_1216 = arith.extui %lt3A_1215 : i1 to i32
      %cond3A_1217 = arith.constant 0 : i32
      %cond3A_1218 = arith.cmpi ne, %convert_element_type3A_1216, %cond3A_1217 : i32
      scf.if %cond3A_1218 {
        %sub3A_1463 = arith.constant 8 : i32
        %sub3A_1464 = arith.subi %add3A_1213, %sub3A_1463 : i32
        %mul3A_1465 = arith.constant 25 : i32
        %mul3A_1466 = arith.muli %add3A, %mul3A_1465 : i32
        %jit3A_1467 = arith.constant 8 : i32
        %div3A_1468 = arith.divsi %sub3A_1464, %jit3A_1467 : i32
        %sign3A_1469 = arith.constant 0 : i32
        %sign3A_1470 = arith.cmpi sgt, %sub3A_1464, %sign3A_1469 : i32
        %sign3A_1471 = arith.extui %sign3A_1470 : i1 to i32
        %sign3A_1472 = arith.constant 0 : i32
        %sign3A_1473 = arith.cmpi slt, %sub3A_1464, %sign3A_1472 : i32
        %sign3A_1474 = arith.extui %sign3A_1473 : i1 to i32
        %sign3A_1475 = arith.subi %sign3A_1471, %sign3A_1474 : i32
        %sign3A_1476 = arith.constant 0 : i32
        %sign3A_1477 = arith.cmpi sgt, %jit3A_1467, %sign3A_1476 : i32
        %sign3A_1478 = arith.extui %sign3A_1477 : i1 to i32
        %sign3A_1479 = arith.constant 0 : i32
        %sign3A_1480 = arith.cmpi slt, %jit3A_1467, %sign3A_1479 : i32
        %sign3A_1481 = arith.extui %sign3A_1480 : i1 to i32
        %sign3A_1482 = arith.subi %sign3A_1478, %sign3A_1481 : i32
        %ne3A_1483 = arith.cmpi ne, %sign3A_1475, %sign3A_1482 : i32
        %rem3A_1484 = arith.remsi %sub3A_1464, %jit3A_1467 : i32
        %ne3A_1485 = arith.constant 0 : i32
        %ne3A_1486 = arith.cmpi ne, %rem3A_1484, %ne3A_1485 : i32
        %and3A_1487 = arith.andi %ne3A_1483, %ne3A_1486 : i1
        %sub3A_1488 = arith.constant 1 : i32
        %sub3A_1489 = arith.subi %div3A_1468, %sub3A_1488 : i32
        %select_n3A_1490 = arith.select %and3A_1487, %sub3A_1489, %div3A_1468 : i32
        %add3A_1491 = arith.addi %mul3A_1466, %select_n3A_1490 : i32
        %jit3A_1492 = arith.constant 32 : i32
        %div3A_1493 = arith.divsi %add3A_1491, %jit3A_1492 : i32
        %sign3A_1494 = arith.constant 0 : i32
        %sign3A_1495 = arith.cmpi sgt, %add3A_1491, %sign3A_1494 : i32
        %sign3A_1496 = arith.extui %sign3A_1495 : i1 to i32
        %sign3A_1497 = arith.constant 0 : i32
        %sign3A_1498 = arith.cmpi slt, %add3A_1491, %sign3A_1497 : i32
        %sign3A_1499 = arith.extui %sign3A_1498 : i1 to i32
        %sign3A_1500 = arith.subi %sign3A_1496, %sign3A_1499 : i32
        %sign3A_1501 = arith.constant 0 : i32
        %sign3A_1502 = arith.cmpi sgt, %jit3A_1492, %sign3A_1501 : i32
        %sign3A_1503 = arith.extui %sign3A_1502 : i1 to i32
        %sign3A_1504 = arith.constant 0 : i32
        %sign3A_1505 = arith.cmpi slt, %jit3A_1492, %sign3A_1504 : i32
        %sign3A_1506 = arith.extui %sign3A_1505 : i1 to i32
        %sign3A_1507 = arith.subi %sign3A_1503, %sign3A_1506 : i32
        %ne3A_1508 = arith.cmpi ne, %sign3A_1500, %sign3A_1507 : i32
        %rem3A_1509 = arith.remsi %add3A_1491, %jit3A_1492 : i32
        %ne3A_1510 = arith.constant 0 : i32
        %ne3A_1511 = arith.cmpi ne, %rem3A_1509, %ne3A_1510 : i32
        %and3A_1512 = arith.andi %ne3A_1508, %ne3A_1511 : i1
        %sub3A_1513 = arith.constant 1 : i32
        %sub3A_1514 = arith.subi %div3A_1493, %sub3A_1513 : i32
        %select_n3A_1515 = arith.select %and3A_1512, %sub3A_1514, %div3A_1493 : i32
        %rem3A_1516 = arith.constant 32 : i32
        %rem3A_1517 = arith.remsi %add3A_1491, %rem3A_1516 : i32
        %mul3A_1518 = arith.constant 8 : i32
        %mul3A_1519 = arith.muli %select_n3A_1515, %mul3A_1518 : i32
        %rem3A_1520 = arith.constant 8 : i32
        %rem3A_1521 = arith.remsi %sub3A_1464, %rem3A_1520 : i32
        %add3A_1522 = arith.addi %mul3A_1519, %rem3A_1521 : i32
        %mul3A_1523 = arith.constant 128 : i32
        %mul3A_1524 = arith.muli %rem3A_1517, %mul3A_1523 : i32
        %mul3A_1525 = arith.constant 128 : i32
        %mul3A_1526 = arith.muli %add3A_1522, %mul3A_1525 : i32
        %dma_wait3A_1527 = arith.constant 1 : i32
        %dma_wait3A_1528 = arith.constant 0 : i32
        %dma_wait3A_1529 = arith.constant 0 : i32
        %dma_wait3A_1530 = tpu.memref_slice %arg6[%dma_wait3A_1527, %dma_wait3A_1528, %dma_wait3A_1529] : memref<8x128x64xf32, #tpu.memory_space<vmem>> -> memref<1x128x64xf32, #tpu.memory_space<vmem>>
        %dma_wait3A_1531 = tpu.memref_squeeze %dma_wait3A_1530 : memref<1x128x64xf32, #tpu.memory_space<vmem>> -> memref<128x64xf32, #tpu.memory_space<vmem>>
        %dma_wait3A_1532 = tpu.memref_slice %arg4[%mul3A_1524, %mul3A_1526] : memref<4096x25600xf32, #tpu.memory_space<hbm>> -> memref<128x64xf32, #tpu.memory_space<hbm>>
        %dma_wait3A_1533 = tpu.memref_slice %arg4[%mul3A_1524, %mul3A_1526] : memref<4096x25600xf32, #tpu.memory_space<hbm>> -> memref<128x64xf32, #tpu.memory_space<hbm>>
        %dma_wait3A_1534 = arith.constant 0 : i32
        %dma_wait3A_1535 = arith.constant 0 : i32
        %dma_wait3A_1536 = tpu.memref_slice %arg6[%dma_wait3A_1527, %dma_wait3A_1534, %dma_wait3A_1535] : memref<8x128x64xf32, #tpu.memory_space<vmem>> -> memref<1x128x64xf32, #tpu.memory_space<vmem>>
        %dma_wait3A_1537 = tpu.memref_squeeze %dma_wait3A_1536 : memref<1x128x64xf32, #tpu.memory_space<vmem>> -> memref<128x64xf32, #tpu.memory_space<vmem>>
        tpu.wait_dma2 semaphore(%arg16 : memref<!tpu.dma_semaphore, #tpu.memory_space<semaphore_mem>>) src(%dma_wait3A_1537 : memref<128x64xf32, #tpu.memory_space<vmem>>) dst(%dma_wait3A_1533 : memref<128x64xf32, #tpu.memory_space<hbm>>)
        %jit3A_1538 = arith.constant 8 : i32
        %div3A_1539 = arith.divsi %add3A_1213, %jit3A_1538 : i32
        %sign3A_1540 = arith.constant 0 : i32
        %sign3A_1541 = arith.cmpi sgt, %add3A_1213, %sign3A_1540 : i32
        %sign3A_1542 = arith.extui %sign3A_1541 : i1 to i32
        %sign3A_1543 = arith.constant 0 : i32
        %sign3A_1544 = arith.cmpi slt, %add3A_1213, %sign3A_1543 : i32
        %sign3A_1545 = arith.extui %sign3A_1544 : i1 to i32
        %sign3A_1546 = arith.subi %sign3A_1542, %sign3A_1545 : i32
        %sign3A_1547 = arith.constant 0 : i32
        %sign3A_1548 = arith.cmpi sgt, %jit3A_1538, %sign3A_1547 : i32
        %sign3A_1549 = arith.extui %sign3A_1548 : i1 to i32
        %sign3A_1550 = arith.constant 0 : i32
        %sign3A_1551 = arith.cmpi slt, %jit3A_1538, %sign3A_1550 : i32
        %sign3A_1552 = arith.extui %sign3A_1551 : i1 to i32
        %sign3A_1553 = arith.subi %sign3A_1549, %sign3A_1552 : i32
        %ne3A_1554 = arith.cmpi ne, %sign3A_1546, %sign3A_1553 : i32
        %rem3A_1555 = arith.remsi %add3A_1213, %jit3A_1538 : i32
        %ne3A_1556 = arith.constant 0 : i32
        %ne3A_1557 = arith.cmpi ne, %rem3A_1555, %ne3A_1556 : i32
        %and3A_1558 = arith.andi %ne3A_1554, %ne3A_1557 : i1
        %sub3A_1559 = arith.constant 1 : i32
        %sub3A_1560 = arith.subi %div3A_1539, %sub3A_1559 : i32
        %select_n3A_1561 = arith.select %and3A_1558, %sub3A_1560, %div3A_1539 : i32
        %rem3A_1562 = arith.constant 8 : i32
        %rem3A_1563 = arith.remsi %add3A_1213, %rem3A_1562 : i32
        %mul3A_1564 = arith.constant 128 : i32
        %mul3A_1565 = arith.muli %rem3A_1563, %mul3A_1564 : i32
        %dma_start3A_1566 = arith.constant 1 : i32
        %dma_start3A_1567 = arith.constant 0 : i32
        %dma_start3A_1568 = arith.constant 0 : i32
        %dma_start3A_1569 = tpu.memref_slice %arg6[%dma_start3A_1566, %dma_start3A_1567, %dma_start3A_1568] : memref<8x128x64xf32, #tpu.memory_space<vmem>> -> memref<1x128x64xf32, #tpu.memory_space<vmem>>
        %dma_start3A_1570 = tpu.memref_squeeze %dma_start3A_1569 : memref<1x128x64xf32, #tpu.memory_space<vmem>> -> memref<128x64xf32, #tpu.memory_space<vmem>>
        %dma_start3A_1571 = tpu.memref_slice %arg5[%select_n3A_1561, %mul3A_1565] : memref<25x1024xi32, #tpu.memory_space<vmem>> -> memref<1x128xi32, #tpu.memory_space<vmem>>
        %dma_start3A_1572 = tpu.memref_squeeze %dma_start3A_1571 : memref<1x128xi32, #tpu.memory_space<vmem>> -> memref<128xi32, #tpu.memory_space<vmem>>
        %dma_start3A_1573 = arith.constant 0 : i32
        %dma_start3A_1574 = arith.constant 0 : i32
        %dma_start3A_1575 = tpu.memref_slice %arg2[%dma_start3A_1573, %dma_start3A_1574] : memref<100000x64xf32, #tpu.memory_space<hbm>> -> memref<100000x64xf32, #tpu.memory_space<hbm>>
        tpu.enqueue_indirect_dma source(%dma_start3A_1575 : memref<100000x64xf32, #tpu.memory_space<hbm>>) target(%dma_start3A_1570 : memref<128x64xf32, #tpu.memory_space<vmem>>) offsets(%dma_start3A_1572 : memref<128xi32, #tpu.memory_space<vmem>>) semaphore(%arg8 : memref<!tpu.dma_semaphore, #tpu.memory_space<semaphore_mem>>)
      } else {
      }
      %mul3A_1219 = arith.constant 8 : i32
      %mul3A_1220 = arith.muli %scan3A_470, %mul3A_1219 : i32
      %add3A_1221 = arith.constant 6 : i32
      %add3A_1222 = arith.addi %mul3A_1220, %add3A_1221 : i32
      %jit3A_1223 = arith.constant 8 : i32
      %div3A_1224 = arith.divsi %add3A_1222, %jit3A_1223 : i32
      %sign3A_1225 = arith.constant 0 : i32
      %sign3A_1226 = arith.cmpi sgt, %add3A_1222, %sign3A_1225 : i32
      %sign3A_1227 = arith.extui %sign3A_1226 : i1 to i32
      %sign3A_1228 = arith.constant 0 : i32
      %sign3A_1229 = arith.cmpi slt, %add3A_1222, %sign3A_1228 : i32
      %sign3A_1230 = arith.extui %sign3A_1229 : i1 to i32
      %sign3A_1231 = arith.subi %sign3A_1227, %sign3A_1230 : i32
      %sign3A_1232 = arith.constant 0 : i32
      %sign3A_1233 = arith.cmpi sgt, %jit3A_1223, %sign3A_1232 : i32
      %sign3A_1234 = arith.extui %sign3A_1233 : i1 to i32
      %sign3A_1235 = arith.constant 0 : i32
      %sign3A_1236 = arith.cmpi slt, %jit3A_1223, %sign3A_1235 : i32
      %sign3A_1237 = arith.extui %sign3A_1236 : i1 to i32
      %sign3A_1238 = arith.subi %sign3A_1234, %sign3A_1237 : i32
      %ne3A_1239 = arith.cmpi ne, %sign3A_1231, %sign3A_1238 : i32
      %rem3A_1240 = arith.remsi %add3A_1222, %jit3A_1223 : i32
      %ne3A_1241 = arith.constant 0 : i32
      %ne3A_1242 = arith.cmpi ne, %rem3A_1240, %ne3A_1241 : i32
      %and3A_1243 = arith.andi %ne3A_1239, %ne3A_1242 : i1
      %sub3A_1244 = arith.constant 1 : i32
      %sub3A_1245 = arith.subi %div3A_1224, %sub3A_1244 : i32
      %select_n3A_1246 = arith.select %and3A_1243, %sub3A_1245, %div3A_1224 : i32
      %rem3A_1247 = arith.constant 8 : i32
      %rem3A_1248 = arith.remsi %add3A_1222, %rem3A_1247 : i32
      %mul3A_1249 = arith.constant 128 : i32
      %mul3A_1250 = arith.muli %rem3A_1248, %mul3A_1249 : i32
      %dma_wait3A_1251 = arith.constant 6 : i32
      %dma_wait3A_1252 = arith.constant 0 : i32
      %dma_wait3A_1253 = arith.constant 0 : i32
      %dma_wait3A_1254 = tpu.memref_slice %arg6[%dma_wait3A_1251, %dma_wait3A_1252, %dma_wait3A_1253] : memref<8x128x64xf32, #tpu.memory_space<vmem>> -> memref<1x128x64xf32, #tpu.memory_space<vmem>>
      %dma_wait3A_1255 = tpu.memref_squeeze %dma_wait3A_1254 : memref<1x128x64xf32, #tpu.memory_space<vmem>> -> memref<128x64xf32, #tpu.memory_space<vmem>>
      %dma_wait3A_1256 = tpu.memref_slice %arg5[%select_n3A_1246, %mul3A_1250] : memref<25x1024xi32, #tpu.memory_space<vmem>> -> memref<1x128xi32, #tpu.memory_space<vmem>>
      %dma_wait3A_1257 = tpu.memref_squeeze %dma_wait3A_1256 : memref<1x128xi32, #tpu.memory_space<vmem>> -> memref<128xi32, #tpu.memory_space<vmem>>
      %dma_wait3A_1258 = arith.constant 0 : i32
      %dma_wait3A_1259 = arith.constant 0 : i32
      %dma_wait3A_1260 = tpu.memref_slice %arg2[%dma_wait3A_1258, %dma_wait3A_1259] : memref<100000x64xf32, #tpu.memory_space<hbm>> -> memref<100000x64xf32, #tpu.memory_space<hbm>>
      tpu.wait_indirect_dma semaphore(%arg13 : memref<!tpu.dma_semaphore, #tpu.memory_space<semaphore_mem>>) src(%dma_wait3A_1260 : memref<100000x64xf32, #tpu.memory_space<hbm>>) dst(%dma_wait3A_1255 : memref<128x64xf32, #tpu.memory_space<vmem>>)
      %mul3A_1261 = arith.constant 25 : i32
      %mul3A_1262 = arith.muli %add3A, %mul3A_1261 : i32
      %jit3A_1263 = arith.constant 8 : i32
      %div3A_1264 = arith.divsi %add3A_1222, %jit3A_1263 : i32
      %sign3A_1265 = arith.constant 0 : i32
      %sign3A_1266 = arith.cmpi sgt, %add3A_1222, %sign3A_1265 : i32
      %sign3A_1267 = arith.extui %sign3A_1266 : i1 to i32
      %sign3A_1268 = arith.constant 0 : i32
      %sign3A_1269 = arith.cmpi slt, %add3A_1222, %sign3A_1268 : i32
      %sign3A_1270 = arith.extui %sign3A_1269 : i1 to i32
      %sign3A_1271 = arith.subi %sign3A_1267, %sign3A_1270 : i32
      %sign3A_1272 = arith.constant 0 : i32
      %sign3A_1273 = arith.cmpi sgt, %jit3A_1263, %sign3A_1272 : i32
      %sign3A_1274 = arith.extui %sign3A_1273 : i1 to i32
      %sign3A_1275 = arith.constant 0 : i32
      %sign3A_1276 = arith.cmpi slt, %jit3A_1263, %sign3A_1275 : i32
      %sign3A_1277 = arith.extui %sign3A_1276 : i1 to i32
      %sign3A_1278 = arith.subi %sign3A_1274, %sign3A_1277 : i32
      %ne3A_1279 = arith.cmpi ne, %sign3A_1271, %sign3A_1278 : i32
      %rem3A_1280 = arith.remsi %add3A_1222, %jit3A_1263 : i32
      %ne3A_1281 = arith.constant 0 : i32
      %ne3A_1282 = arith.cmpi ne, %rem3A_1280, %ne3A_1281 : i32
      %and3A_1283 = arith.andi %ne3A_1279, %ne3A_1282 : i1
      %sub3A_1284 = arith.constant 1 : i32
      %sub3A_1285 = arith.subi %div3A_1264, %sub3A_1284 : i32
      %select_n3A_1286 = arith.select %and3A_1283, %sub3A_1285, %div3A_1264 : i32
      %add3A_1287 = arith.addi %mul3A_1262, %select_n3A_1286 : i32
      %jit3A_1288 = arith.constant 32 : i32
      %div3A_1289 = arith.divsi %add3A_1287, %jit3A_1288 : i32
      %sign3A_1290 = arith.constant 0 : i32
      %sign3A_1291 = arith.cmpi sgt, %add3A_1287, %sign3A_1290 : i32
      %sign3A_1292 = arith.extui %sign3A_1291 : i1 to i32
      %sign3A_1293 = arith.constant 0 : i32
      %sign3A_1294 = arith.cmpi slt, %add3A_1287, %sign3A_1293 : i32
      %sign3A_1295 = arith.extui %sign3A_1294 : i1 to i32
      %sign3A_1296 = arith.subi %sign3A_1292, %sign3A_1295 : i32
      %sign3A_1297 = arith.constant 0 : i32
      %sign3A_1298 = arith.cmpi sgt, %jit3A_1288, %sign3A_1297 : i32
      %sign3A_1299 = arith.extui %sign3A_1298 : i1 to i32
      %sign3A_1300 = arith.constant 0 : i32
      %sign3A_1301 = arith.cmpi slt, %jit3A_1288, %sign3A_1300 : i32
      %sign3A_1302 = arith.extui %sign3A_1301 : i1 to i32
      %sign3A_1303 = arith.subi %sign3A_1299, %sign3A_1302 : i32
      %ne3A_1304 = arith.cmpi ne, %sign3A_1296, %sign3A_1303 : i32
      %rem3A_1305 = arith.remsi %add3A_1287, %jit3A_1288 : i32
      %ne3A_1306 = arith.constant 0 : i32
      %ne3A_1307 = arith.cmpi ne, %rem3A_1305, %ne3A_1306 : i32
      %and3A_1308 = arith.andi %ne3A_1304, %ne3A_1307 : i1
      %sub3A_1309 = arith.constant 1 : i32
      %sub3A_1310 = arith.subi %div3A_1289, %sub3A_1309 : i32
      %select_n3A_1311 = arith.select %and3A_1308, %sub3A_1310, %div3A_1289 : i32
      %rem3A_1312 = arith.constant 32 : i32
      %rem3A_1313 = arith.remsi %add3A_1287, %rem3A_1312 : i32
      %mul3A_1314 = arith.constant 8 : i32
      %mul3A_1315 = arith.muli %select_n3A_1311, %mul3A_1314 : i32
      %rem3A_1316 = arith.constant 8 : i32
      %rem3A_1317 = arith.remsi %add3A_1222, %rem3A_1316 : i32
      %add3A_1318 = arith.addi %mul3A_1315, %rem3A_1317 : i32
      %mul3A_1319 = arith.constant 128 : i32
      %mul3A_1320 = arith.muli %rem3A_1313, %mul3A_1319 : i32
      %mul3A_1321 = arith.constant 128 : i32
      %mul3A_1322 = arith.muli %add3A_1318, %mul3A_1321 : i32
      %dma_start3A_1323 = arith.constant 6 : i32
      %dma_start3A_1324 = arith.constant 0 : i32
      %dma_start3A_1325 = arith.constant 0 : i32
      %dma_start3A_1326 = tpu.memref_slice %arg6[%dma_start3A_1323, %dma_start3A_1324, %dma_start3A_1325] : memref<8x128x64xf32, #tpu.memory_space<vmem>> -> memref<1x128x64xf32, #tpu.memory_space<vmem>>
      %dma_start3A_1327 = tpu.memref_squeeze %dma_start3A_1326 : memref<1x128x64xf32, #tpu.memory_space<vmem>> -> memref<128x64xf32, #tpu.memory_space<vmem>>
      %dma_start3A_1328 = tpu.memref_slice %arg4[%mul3A_1320, %mul3A_1322] : memref<4096x25600xf32, #tpu.memory_space<hbm>> -> memref<128x64xf32, #tpu.memory_space<hbm>>
      %dma_start3A_1329 = tpu.memref_slice %arg4[%mul3A_1320, %mul3A_1322] : memref<4096x25600xf32, #tpu.memory_space<hbm>> -> memref<128x64xf32, #tpu.memory_space<hbm>>
      %dma_start3A_1330 = arith.constant 0 : i32
      %dma_start3A_1331 = arith.constant 0 : i32
      %dma_start3A_1332 = tpu.memref_slice %arg6[%dma_start3A_1323, %dma_start3A_1330, %dma_start3A_1331] : memref<8x128x64xf32, #tpu.memory_space<vmem>> -> memref<1x128x64xf32, #tpu.memory_space<vmem>>
      %dma_start3A_1333 = tpu.memref_squeeze %dma_start3A_1332 : memref<1x128x64xf32, #tpu.memory_space<vmem>> -> memref<128x64xf32, #tpu.memory_space<vmem>>
      tpu.enqueue_dma source(%dma_start3A_1333 : memref<128x64xf32, #tpu.memory_space<vmem>>) target(%dma_start3A_1329 : memref<128x64xf32, #tpu.memory_space<hbm>>) target_semaphore(%arg21 : memref<!tpu.dma_semaphore, #tpu.memory_space<semaphore_mem>>)
      %add3A_1334 = arith.constant 4 : i32
      %add3A_1335 = arith.addi %add3A_1222, %add3A_1334 : i32
      %lt3A_1336 = arith.constant 24 : i32
      %lt3A_1337 = arith.cmpi slt, %scan3A_470, %lt3A_1336 : i32
      %convert_element_type3A_1338 = arith.extui %lt3A_1337 : i1 to i32
      %cond3A_1339 = arith.constant 0 : i32
      %cond3A_1340 = arith.cmpi ne, %convert_element_type3A_1338, %cond3A_1339 : i32
      scf.if %cond3A_1340 {
        %sub3A_1463 = arith.constant 8 : i32
        %sub3A_1464 = arith.subi %add3A_1335, %sub3A_1463 : i32
        %mul3A_1465 = arith.constant 25 : i32
        %mul3A_1466 = arith.muli %add3A, %mul3A_1465 : i32
        %jit3A_1467 = arith.constant 8 : i32
        %div3A_1468 = arith.divsi %sub3A_1464, %jit3A_1467 : i32
        %sign3A_1469 = arith.constant 0 : i32
        %sign3A_1470 = arith.cmpi sgt, %sub3A_1464, %sign3A_1469 : i32
        %sign3A_1471 = arith.extui %sign3A_1470 : i1 to i32
        %sign3A_1472 = arith.constant 0 : i32
        %sign3A_1473 = arith.cmpi slt, %sub3A_1464, %sign3A_1472 : i32
        %sign3A_1474 = arith.extui %sign3A_1473 : i1 to i32
        %sign3A_1475 = arith.subi %sign3A_1471, %sign3A_1474 : i32
        %sign3A_1476 = arith.constant 0 : i32
        %sign3A_1477 = arith.cmpi sgt, %jit3A_1467, %sign3A_1476 : i32
        %sign3A_1478 = arith.extui %sign3A_1477 : i1 to i32
        %sign3A_1479 = arith.constant 0 : i32
        %sign3A_1480 = arith.cmpi slt, %jit3A_1467, %sign3A_1479 : i32
        %sign3A_1481 = arith.extui %sign3A_1480 : i1 to i32
        %sign3A_1482 = arith.subi %sign3A_1478, %sign3A_1481 : i32
        %ne3A_1483 = arith.cmpi ne, %sign3A_1475, %sign3A_1482 : i32
        %rem3A_1484 = arith.remsi %sub3A_1464, %jit3A_1467 : i32
        %ne3A_1485 = arith.constant 0 : i32
        %ne3A_1486 = arith.cmpi ne, %rem3A_1484, %ne3A_1485 : i32
        %and3A_1487 = arith.andi %ne3A_1483, %ne3A_1486 : i1
        %sub3A_1488 = arith.constant 1 : i32
        %sub3A_1489 = arith.subi %div3A_1468, %sub3A_1488 : i32
        %select_n3A_1490 = arith.select %and3A_1487, %sub3A_1489, %div3A_1468 : i32
        %add3A_1491 = arith.addi %mul3A_1466, %select_n3A_1490 : i32
        %jit3A_1492 = arith.constant 32 : i32
        %div3A_1493 = arith.divsi %add3A_1491, %jit3A_1492 : i32
        %sign3A_1494 = arith.constant 0 : i32
        %sign3A_1495 = arith.cmpi sgt, %add3A_1491, %sign3A_1494 : i32
        %sign3A_1496 = arith.extui %sign3A_1495 : i1 to i32
        %sign3A_1497 = arith.constant 0 : i32
        %sign3A_1498 = arith.cmpi slt, %add3A_1491, %sign3A_1497 : i32
        %sign3A_1499 = arith.extui %sign3A_1498 : i1 to i32
        %sign3A_1500 = arith.subi %sign3A_1496, %sign3A_1499 : i32
        %sign3A_1501 = arith.constant 0 : i32
        %sign3A_1502 = arith.cmpi sgt, %jit3A_1492, %sign3A_1501 : i32
        %sign3A_1503 = arith.extui %sign3A_1502 : i1 to i32
        %sign3A_1504 = arith.constant 0 : i32
        %sign3A_1505 = arith.cmpi slt, %jit3A_1492, %sign3A_1504 : i32
        %sign3A_1506 = arith.extui %sign3A_1505 : i1 to i32
        %sign3A_1507 = arith.subi %sign3A_1503, %sign3A_1506 : i32
        %ne3A_1508 = arith.cmpi ne, %sign3A_1500, %sign3A_1507 : i32
        %rem3A_1509 = arith.remsi %add3A_1491, %jit3A_1492 : i32
        %ne3A_1510 = arith.constant 0 : i32
        %ne3A_1511 = arith.cmpi ne, %rem3A_1509, %ne3A_1510 : i32
        %and3A_1512 = arith.andi %ne3A_1508, %ne3A_1511 : i1
        %sub3A_1513 = arith.constant 1 : i32
        %sub3A_1514 = arith.subi %div3A_1493, %sub3A_1513 : i32
        %select_n3A_1515 = arith.select %and3A_1512, %sub3A_1514, %div3A_1493 : i32
        %rem3A_1516 = arith.constant 32 : i32
        %rem3A_1517 = arith.remsi %add3A_1491, %rem3A_1516 : i32
        %mul3A_1518 = arith.constant 8 : i32
        %mul3A_1519 = arith.muli %select_n3A_1515, %mul3A_1518 : i32
        %rem3A_1520 = arith.constant 8 : i32
        %rem3A_1521 = arith.remsi %sub3A_1464, %rem3A_1520 : i32
        %add3A_1522 = arith.addi %mul3A_1519, %rem3A_1521 : i32
        %mul3A_1523 = arith.constant 128 : i32
        %mul3A_1524 = arith.muli %rem3A_1517, %mul3A_1523 : i32
        %mul3A_1525 = arith.constant 128 : i32
        %mul3A_1526 = arith.muli %add3A_1522, %mul3A_1525 : i32
        %dma_wait3A_1527 = arith.constant 2 : i32
        %dma_wait3A_1528 = arith.constant 0 : i32
        %dma_wait3A_1529 = arith.constant 0 : i32
        %dma_wait3A_1530 = tpu.memref_slice %arg6[%dma_wait3A_1527, %dma_wait3A_1528, %dma_wait3A_1529] : memref<8x128x64xf32, #tpu.memory_space<vmem>> -> memref<1x128x64xf32, #tpu.memory_space<vmem>>
        %dma_wait3A_1531 = tpu.memref_squeeze %dma_wait3A_1530 : memref<1x128x64xf32, #tpu.memory_space<vmem>> -> memref<128x64xf32, #tpu.memory_space<vmem>>
        %dma_wait3A_1532 = tpu.memref_slice %arg4[%mul3A_1524, %mul3A_1526] : memref<4096x25600xf32, #tpu.memory_space<hbm>> -> memref<128x64xf32, #tpu.memory_space<hbm>>
        %dma_wait3A_1533 = tpu.memref_slice %arg4[%mul3A_1524, %mul3A_1526] : memref<4096x25600xf32, #tpu.memory_space<hbm>> -> memref<128x64xf32, #tpu.memory_space<hbm>>
        %dma_wait3A_1534 = arith.constant 0 : i32
        %dma_wait3A_1535 = arith.constant 0 : i32
        %dma_wait3A_1536 = tpu.memref_slice %arg6[%dma_wait3A_1527, %dma_wait3A_1534, %dma_wait3A_1535] : memref<8x128x64xf32, #tpu.memory_space<vmem>> -> memref<1x128x64xf32, #tpu.memory_space<vmem>>
        %dma_wait3A_1537 = tpu.memref_squeeze %dma_wait3A_1536 : memref<1x128x64xf32, #tpu.memory_space<vmem>> -> memref<128x64xf32, #tpu.memory_space<vmem>>
        tpu.wait_dma2 semaphore(%arg17 : memref<!tpu.dma_semaphore, #tpu.memory_space<semaphore_mem>>) src(%dma_wait3A_1537 : memref<128x64xf32, #tpu.memory_space<vmem>>) dst(%dma_wait3A_1533 : memref<128x64xf32, #tpu.memory_space<hbm>>)
        %jit3A_1538 = arith.constant 8 : i32
        %div3A_1539 = arith.divsi %add3A_1335, %jit3A_1538 : i32
        %sign3A_1540 = arith.constant 0 : i32
        %sign3A_1541 = arith.cmpi sgt, %add3A_1335, %sign3A_1540 : i32
        %sign3A_1542 = arith.extui %sign3A_1541 : i1 to i32
        %sign3A_1543 = arith.constant 0 : i32
        %sign3A_1544 = arith.cmpi slt, %add3A_1335, %sign3A_1543 : i32
        %sign3A_1545 = arith.extui %sign3A_1544 : i1 to i32
        %sign3A_1546 = arith.subi %sign3A_1542, %sign3A_1545 : i32
        %sign3A_1547 = arith.constant 0 : i32
        %sign3A_1548 = arith.cmpi sgt, %jit3A_1538, %sign3A_1547 : i32
        %sign3A_1549 = arith.extui %sign3A_1548 : i1 to i32
        %sign3A_1550 = arith.constant 0 : i32
        %sign3A_1551 = arith.cmpi slt, %jit3A_1538, %sign3A_1550 : i32
        %sign3A_1552 = arith.extui %sign3A_1551 : i1 to i32
        %sign3A_1553 = arith.subi %sign3A_1549, %sign3A_1552 : i32
        %ne3A_1554 = arith.cmpi ne, %sign3A_1546, %sign3A_1553 : i32
        %rem3A_1555 = arith.remsi %add3A_1335, %jit3A_1538 : i32
        %ne3A_1556 = arith.constant 0 : i32
        %ne3A_1557 = arith.cmpi ne, %rem3A_1555, %ne3A_1556 : i32
        %and3A_1558 = arith.andi %ne3A_1554, %ne3A_1557 : i1
        %sub3A_1559 = arith.constant 1 : i32
        %sub3A_1560 = arith.subi %div3A_1539, %sub3A_1559 : i32
        %select_n3A_1561 = arith.select %and3A_1558, %sub3A_1560, %div3A_1539 : i32
        %rem3A_1562 = arith.constant 8 : i32
        %rem3A_1563 = arith.remsi %add3A_1335, %rem3A_1562 : i32
        %mul3A_1564 = arith.constant 128 : i32
        %mul3A_1565 = arith.muli %rem3A_1563, %mul3A_1564 : i32
        %dma_start3A_1566 = arith.constant 2 : i32
        %dma_start3A_1567 = arith.constant 0 : i32
        %dma_start3A_1568 = arith.constant 0 : i32
        %dma_start3A_1569 = tpu.memref_slice %arg6[%dma_start3A_1566, %dma_start3A_1567, %dma_start3A_1568] : memref<8x128x64xf32, #tpu.memory_space<vmem>> -> memref<1x128x64xf32, #tpu.memory_space<vmem>>
        %dma_start3A_1570 = tpu.memref_squeeze %dma_start3A_1569 : memref<1x128x64xf32, #tpu.memory_space<vmem>> -> memref<128x64xf32, #tpu.memory_space<vmem>>
        %dma_start3A_1571 = tpu.memref_slice %arg5[%select_n3A_1561, %mul3A_1565] : memref<25x1024xi32, #tpu.memory_space<vmem>> -> memref<1x128xi32, #tpu.memory_space<vmem>>
        %dma_start3A_1572 = tpu.memref_squeeze %dma_start3A_1571 : memref<1x128xi32, #tpu.memory_space<vmem>> -> memref<128xi32, #tpu.memory_space<vmem>>
        %dma_start3A_1573 = arith.constant 0 : i32
        %dma_start3A_1574 = arith.constant 0 : i32
        %dma_start3A_1575 = tpu.memref_slice %arg2[%dma_start3A_1573, %dma_start3A_1574] : memref<100000x64xf32, #tpu.memory_space<hbm>> -> memref<100000x64xf32, #tpu.memory_space<hbm>>
        tpu.enqueue_indirect_dma source(%dma_start3A_1575 : memref<100000x64xf32, #tpu.memory_space<hbm>>) target(%dma_start3A_1570 : memref<128x64xf32, #tpu.memory_space<vmem>>) offsets(%dma_start3A_1572 : memref<128xi32, #tpu.memory_space<vmem>>) semaphore(%arg9 : memref<!tpu.dma_semaphore, #tpu.memory_space<semaphore_mem>>)
      } else {
      }
      %mul3A_1341 = arith.constant 8 : i32
      %mul3A_1342 = arith.muli %scan3A_470, %mul3A_1341 : i32
      %add3A_1343 = arith.constant 7 : i32
      %add3A_1344 = arith.addi %mul3A_1342, %add3A_1343 : i32
      %jit3A_1345 = arith.constant 8 : i32
      %div3A_1346 = arith.divsi %add3A_1344, %jit3A_1345 : i32
      %sign3A_1347 = arith.constant 0 : i32
      %sign3A_1348 = arith.cmpi sgt, %add3A_1344, %sign3A_1347 : i32
      %sign3A_1349 = arith.extui %sign3A_1348 : i1 to i32
      %sign3A_1350 = arith.constant 0 : i32
      %sign3A_1351 = arith.cmpi slt, %add3A_1344, %sign3A_1350 : i32
      %sign3A_1352 = arith.extui %sign3A_1351 : i1 to i32
      %sign3A_1353 = arith.subi %sign3A_1349, %sign3A_1352 : i32
      %sign3A_1354 = arith.constant 0 : i32
      %sign3A_1355 = arith.cmpi sgt, %jit3A_1345, %sign3A_1354 : i32
      %sign3A_1356 = arith.extui %sign3A_1355 : i1 to i32
      %sign3A_1357 = arith.constant 0 : i32
      %sign3A_1358 = arith.cmpi slt, %jit3A_1345, %sign3A_1357 : i32
      %sign3A_1359 = arith.extui %sign3A_1358 : i1 to i32
      %sign3A_1360 = arith.subi %sign3A_1356, %sign3A_1359 : i32
      %ne3A_1361 = arith.cmpi ne, %sign3A_1353, %sign3A_1360 : i32
      %rem3A_1362 = arith.remsi %add3A_1344, %jit3A_1345 : i32
      %ne3A_1363 = arith.constant 0 : i32
      %ne3A_1364 = arith.cmpi ne, %rem3A_1362, %ne3A_1363 : i32
      %and3A_1365 = arith.andi %ne3A_1361, %ne3A_1364 : i1
      %sub3A_1366 = arith.constant 1 : i32
      %sub3A_1367 = arith.subi %div3A_1346, %sub3A_1366 : i32
      %select_n3A_1368 = arith.select %and3A_1365, %sub3A_1367, %div3A_1346 : i32
      %rem3A_1369 = arith.constant 8 : i32
      %rem3A_1370 = arith.remsi %add3A_1344, %rem3A_1369 : i32
      %mul3A_1371 = arith.constant 128 : i32
      %mul3A_1372 = arith.muli %rem3A_1370, %mul3A_1371 : i32
      %dma_wait3A_1373 = arith.constant 7 : i32
      %dma_wait3A_1374 = arith.constant 0 : i32
      %dma_wait3A_1375 = arith.constant 0 : i32
      %dma_wait3A_1376 = tpu.memref_slice %arg6[%dma_wait3A_1373, %dma_wait3A_1374, %dma_wait3A_1375] : memref<8x128x64xf32, #tpu.memory_space<vmem>> -> memref<1x128x64xf32, #tpu.memory_space<vmem>>
      %dma_wait3A_1377 = tpu.memref_squeeze %dma_wait3A_1376 : memref<1x128x64xf32, #tpu.memory_space<vmem>> -> memref<128x64xf32, #tpu.memory_space<vmem>>
      %dma_wait3A_1378 = tpu.memref_slice %arg5[%select_n3A_1368, %mul3A_1372] : memref<25x1024xi32, #tpu.memory_space<vmem>> -> memref<1x128xi32, #tpu.memory_space<vmem>>
      %dma_wait3A_1379 = tpu.memref_squeeze %dma_wait3A_1378 : memref<1x128xi32, #tpu.memory_space<vmem>> -> memref<128xi32, #tpu.memory_space<vmem>>
      %dma_wait3A_1380 = arith.constant 0 : i32
      %dma_wait3A_1381 = arith.constant 0 : i32
      %dma_wait3A_1382 = tpu.memref_slice %arg2[%dma_wait3A_1380, %dma_wait3A_1381] : memref<100000x64xf32, #tpu.memory_space<hbm>> -> memref<100000x64xf32, #tpu.memory_space<hbm>>
      tpu.wait_indirect_dma semaphore(%arg14 : memref<!tpu.dma_semaphore, #tpu.memory_space<semaphore_mem>>) src(%dma_wait3A_1382 : memref<100000x64xf32, #tpu.memory_space<hbm>>) dst(%dma_wait3A_1377 : memref<128x64xf32, #tpu.memory_space<vmem>>)
      %mul3A_1383 = arith.constant 25 : i32
      %mul3A_1384 = arith.muli %add3A, %mul3A_1383 : i32
      %jit3A_1385 = arith.constant 8 : i32
      %div3A_1386 = arith.divsi %add3A_1344, %jit3A_1385 : i32
      %sign3A_1387 = arith.constant 0 : i32
      %sign3A_1388 = arith.cmpi sgt, %add3A_1344, %sign3A_1387 : i32
      %sign3A_1389 = arith.extui %sign3A_1388 : i1 to i32
      %sign3A_1390 = arith.constant 0 : i32
      %sign3A_1391 = arith.cmpi slt, %add3A_1344, %sign3A_1390 : i32
      %sign3A_1392 = arith.extui %sign3A_1391 : i1 to i32
      %sign3A_1393 = arith.subi %sign3A_1389, %sign3A_1392 : i32
      %sign3A_1394 = arith.constant 0 : i32
      %sign3A_1395 = arith.cmpi sgt, %jit3A_1385, %sign3A_1394 : i32
      %sign3A_1396 = arith.extui %sign3A_1395 : i1 to i32
      %sign3A_1397 = arith.constant 0 : i32
      %sign3A_1398 = arith.cmpi slt, %jit3A_1385, %sign3A_1397 : i32
      %sign3A_1399 = arith.extui %sign3A_1398 : i1 to i32
      %sign3A_1400 = arith.subi %sign3A_1396, %sign3A_1399 : i32
      %ne3A_1401 = arith.cmpi ne, %sign3A_1393, %sign3A_1400 : i32
      %rem3A_1402 = arith.remsi %add3A_1344, %jit3A_1385 : i32
      %ne3A_1403 = arith.constant 0 : i32
      %ne3A_1404 = arith.cmpi ne, %rem3A_1402, %ne3A_1403 : i32
      %and3A_1405 = arith.andi %ne3A_1401, %ne3A_1404 : i1
      %sub3A_1406 = arith.constant 1 : i32
      %sub3A_1407 = arith.subi %div3A_1386, %sub3A_1406 : i32
      %select_n3A_1408 = arith.select %and3A_1405, %sub3A_1407, %div3A_1386 : i32
      %add3A_1409 = arith.addi %mul3A_1384, %select_n3A_1408 : i32
      %jit3A_1410 = arith.constant 32 : i32
      %div3A_1411 = arith.divsi %add3A_1409, %jit3A_1410 : i32
      %sign3A_1412 = arith.constant 0 : i32
      %sign3A_1413 = arith.cmpi sgt, %add3A_1409, %sign3A_1412 : i32
      %sign3A_1414 = arith.extui %sign3A_1413 : i1 to i32
      %sign3A_1415 = arith.constant 0 : i32
      %sign3A_1416 = arith.cmpi slt, %add3A_1409, %sign3A_1415 : i32
      %sign3A_1417 = arith.extui %sign3A_1416 : i1 to i32
      %sign3A_1418 = arith.subi %sign3A_1414, %sign3A_1417 : i32
      %sign3A_1419 = arith.constant 0 : i32
      %sign3A_1420 = arith.cmpi sgt, %jit3A_1410, %sign3A_1419 : i32
      %sign3A_1421 = arith.extui %sign3A_1420 : i1 to i32
      %sign3A_1422 = arith.constant 0 : i32
      %sign3A_1423 = arith.cmpi slt, %jit3A_1410, %sign3A_1422 : i32
      %sign3A_1424 = arith.extui %sign3A_1423 : i1 to i32
      %sign3A_1425 = arith.subi %sign3A_1421, %sign3A_1424 : i32
      %ne3A_1426 = arith.cmpi ne, %sign3A_1418, %sign3A_1425 : i32
      %rem3A_1427 = arith.remsi %add3A_1409, %jit3A_1410 : i32
      %ne3A_1428 = arith.constant 0 : i32
      %ne3A_1429 = arith.cmpi ne, %rem3A_1427, %ne3A_1428 : i32
      %and3A_1430 = arith.andi %ne3A_1426, %ne3A_1429 : i1
      %sub3A_1431 = arith.constant 1 : i32
      %sub3A_1432 = arith.subi %div3A_1411, %sub3A_1431 : i32
      %select_n3A_1433 = arith.select %and3A_1430, %sub3A_1432, %div3A_1411 : i32
      %rem3A_1434 = arith.constant 32 : i32
      %rem3A_1435 = arith.remsi %add3A_1409, %rem3A_1434 : i32
      %mul3A_1436 = arith.constant 8 : i32
      %mul3A_1437 = arith.muli %select_n3A_1433, %mul3A_1436 : i32
      %rem3A_1438 = arith.constant 8 : i32
      %rem3A_1439 = arith.remsi %add3A_1344, %rem3A_1438 : i32
      %add3A_1440 = arith.addi %mul3A_1437, %rem3A_1439 : i32
      %mul3A_1441 = arith.constant 128 : i32
      %mul3A_1442 = arith.muli %rem3A_1435, %mul3A_1441 : i32
      %mul3A_1443 = arith.constant 128 : i32
      %mul3A_1444 = arith.muli %add3A_1440, %mul3A_1443 : i32
      %dma_start3A_1445 = arith.constant 7 : i32
      %dma_start3A_1446 = arith.constant 0 : i32
      %dma_start3A_1447 = arith.constant 0 : i32
      %dma_start3A_1448 = tpu.memref_slice %arg6[%dma_start3A_1445, %dma_start3A_1446, %dma_start3A_1447] : memref<8x128x64xf32, #tpu.memory_space<vmem>> -> memref<1x128x64xf32, #tpu.memory_space<vmem>>
      %dma_start3A_1449 = tpu.memref_squeeze %dma_start3A_1448 : memref<1x128x64xf32, #tpu.memory_space<vmem>> -> memref<128x64xf32, #tpu.memory_space<vmem>>
      %dma_start3A_1450 = tpu.memref_slice %arg4[%mul3A_1442, %mul3A_1444] : memref<4096x25600xf32, #tpu.memory_space<hbm>> -> memref<128x64xf32, #tpu.memory_space<hbm>>
      %dma_start3A_1451 = tpu.memref_slice %arg4[%mul3A_1442, %mul3A_1444] : memref<4096x25600xf32, #tpu.memory_space<hbm>> -> memref<128x64xf32, #tpu.memory_space<hbm>>
      %dma_start3A_1452 = arith.constant 0 : i32
      %dma_start3A_1453 = arith.constant 0 : i32
      %dma_start3A_1454 = tpu.memref_slice %arg6[%dma_start3A_1445, %dma_start3A_1452, %dma_start3A_1453] : memref<8x128x64xf32, #tpu.memory_space<vmem>> -> memref<1x128x64xf32, #tpu.memory_space<vmem>>
      %dma_start3A_1455 = tpu.memref_squeeze %dma_start3A_1454 : memref<1x128x64xf32, #tpu.memory_space<vmem>> -> memref<128x64xf32, #tpu.memory_space<vmem>>
      tpu.enqueue_dma source(%dma_start3A_1455 : memref<128x64xf32, #tpu.memory_space<vmem>>) target(%dma_start3A_1451 : memref<128x64xf32, #tpu.memory_space<hbm>>) target_semaphore(%arg22 : memref<!tpu.dma_semaphore, #tpu.memory_space<semaphore_mem>>)
      %add3A_1456 = arith.constant 4 : i32
      %add3A_1457 = arith.addi %add3A_1344, %add3A_1456 : i32
      %lt3A_1458 = arith.constant 24 : i32
      %lt3A_1459 = arith.cmpi slt, %scan3A_470, %lt3A_1458 : i32
      %convert_element_type3A_1460 = arith.extui %lt3A_1459 : i1 to i32
      %cond3A_1461 = arith.constant 0 : i32
      %cond3A_1462 = arith.cmpi ne, %convert_element_type3A_1460, %cond3A_1461 : i32
      scf.if %cond3A_1462 {
        %sub3A_1463 = arith.constant 8 : i32
        %sub3A_1464 = arith.subi %add3A_1457, %sub3A_1463 : i32
        %mul3A_1465 = arith.constant 25 : i32
        %mul3A_1466 = arith.muli %add3A, %mul3A_1465 : i32
        %jit3A_1467 = arith.constant 8 : i32
        %div3A_1468 = arith.divsi %sub3A_1464, %jit3A_1467 : i32
        %sign3A_1469 = arith.constant 0 : i32
        %sign3A_1470 = arith.cmpi sgt, %sub3A_1464, %sign3A_1469 : i32
        %sign3A_1471 = arith.extui %sign3A_1470 : i1 to i32
        %sign3A_1472 = arith.constant 0 : i32
        %sign3A_1473 = arith.cmpi slt, %sub3A_1464, %sign3A_1472 : i32
        %sign3A_1474 = arith.extui %sign3A_1473 : i1 to i32
        %sign3A_1475 = arith.subi %sign3A_1471, %sign3A_1474 : i32
        %sign3A_1476 = arith.constant 0 : i32
        %sign3A_1477 = arith.cmpi sgt, %jit3A_1467, %sign3A_1476 : i32
        %sign3A_1478 = arith.extui %sign3A_1477 : i1 to i32
        %sign3A_1479 = arith.constant 0 : i32
        %sign3A_1480 = arith.cmpi slt, %jit3A_1467, %sign3A_1479 : i32
        %sign3A_1481 = arith.extui %sign3A_1480 : i1 to i32
        %sign3A_1482 = arith.subi %sign3A_1478, %sign3A_1481 : i32
        %ne3A_1483 = arith.cmpi ne, %sign3A_1475, %sign3A_1482 : i32
        %rem3A_1484 = arith.remsi %sub3A_1464, %jit3A_1467 : i32
        %ne3A_1485 = arith.constant 0 : i32
        %ne3A_1486 = arith.cmpi ne, %rem3A_1484, %ne3A_1485 : i32
        %and3A_1487 = arith.andi %ne3A_1483, %ne3A_1486 : i1
        %sub3A_1488 = arith.constant 1 : i32
        %sub3A_1489 = arith.subi %div3A_1468, %sub3A_1488 : i32
        %select_n3A_1490 = arith.select %and3A_1487, %sub3A_1489, %div3A_1468 : i32
        %add3A_1491 = arith.addi %mul3A_1466, %select_n3A_1490 : i32
        %jit3A_1492 = arith.constant 32 : i32
        %div3A_1493 = arith.divsi %add3A_1491, %jit3A_1492 : i32
        %sign3A_1494 = arith.constant 0 : i32
        %sign3A_1495 = arith.cmpi sgt, %add3A_1491, %sign3A_1494 : i32
        %sign3A_1496 = arith.extui %sign3A_1495 : i1 to i32
        %sign3A_1497 = arith.constant 0 : i32
        %sign3A_1498 = arith.cmpi slt, %add3A_1491, %sign3A_1497 : i32
        %sign3A_1499 = arith.extui %sign3A_1498 : i1 to i32
        %sign3A_1500 = arith.subi %sign3A_1496, %sign3A_1499 : i32
        %sign3A_1501 = arith.constant 0 : i32
        %sign3A_1502 = arith.cmpi sgt, %jit3A_1492, %sign3A_1501 : i32
        %sign3A_1503 = arith.extui %sign3A_1502 : i1 to i32
        %sign3A_1504 = arith.constant 0 : i32
        %sign3A_1505 = arith.cmpi slt, %jit3A_1492, %sign3A_1504 : i32
        %sign3A_1506 = arith.extui %sign3A_1505 : i1 to i32
        %sign3A_1507 = arith.subi %sign3A_1503, %sign3A_1506 : i32
        %ne3A_1508 = arith.cmpi ne, %sign3A_1500, %sign3A_1507 : i32
        %rem3A_1509 = arith.remsi %add3A_1491, %jit3A_1492 : i32
        %ne3A_1510 = arith.constant 0 : i32
        %ne3A_1511 = arith.cmpi ne, %rem3A_1509, %ne3A_1510 : i32
        %and3A_1512 = arith.andi %ne3A_1508, %ne3A_1511 : i1
        %sub3A_1513 = arith.constant 1 : i32
        %sub3A_1514 = arith.subi %div3A_1493, %sub3A_1513 : i32
        %select_n3A_1515 = arith.select %and3A_1512, %sub3A_1514, %div3A_1493 : i32
        %rem3A_1516 = arith.constant 32 : i32
        %rem3A_1517 = arith.remsi %add3A_1491, %rem3A_1516 : i32
        %mul3A_1518 = arith.constant 8 : i32
        %mul3A_1519 = arith.muli %select_n3A_1515, %mul3A_1518 : i32
        %rem3A_1520 = arith.constant 8 : i32
        %rem3A_1521 = arith.remsi %sub3A_1464, %rem3A_1520 : i32
        %add3A_1522 = arith.addi %mul3A_1519, %rem3A_1521 : i32
        %mul3A_1523 = arith.constant 128 : i32
        %mul3A_1524 = arith.muli %rem3A_1517, %mul3A_1523 : i32
        %mul3A_1525 = arith.constant 128 : i32
        %mul3A_1526 = arith.muli %add3A_1522, %mul3A_1525 : i32
        %dma_wait3A_1527 = arith.constant 3 : i32
        %dma_wait3A_1528 = arith.constant 0 : i32
        %dma_wait3A_1529 = arith.constant 0 : i32
        %dma_wait3A_1530 = tpu.memref_slice %arg6[%dma_wait3A_1527, %dma_wait3A_1528, %dma_wait3A_1529] : memref<8x128x64xf32, #tpu.memory_space<vmem>> -> memref<1x128x64xf32, #tpu.memory_space<vmem>>
        %dma_wait3A_1531 = tpu.memref_squeeze %dma_wait3A_1530 : memref<1x128x64xf32, #tpu.memory_space<vmem>> -> memref<128x64xf32, #tpu.memory_space<vmem>>
        %dma_wait3A_1532 = tpu.memref_slice %arg4[%mul3A_1524, %mul3A_1526] : memref<4096x25600xf32, #tpu.memory_space<hbm>> -> memref<128x64xf32, #tpu.memory_space<hbm>>
        %dma_wait3A_1533 = tpu.memref_slice %arg4[%mul3A_1524, %mul3A_1526] : memref<4096x25600xf32, #tpu.memory_space<hbm>> -> memref<128x64xf32, #tpu.memory_space<hbm>>
        %dma_wait3A_1534 = arith.constant 0 : i32
        %dma_wait3A_1535 = arith.constant 0 : i32
        %dma_wait3A_1536 = tpu.memref_slice %arg6[%dma_wait3A_1527, %dma_wait3A_1534, %dma_wait3A_1535] : memref<8x128x64xf32, #tpu.memory_space<vmem>> -> memref<1x128x64xf32, #tpu.memory_space<vmem>>
        %dma_wait3A_1537 = tpu.memref_squeeze %dma_wait3A_1536 : memref<1x128x64xf32, #tpu.memory_space<vmem>> -> memref<128x64xf32, #tpu.memory_space<vmem>>
        tpu.wait_dma2 semaphore(%arg18 : memref<!tpu.dma_semaphore, #tpu.memory_space<semaphore_mem>>) src(%dma_wait3A_1537 : memref<128x64xf32, #tpu.memory_space<vmem>>) dst(%dma_wait3A_1533 : memref<128x64xf32, #tpu.memory_space<hbm>>)
        %jit3A_1538 = arith.constant 8 : i32
        %div3A_1539 = arith.divsi %add3A_1457, %jit3A_1538 : i32
        %sign3A_1540 = arith.constant 0 : i32
        %sign3A_1541 = arith.cmpi sgt, %add3A_1457, %sign3A_1540 : i32
        %sign3A_1542 = arith.extui %sign3A_1541 : i1 to i32
        %sign3A_1543 = arith.constant 0 : i32
        %sign3A_1544 = arith.cmpi slt, %add3A_1457, %sign3A_1543 : i32
        %sign3A_1545 = arith.extui %sign3A_1544 : i1 to i32
        %sign3A_1546 = arith.subi %sign3A_1542, %sign3A_1545 : i32
        %sign3A_1547 = arith.constant 0 : i32
        %sign3A_1548 = arith.cmpi sgt, %jit3A_1538, %sign3A_1547 : i32
        %sign3A_1549 = arith.extui %sign3A_1548 : i1 to i32
        %sign3A_1550 = arith.constant 0 : i32
        %sign3A_1551 = arith.cmpi slt, %jit3A_1538, %sign3A_1550 : i32
        %sign3A_1552 = arith.extui %sign3A_1551 : i1 to i32
        %sign3A_1553 = arith.subi %sign3A_1549, %sign3A_1552 : i32
        %ne3A_1554 = arith.cmpi ne, %sign3A_1546, %sign3A_1553 : i32
        %rem3A_1555 = arith.remsi %add3A_1457, %jit3A_1538 : i32
        %ne3A_1556 = arith.constant 0 : i32
        %ne3A_1557 = arith.cmpi ne, %rem3A_1555, %ne3A_1556 : i32
        %and3A_1558 = arith.andi %ne3A_1554, %ne3A_1557 : i1
        %sub3A_1559 = arith.constant 1 : i32
        %sub3A_1560 = arith.subi %div3A_1539, %sub3A_1559 : i32
        %select_n3A_1561 = arith.select %and3A_1558, %sub3A_1560, %div3A_1539 : i32
        %rem3A_1562 = arith.constant 8 : i32
        %rem3A_1563 = arith.remsi %add3A_1457, %rem3A_1562 : i32
        %mul3A_1564 = arith.constant 128 : i32
        %mul3A_1565 = arith.muli %rem3A_1563, %mul3A_1564 : i32
        %dma_start3A_1566 = arith.constant 3 : i32
        %dma_start3A_1567 = arith.constant 0 : i32
        %dma_start3A_1568 = arith.constant 0 : i32
        %dma_start3A_1569 = tpu.memref_slice %arg6[%dma_start3A_1566, %dma_start3A_1567, %dma_start3A_1568] : memref<8x128x64xf32, #tpu.memory_space<vmem>> -> memref<1x128x64xf32, #tpu.memory_space<vmem>>
        %dma_start3A_1570 = tpu.memref_squeeze %dma_start3A_1569 : memref<1x128x64xf32, #tpu.memory_space<vmem>> -> memref<128x64xf32, #tpu.memory_space<vmem>>
        %dma_start3A_1571 = tpu.memref_slice %arg5[%select_n3A_1561, %mul3A_1565] : memref<25x1024xi32, #tpu.memory_space<vmem>> -> memref<1x128xi32, #tpu.memory_space<vmem>>
        %dma_start3A_1572 = tpu.memref_squeeze %dma_start3A_1571 : memref<1x128xi32, #tpu.memory_space<vmem>> -> memref<128xi32, #tpu.memory_space<vmem>>
        %dma_start3A_1573 = arith.constant 0 : i32
        %dma_start3A_1574 = arith.constant 0 : i32
        %dma_start3A_1575 = tpu.memref_slice %arg2[%dma_start3A_1573, %dma_start3A_1574] : memref<100000x64xf32, #tpu.memory_space<hbm>> -> memref<100000x64xf32, #tpu.memory_space<hbm>>
        tpu.enqueue_indirect_dma source(%dma_start3A_1575 : memref<100000x64xf32, #tpu.memory_space<hbm>>) target(%dma_start3A_1570 : memref<128x64xf32, #tpu.memory_space<vmem>>) offsets(%dma_start3A_1572 : memref<128xi32, #tpu.memory_space<vmem>>) semaphore(%arg10 : memref<!tpu.dma_semaphore, #tpu.memory_space<semaphore_mem>>)
      } else {
      }
    }
    %scan3A_69 = arith.constant 25 : i32
    %mul3A_70 = arith.constant 25 : i32
    %mul3A_71 = arith.muli %add3A, %mul3A_70 : i32
    %add3A_72 = arith.constant 24 : i32
    %add3A_73 = arith.addi %mul3A_71, %add3A_72 : i32
    %jit3A = arith.constant 32 : i32
    %div3A = arith.divsi %add3A_73, %jit3A : i32
    %sign3A = arith.constant 0 : i32
    %sign3A_74 = arith.cmpi sgt, %add3A_73, %sign3A : i32
    %sign3A_75 = arith.extui %sign3A_74 : i1 to i32
    %sign3A_76 = arith.constant 0 : i32
    %sign3A_77 = arith.cmpi slt, %add3A_73, %sign3A_76 : i32
    %sign3A_78 = arith.extui %sign3A_77 : i1 to i32
    %sign3A_79 = arith.subi %sign3A_75, %sign3A_78 : i32
    %sign3A_80 = arith.constant 0 : i32
    %sign3A_81 = arith.cmpi sgt, %jit3A, %sign3A_80 : i32
    %sign3A_82 = arith.extui %sign3A_81 : i1 to i32
    %sign3A_83 = arith.constant 0 : i32
    %sign3A_84 = arith.cmpi slt, %jit3A, %sign3A_83 : i32
    %sign3A_85 = arith.extui %sign3A_84 : i1 to i32
    %sign3A_86 = arith.subi %sign3A_82, %sign3A_85 : i32
    %ne3A = arith.cmpi ne, %sign3A_79, %sign3A_86 : i32
    %rem3A_87 = arith.remsi %add3A_73, %jit3A : i32
    %ne3A_88 = arith.constant 0 : i32
    %ne3A_89 = arith.cmpi ne, %rem3A_87, %ne3A_88 : i32
    %and3A = arith.andi %ne3A, %ne3A_89 : i1
    %sub3A = arith.constant 1 : i32
    %sub3A_90 = arith.subi %div3A, %sub3A : i32
    %select_n3A = arith.select %and3A, %sub3A_90, %div3A : i32
    %rem3A_91 = arith.constant 32 : i32
    %rem3A_92 = arith.remsi %add3A_73, %rem3A_91 : i32
    %mul3A_93 = arith.constant 8 : i32
    %mul3A_94 = arith.muli %select_n3A, %mul3A_93 : i32
    %rem3A_95 = arith.constant 192 : i32
    %rem3A_96 = arith.constant 8 : i32
    %rem3A_97 = arith.remsi %rem3A_95, %rem3A_96 : i32
    %add3A_98 = arith.addi %mul3A_94, %rem3A_97 : i32
    %mul3A_99 = arith.constant 128 : i32
    %mul3A_100 = arith.muli %rem3A_92, %mul3A_99 : i32
    %mul3A_101 = arith.constant 128 : i32
    %mul3A_102 = arith.muli %add3A_98, %mul3A_101 : i32
    %dma_wait3A = arith.constant 0 : i32
    %dma_wait3A_103 = arith.constant 0 : i32
    %dma_wait3A_104 = arith.constant 0 : i32
    %dma_wait3A_105 = tpu.memref_slice %arg6[%dma_wait3A, %dma_wait3A_103, %dma_wait3A_104] : memref<8x128x64xf32, #tpu.memory_space<vmem>> -> memref<1x128x64xf32, #tpu.memory_space<vmem>>
    %dma_wait3A_106 = tpu.memref_squeeze %dma_wait3A_105 : memref<1x128x64xf32, #tpu.memory_space<vmem>> -> memref<128x64xf32, #tpu.memory_space<vmem>>
    %dma_wait3A_107 = tpu.memref_slice %arg4[%mul3A_100, %mul3A_102] : memref<4096x25600xf32, #tpu.memory_space<hbm>> -> memref<128x64xf32, #tpu.memory_space<hbm>>
    %dma_wait3A_108 = tpu.memref_slice %arg4[%mul3A_100, %mul3A_102] : memref<4096x25600xf32, #tpu.memory_space<hbm>> -> memref<128x64xf32, #tpu.memory_space<hbm>>
    %dma_wait3A_109 = arith.constant 0 : i32
    %dma_wait3A_110 = arith.constant 0 : i32
    %dma_wait3A_111 = tpu.memref_slice %arg6[%dma_wait3A, %dma_wait3A_109, %dma_wait3A_110] : memref<8x128x64xf32, #tpu.memory_space<vmem>> -> memref<1x128x64xf32, #tpu.memory_space<vmem>>
    %dma_wait3A_112 = tpu.memref_squeeze %dma_wait3A_111 : memref<1x128x64xf32, #tpu.memory_space<vmem>> -> memref<128x64xf32, #tpu.memory_space<vmem>>
    tpu.wait_dma2 semaphore(%arg15 : memref<!tpu.dma_semaphore, #tpu.memory_space<semaphore_mem>>) src(%dma_wait3A_112 : memref<128x64xf32, #tpu.memory_space<vmem>>) dst(%dma_wait3A_108 : memref<128x64xf32, #tpu.memory_space<hbm>>)
    %mul3A_113 = arith.constant 25 : i32
    %mul3A_114 = arith.muli %add3A, %mul3A_113 : i32
    %add3A_115 = arith.constant 24 : i32
    %add3A_116 = arith.addi %mul3A_114, %add3A_115 : i32
    %jit3A_117 = arith.constant 32 : i32
    %div3A_118 = arith.divsi %add3A_116, %jit3A_117 : i32
    %sign3A_119 = arith.constant 0 : i32
    %sign3A_120 = arith.cmpi sgt, %add3A_116, %sign3A_119 : i32
    %sign3A_121 = arith.extui %sign3A_120 : i1 to i32
    %sign3A_122 = arith.constant 0 : i32
    %sign3A_123 = arith.cmpi slt, %add3A_116, %sign3A_122 : i32
    %sign3A_124 = arith.extui %sign3A_123 : i1 to i32
    %sign3A_125 = arith.subi %sign3A_121, %sign3A_124 : i32
    %sign3A_126 = arith.constant 0 : i32
    %sign3A_127 = arith.cmpi sgt, %jit3A_117, %sign3A_126 : i32
    %sign3A_128 = arith.extui %sign3A_127 : i1 to i32
    %sign3A_129 = arith.constant 0 : i32
    %sign3A_130 = arith.cmpi slt, %jit3A_117, %sign3A_129 : i32
    %sign3A_131 = arith.extui %sign3A_130 : i1 to i32
    %sign3A_132 = arith.subi %sign3A_128, %sign3A_131 : i32
    %ne3A_133 = arith.cmpi ne, %sign3A_125, %sign3A_132 : i32
    %rem3A_134 = arith.remsi %add3A_116, %jit3A_117 : i32
    %ne3A_135 = arith.constant 0 : i32
    %ne3A_136 = arith.cmpi ne, %rem3A_134, %ne3A_135 : i32
    %and3A_137 = arith.andi %ne3A_133, %ne3A_136 : i1
    %sub3A_138 = arith.constant 1 : i32
    %sub3A_139 = arith.subi %div3A_118, %sub3A_138 : i32
    %select_n3A_140 = arith.select %and3A_137, %sub3A_139, %div3A_118 : i32
    %rem3A_141 = arith.constant 32 : i32
    %rem3A_142 = arith.remsi %add3A_116, %rem3A_141 : i32
    %mul3A_143 = arith.constant 8 : i32
    %mul3A_144 = arith.muli %select_n3A_140, %mul3A_143 : i32
    %rem3A_145 = arith.constant 193 : i32
    %rem3A_146 = arith.constant 8 : i32
    %rem3A_147 = arith.remsi %rem3A_145, %rem3A_146 : i32
    %add3A_148 = arith.addi %mul3A_144, %rem3A_147 : i32
    %mul3A_149 = arith.constant 128 : i32
    %mul3A_150 = arith.muli %rem3A_142, %mul3A_149 : i32
    %mul3A_151 = arith.constant 128 : i32
    %mul3A_152 = arith.muli %add3A_148, %mul3A_151 : i32
    %dma_wait3A_153 = arith.constant 1 : i32
    %dma_wait3A_154 = arith.constant 0 : i32
    %dma_wait3A_155 = arith.constant 0 : i32
    %dma_wait3A_156 = tpu.memref_slice %arg6[%dma_wait3A_153, %dma_wait3A_154, %dma_wait3A_155] : memref<8x128x64xf32, #tpu.memory_space<vmem>> -> memref<1x128x64xf32, #tpu.memory_space<vmem>>
    %dma_wait3A_157 = tpu.memref_squeeze %dma_wait3A_156 : memref<1x128x64xf32, #tpu.memory_space<vmem>> -> memref<128x64xf32, #tpu.memory_space<vmem>>
    %dma_wait3A_158 = tpu.memref_slice %arg4[%mul3A_150, %mul3A_152] : memref<4096x25600xf32, #tpu.memory_space<hbm>> -> memref<128x64xf32, #tpu.memory_space<hbm>>
    %dma_wait3A_159 = tpu.memref_slice %arg4[%mul3A_150, %mul3A_152] : memref<4096x25600xf32, #tpu.memory_space<hbm>> -> memref<128x64xf32, #tpu.memory_space<hbm>>
    %dma_wait3A_160 = arith.constant 0 : i32
    %dma_wait3A_161 = arith.constant 0 : i32
    %dma_wait3A_162 = tpu.memref_slice %arg6[%dma_wait3A_153, %dma_wait3A_160, %dma_wait3A_161] : memref<8x128x64xf32, #tpu.memory_space<vmem>> -> memref<1x128x64xf32, #tpu.memory_space<vmem>>
    %dma_wait3A_163 = tpu.memref_squeeze %dma_wait3A_162 : memref<1x128x64xf32, #tpu.memory_space<vmem>> -> memref<128x64xf32, #tpu.memory_space<vmem>>
    tpu.wait_dma2 semaphore(%arg16 : memref<!tpu.dma_semaphore, #tpu.memory_space<semaphore_mem>>) src(%dma_wait3A_163 : memref<128x64xf32, #tpu.memory_space<vmem>>) dst(%dma_wait3A_159 : memref<128x64xf32, #tpu.memory_space<hbm>>)
    %mul3A_164 = arith.constant 25 : i32
    %mul3A_165 = arith.muli %add3A, %mul3A_164 : i32
    %add3A_166 = arith.constant 24 : i32
    %add3A_167 = arith.addi %mul3A_165, %add3A_166 : i32
    %jit3A_168 = arith.constant 32 : i32
    %div3A_169 = arith.divsi %add3A_167, %jit3A_168 : i32
    %sign3A_170 = arith.constant 0 : i32
    %sign3A_171 = arith.cmpi sgt, %add3A_167, %sign3A_170 : i32
    %sign3A_172 = arith.extui %sign3A_171 : i1 to i32
    %sign3A_173 = arith.constant 0 : i32
    %sign3A_174 = arith.cmpi slt, %add3A_167, %sign3A_173 : i32
    %sign3A_175 = arith.extui %sign3A_174 : i1 to i32
    %sign3A_176 = arith.subi %sign3A_172, %sign3A_175 : i32
    %sign3A_177 = arith.constant 0 : i32
    %sign3A_178 = arith.cmpi sgt, %jit3A_168, %sign3A_177 : i32
    %sign3A_179 = arith.extui %sign3A_178 : i1 to i32
    %sign3A_180 = arith.constant 0 : i32
    %sign3A_181 = arith.cmpi slt, %jit3A_168, %sign3A_180 : i32
    %sign3A_182 = arith.extui %sign3A_181 : i1 to i32
    %sign3A_183 = arith.subi %sign3A_179, %sign3A_182 : i32
    %ne3A_184 = arith.cmpi ne, %sign3A_176, %sign3A_183 : i32
    %rem3A_185 = arith.remsi %add3A_167, %jit3A_168 : i32
    %ne3A_186 = arith.constant 0 : i32
    %ne3A_187 = arith.cmpi ne, %rem3A_185, %ne3A_186 : i32
    %and3A_188 = arith.andi %ne3A_184, %ne3A_187 : i1
    %sub3A_189 = arith.constant 1 : i32
    %sub3A_190 = arith.subi %div3A_169, %sub3A_189 : i32
    %select_n3A_191 = arith.select %and3A_188, %sub3A_190, %div3A_169 : i32
    %rem3A_192 = arith.constant 32 : i32
    %rem3A_193 = arith.remsi %add3A_167, %rem3A_192 : i32
    %mul3A_194 = arith.constant 8 : i32
    %mul3A_195 = arith.muli %select_n3A_191, %mul3A_194 : i32
    %rem3A_196 = arith.constant 194 : i32
    %rem3A_197 = arith.constant 8 : i32
    %rem3A_198 = arith.remsi %rem3A_196, %rem3A_197 : i32
    %add3A_199 = arith.addi %mul3A_195, %rem3A_198 : i32
    %mul3A_200 = arith.constant 128 : i32
    %mul3A_201 = arith.muli %rem3A_193, %mul3A_200 : i32
    %mul3A_202 = arith.constant 128 : i32
    %mul3A_203 = arith.muli %add3A_199, %mul3A_202 : i32
    %dma_wait3A_204 = arith.constant 2 : i32
    %dma_wait3A_205 = arith.constant 0 : i32
    %dma_wait3A_206 = arith.constant 0 : i32
    %dma_wait3A_207 = tpu.memref_slice %arg6[%dma_wait3A_204, %dma_wait3A_205, %dma_wait3A_206] : memref<8x128x64xf32, #tpu.memory_space<vmem>> -> memref<1x128x64xf32, #tpu.memory_space<vmem>>
    %dma_wait3A_208 = tpu.memref_squeeze %dma_wait3A_207 : memref<1x128x64xf32, #tpu.memory_space<vmem>> -> memref<128x64xf32, #tpu.memory_space<vmem>>
    %dma_wait3A_209 = tpu.memref_slice %arg4[%mul3A_201, %mul3A_203] : memref<4096x25600xf32, #tpu.memory_space<hbm>> -> memref<128x64xf32, #tpu.memory_space<hbm>>
    %dma_wait3A_210 = tpu.memref_slice %arg4[%mul3A_201, %mul3A_203] : memref<4096x25600xf32, #tpu.memory_space<hbm>> -> memref<128x64xf32, #tpu.memory_space<hbm>>
    %dma_wait3A_211 = arith.constant 0 : i32
    %dma_wait3A_212 = arith.constant 0 : i32
    %dma_wait3A_213 = tpu.memref_slice %arg6[%dma_wait3A_204, %dma_wait3A_211, %dma_wait3A_212] : memref<8x128x64xf32, #tpu.memory_space<vmem>> -> memref<1x128x64xf32, #tpu.memory_space<vmem>>
    %dma_wait3A_214 = tpu.memref_squeeze %dma_wait3A_213 : memref<1x128x64xf32, #tpu.memory_space<vmem>> -> memref<128x64xf32, #tpu.memory_space<vmem>>
    tpu.wait_dma2 semaphore(%arg17 : memref<!tpu.dma_semaphore, #tpu.memory_space<semaphore_mem>>) src(%dma_wait3A_214 : memref<128x64xf32, #tpu.memory_space<vmem>>) dst(%dma_wait3A_210 : memref<128x64xf32, #tpu.memory_space<hbm>>)
    %mul3A_215 = arith.constant 25 : i32
    %mul3A_216 = arith.muli %add3A, %mul3A_215 : i32
    %add3A_217 = arith.constant 24 : i32
    %add3A_218 = arith.addi %mul3A_216, %add3A_217 : i32
    %jit3A_219 = arith.constant 32 : i32
    %div3A_220 = arith.divsi %add3A_218, %jit3A_219 : i32
    %sign3A_221 = arith.constant 0 : i32
    %sign3A_222 = arith.cmpi sgt, %add3A_218, %sign3A_221 : i32
    %sign3A_223 = arith.extui %sign3A_222 : i1 to i32
    %sign3A_224 = arith.constant 0 : i32
    %sign3A_225 = arith.cmpi slt, %add3A_218, %sign3A_224 : i32
    %sign3A_226 = arith.extui %sign3A_225 : i1 to i32
    %sign3A_227 = arith.subi %sign3A_223, %sign3A_226 : i32
    %sign3A_228 = arith.constant 0 : i32
    %sign3A_229 = arith.cmpi sgt, %jit3A_219, %sign3A_228 : i32
    %sign3A_230 = arith.extui %sign3A_229 : i1 to i32
    %sign3A_231 = arith.constant 0 : i32
    %sign3A_232 = arith.cmpi slt, %jit3A_219, %sign3A_231 : i32
    %sign3A_233 = arith.extui %sign3A_232 : i1 to i32
    %sign3A_234 = arith.subi %sign3A_230, %sign3A_233 : i32
    %ne3A_235 = arith.cmpi ne, %sign3A_227, %sign3A_234 : i32
    %rem3A_236 = arith.remsi %add3A_218, %jit3A_219 : i32
    %ne3A_237 = arith.constant 0 : i32
    %ne3A_238 = arith.cmpi ne, %rem3A_236, %ne3A_237 : i32
    %and3A_239 = arith.andi %ne3A_235, %ne3A_238 : i1
    %sub3A_240 = arith.constant 1 : i32
    %sub3A_241 = arith.subi %div3A_220, %sub3A_240 : i32
    %select_n3A_242 = arith.select %and3A_239, %sub3A_241, %div3A_220 : i32
    %rem3A_243 = arith.constant 32 : i32
    %rem3A_244 = arith.remsi %add3A_218, %rem3A_243 : i32
    %mul3A_245 = arith.constant 8 : i32
    %mul3A_246 = arith.muli %select_n3A_242, %mul3A_245 : i32
    %rem3A_247 = arith.constant 195 : i32
    %rem3A_248 = arith.constant 8 : i32
    %rem3A_249 = arith.remsi %rem3A_247, %rem3A_248 : i32
    %add3A_250 = arith.addi %mul3A_246, %rem3A_249 : i32
    %mul3A_251 = arith.constant 128 : i32
    %mul3A_252 = arith.muli %rem3A_244, %mul3A_251 : i32
    %mul3A_253 = arith.constant 128 : i32
    %mul3A_254 = arith.muli %add3A_250, %mul3A_253 : i32
    %dma_wait3A_255 = arith.constant 3 : i32
    %dma_wait3A_256 = arith.constant 0 : i32
    %dma_wait3A_257 = arith.constant 0 : i32
    %dma_wait3A_258 = tpu.memref_slice %arg6[%dma_wait3A_255, %dma_wait3A_256, %dma_wait3A_257] : memref<8x128x64xf32, #tpu.memory_space<vmem>> -> memref<1x128x64xf32, #tpu.memory_space<vmem>>
    %dma_wait3A_259 = tpu.memref_squeeze %dma_wait3A_258 : memref<1x128x64xf32, #tpu.memory_space<vmem>> -> memref<128x64xf32, #tpu.memory_space<vmem>>
    %dma_wait3A_260 = tpu.memref_slice %arg4[%mul3A_252, %mul3A_254] : memref<4096x25600xf32, #tpu.memory_space<hbm>> -> memref<128x64xf32, #tpu.memory_space<hbm>>
    %dma_wait3A_261 = tpu.memref_slice %arg4[%mul3A_252, %mul3A_254] : memref<4096x25600xf32, #tpu.memory_space<hbm>> -> memref<128x64xf32, #tpu.memory_space<hbm>>
    %dma_wait3A_262 = arith.constant 0 : i32
    %dma_wait3A_263 = arith.constant 0 : i32
    %dma_wait3A_264 = tpu.memref_slice %arg6[%dma_wait3A_255, %dma_wait3A_262, %dma_wait3A_263] : memref<8x128x64xf32, #tpu.memory_space<vmem>> -> memref<1x128x64xf32, #tpu.memory_space<vmem>>
    %dma_wait3A_265 = tpu.memref_squeeze %dma_wait3A_264 : memref<1x128x64xf32, #tpu.memory_space<vmem>> -> memref<128x64xf32, #tpu.memory_space<vmem>>
    tpu.wait_dma2 semaphore(%arg18 : memref<!tpu.dma_semaphore, #tpu.memory_space<semaphore_mem>>) src(%dma_wait3A_265 : memref<128x64xf32, #tpu.memory_space<vmem>>) dst(%dma_wait3A_261 : memref<128x64xf32, #tpu.memory_space<hbm>>)
    %mul3A_266 = arith.constant 25 : i32
    %mul3A_267 = arith.muli %add3A, %mul3A_266 : i32
    %add3A_268 = arith.constant 24 : i32
    %add3A_269 = arith.addi %mul3A_267, %add3A_268 : i32
    %jit3A_270 = arith.constant 32 : i32
    %div3A_271 = arith.divsi %add3A_269, %jit3A_270 : i32
    %sign3A_272 = arith.constant 0 : i32
    %sign3A_273 = arith.cmpi sgt, %add3A_269, %sign3A_272 : i32
    %sign3A_274 = arith.extui %sign3A_273 : i1 to i32
    %sign3A_275 = arith.constant 0 : i32
    %sign3A_276 = arith.cmpi slt, %add3A_269, %sign3A_275 : i32
    %sign3A_277 = arith.extui %sign3A_276 : i1 to i32
    %sign3A_278 = arith.subi %sign3A_274, %sign3A_277 : i32
    %sign3A_279 = arith.constant 0 : i32
    %sign3A_280 = arith.cmpi sgt, %jit3A_270, %sign3A_279 : i32
    %sign3A_281 = arith.extui %sign3A_280 : i1 to i32
    %sign3A_282 = arith.constant 0 : i32
    %sign3A_283 = arith.cmpi slt, %jit3A_270, %sign3A_282 : i32
    %sign3A_284 = arith.extui %sign3A_283 : i1 to i32
    %sign3A_285 = arith.subi %sign3A_281, %sign3A_284 : i32
    %ne3A_286 = arith.cmpi ne, %sign3A_278, %sign3A_285 : i32
    %rem3A_287 = arith.remsi %add3A_269, %jit3A_270 : i32
    %ne3A_288 = arith.constant 0 : i32
    %ne3A_289 = arith.cmpi ne, %rem3A_287, %ne3A_288 : i32
    %and3A_290 = arith.andi %ne3A_286, %ne3A_289 : i1
    %sub3A_291 = arith.constant 1 : i32
    %sub3A_292 = arith.subi %div3A_271, %sub3A_291 : i32
    %select_n3A_293 = arith.select %and3A_290, %sub3A_292, %div3A_271 : i32
    %rem3A_294 = arith.constant 32 : i32
    %rem3A_295 = arith.remsi %add3A_269, %rem3A_294 : i32
    %mul3A_296 = arith.constant 8 : i32
    %mul3A_297 = arith.muli %select_n3A_293, %mul3A_296 : i32
    %rem3A_298 = arith.constant 196 : i32
    %rem3A_299 = arith.constant 8 : i32
    %rem3A_300 = arith.remsi %rem3A_298, %rem3A_299 : i32
    %add3A_301 = arith.addi %mul3A_297, %rem3A_300 : i32
    %mul3A_302 = arith.constant 128 : i32
    %mul3A_303 = arith.muli %rem3A_295, %mul3A_302 : i32
    %mul3A_304 = arith.constant 128 : i32
    %mul3A_305 = arith.muli %add3A_301, %mul3A_304 : i32
    %dma_wait3A_306 = arith.constant 4 : i32
    %dma_wait3A_307 = arith.constant 0 : i32
    %dma_wait3A_308 = arith.constant 0 : i32
    %dma_wait3A_309 = tpu.memref_slice %arg6[%dma_wait3A_306, %dma_wait3A_307, %dma_wait3A_308] : memref<8x128x64xf32, #tpu.memory_space<vmem>> -> memref<1x128x64xf32, #tpu.memory_space<vmem>>
    %dma_wait3A_310 = tpu.memref_squeeze %dma_wait3A_309 : memref<1x128x64xf32, #tpu.memory_space<vmem>> -> memref<128x64xf32, #tpu.memory_space<vmem>>
    %dma_wait3A_311 = tpu.memref_slice %arg4[%mul3A_303, %mul3A_305] : memref<4096x25600xf32, #tpu.memory_space<hbm>> -> memref<128x64xf32, #tpu.memory_space<hbm>>
    %dma_wait3A_312 = tpu.memref_slice %arg4[%mul3A_303, %mul3A_305] : memref<4096x25600xf32, #tpu.memory_space<hbm>> -> memref<128x64xf32, #tpu.memory_space<hbm>>
    %dma_wait3A_313 = arith.constant 0 : i32
    %dma_wait3A_314 = arith.constant 0 : i32
    %dma_wait3A_315 = tpu.memref_slice %arg6[%dma_wait3A_306, %dma_wait3A_313, %dma_wait3A_314] : memref<8x128x64xf32, #tpu.memory_space<vmem>> -> memref<1x128x64xf32, #tpu.memory_space<vmem>>
    %dma_wait3A_316 = tpu.memref_squeeze %dma_wait3A_315 : memref<1x128x64xf32, #tpu.memory_space<vmem>> -> memref<128x64xf32, #tpu.memory_space<vmem>>
    tpu.wait_dma2 semaphore(%arg19 : memref<!tpu.dma_semaphore, #tpu.memory_space<semaphore_mem>>) src(%dma_wait3A_316 : memref<128x64xf32, #tpu.memory_space<vmem>>) dst(%dma_wait3A_312 : memref<128x64xf32, #tpu.memory_space<hbm>>)
    %mul3A_317 = arith.constant 25 : i32
    %mul3A_318 = arith.muli %add3A, %mul3A_317 : i32
    %add3A_319 = arith.constant 24 : i32
    %add3A_320 = arith.addi %mul3A_318, %add3A_319 : i32
    %jit3A_321 = arith.constant 32 : i32
    %div3A_322 = arith.divsi %add3A_320, %jit3A_321 : i32
    %sign3A_323 = arith.constant 0 : i32
    %sign3A_324 = arith.cmpi sgt, %add3A_320, %sign3A_323 : i32
    %sign3A_325 = arith.extui %sign3A_324 : i1 to i32
    %sign3A_326 = arith.constant 0 : i32
    %sign3A_327 = arith.cmpi slt, %add3A_320, %sign3A_326 : i32
    %sign3A_328 = arith.extui %sign3A_327 : i1 to i32
    %sign3A_329 = arith.subi %sign3A_325, %sign3A_328 : i32
    %sign3A_330 = arith.constant 0 : i32
    %sign3A_331 = arith.cmpi sgt, %jit3A_321, %sign3A_330 : i32
    %sign3A_332 = arith.extui %sign3A_331 : i1 to i32
    %sign3A_333 = arith.constant 0 : i32
    %sign3A_334 = arith.cmpi slt, %jit3A_321, %sign3A_333 : i32
    %sign3A_335 = arith.extui %sign3A_334 : i1 to i32
    %sign3A_336 = arith.subi %sign3A_332, %sign3A_335 : i32
    %ne3A_337 = arith.cmpi ne, %sign3A_329, %sign3A_336 : i32
    %rem3A_338 = arith.remsi %add3A_320, %jit3A_321 : i32
    %ne3A_339 = arith.constant 0 : i32
    %ne3A_340 = arith.cmpi ne, %rem3A_338, %ne3A_339 : i32
    %and3A_341 = arith.andi %ne3A_337, %ne3A_340 : i1
    %sub3A_342 = arith.constant 1 : i32
    %sub3A_343 = arith.subi %div3A_322, %sub3A_342 : i32
    %select_n3A_344 = arith.select %and3A_341, %sub3A_343, %div3A_322 : i32
    %rem3A_345 = arith.constant 32 : i32
    %rem3A_346 = arith.remsi %add3A_320, %rem3A_345 : i32
    %mul3A_347 = arith.constant 8 : i32
    %mul3A_348 = arith.muli %select_n3A_344, %mul3A_347 : i32
    %rem3A_349 = arith.constant 197 : i32
    %rem3A_350 = arith.constant 8 : i32
    %rem3A_351 = arith.remsi %rem3A_349, %rem3A_350 : i32
    %add3A_352 = arith.addi %mul3A_348, %rem3A_351 : i32
    %mul3A_353 = arith.constant 128 : i32
    %mul3A_354 = arith.muli %rem3A_346, %mul3A_353 : i32
    %mul3A_355 = arith.constant 128 : i32
    %mul3A_356 = arith.muli %add3A_352, %mul3A_355 : i32
    %dma_wait3A_357 = arith.constant 5 : i32
    %dma_wait3A_358 = arith.constant 0 : i32
    %dma_wait3A_359 = arith.constant 0 : i32
    %dma_wait3A_360 = tpu.memref_slice %arg6[%dma_wait3A_357, %dma_wait3A_358, %dma_wait3A_359] : memref<8x128x64xf32, #tpu.memory_space<vmem>> -> memref<1x128x64xf32, #tpu.memory_space<vmem>>
    %dma_wait3A_361 = tpu.memref_squeeze %dma_wait3A_360 : memref<1x128x64xf32, #tpu.memory_space<vmem>> -> memref<128x64xf32, #tpu.memory_space<vmem>>
    %dma_wait3A_362 = tpu.memref_slice %arg4[%mul3A_354, %mul3A_356] : memref<4096x25600xf32, #tpu.memory_space<hbm>> -> memref<128x64xf32, #tpu.memory_space<hbm>>
    %dma_wait3A_363 = tpu.memref_slice %arg4[%mul3A_354, %mul3A_356] : memref<4096x25600xf32, #tpu.memory_space<hbm>> -> memref<128x64xf32, #tpu.memory_space<hbm>>
    %dma_wait3A_364 = arith.constant 0 : i32
    %dma_wait3A_365 = arith.constant 0 : i32
    %dma_wait3A_366 = tpu.memref_slice %arg6[%dma_wait3A_357, %dma_wait3A_364, %dma_wait3A_365] : memref<8x128x64xf32, #tpu.memory_space<vmem>> -> memref<1x128x64xf32, #tpu.memory_space<vmem>>
    %dma_wait3A_367 = tpu.memref_squeeze %dma_wait3A_366 : memref<1x128x64xf32, #tpu.memory_space<vmem>> -> memref<128x64xf32, #tpu.memory_space<vmem>>
    tpu.wait_dma2 semaphore(%arg20 : memref<!tpu.dma_semaphore, #tpu.memory_space<semaphore_mem>>) src(%dma_wait3A_367 : memref<128x64xf32, #tpu.memory_space<vmem>>) dst(%dma_wait3A_363 : memref<128x64xf32, #tpu.memory_space<hbm>>)
    %mul3A_368 = arith.constant 25 : i32
    %mul3A_369 = arith.muli %add3A, %mul3A_368 : i32
    %add3A_370 = arith.constant 24 : i32
    %add3A_371 = arith.addi %mul3A_369, %add3A_370 : i32
    %jit3A_372 = arith.constant 32 : i32
    %div3A_373 = arith.divsi %add3A_371, %jit3A_372 : i32
    %sign3A_374 = arith.constant 0 : i32
    %sign3A_375 = arith.cmpi sgt, %add3A_371, %sign3A_374 : i32
    %sign3A_376 = arith.extui %sign3A_375 : i1 to i32
    %sign3A_377 = arith.constant 0 : i32
    %sign3A_378 = arith.cmpi slt, %add3A_371, %sign3A_377 : i32
    %sign3A_379 = arith.extui %sign3A_378 : i1 to i32
    %sign3A_380 = arith.subi %sign3A_376, %sign3A_379 : i32
    %sign3A_381 = arith.constant 0 : i32
    %sign3A_382 = arith.cmpi sgt, %jit3A_372, %sign3A_381 : i32
    %sign3A_383 = arith.extui %sign3A_382 : i1 to i32
    %sign3A_384 = arith.constant 0 : i32
    %sign3A_385 = arith.cmpi slt, %jit3A_372, %sign3A_384 : i32
    %sign3A_386 = arith.extui %sign3A_385 : i1 to i32
    %sign3A_387 = arith.subi %sign3A_383, %sign3A_386 : i32
    %ne3A_388 = arith.cmpi ne, %sign3A_380, %sign3A_387 : i32
    %rem3A_389 = arith.remsi %add3A_371, %jit3A_372 : i32
    %ne3A_390 = arith.constant 0 : i32
    %ne3A_391 = arith.cmpi ne, %rem3A_389, %ne3A_390 : i32
    %and3A_392 = arith.andi %ne3A_388, %ne3A_391 : i1
    %sub3A_393 = arith.constant 1 : i32
    %sub3A_394 = arith.subi %div3A_373, %sub3A_393 : i32
    %select_n3A_395 = arith.select %and3A_392, %sub3A_394, %div3A_373 : i32
    %rem3A_396 = arith.constant 32 : i32
    %rem3A_397 = arith.remsi %add3A_371, %rem3A_396 : i32
    %mul3A_398 = arith.constant 8 : i32
    %mul3A_399 = arith.muli %select_n3A_395, %mul3A_398 : i32
    %rem3A_400 = arith.constant 198 : i32
    %rem3A_401 = arith.constant 8 : i32
    %rem3A_402 = arith.remsi %rem3A_400, %rem3A_401 : i32
    %add3A_403 = arith.addi %mul3A_399, %rem3A_402 : i32
    %mul3A_404 = arith.constant 128 : i32
    %mul3A_405 = arith.muli %rem3A_397, %mul3A_404 : i32
    %mul3A_406 = arith.constant 128 : i32
    %mul3A_407 = arith.muli %add3A_403, %mul3A_406 : i32
    %dma_wait3A_408 = arith.constant 6 : i32
    %dma_wait3A_409 = arith.constant 0 : i32
    %dma_wait3A_410 = arith.constant 0 : i32
    %dma_wait3A_411 = tpu.memref_slice %arg6[%dma_wait3A_408, %dma_wait3A_409, %dma_wait3A_410] : memref<8x128x64xf32, #tpu.memory_space<vmem>> -> memref<1x128x64xf32, #tpu.memory_space<vmem>>
    %dma_wait3A_412 = tpu.memref_squeeze %dma_wait3A_411 : memref<1x128x64xf32, #tpu.memory_space<vmem>> -> memref<128x64xf32, #tpu.memory_space<vmem>>
    %dma_wait3A_413 = tpu.memref_slice %arg4[%mul3A_405, %mul3A_407] : memref<4096x25600xf32, #tpu.memory_space<hbm>> -> memref<128x64xf32, #tpu.memory_space<hbm>>
    %dma_wait3A_414 = tpu.memref_slice %arg4[%mul3A_405, %mul3A_407] : memref<4096x25600xf32, #tpu.memory_space<hbm>> -> memref<128x64xf32, #tpu.memory_space<hbm>>
    %dma_wait3A_415 = arith.constant 0 : i32
    %dma_wait3A_416 = arith.constant 0 : i32
    %dma_wait3A_417 = tpu.memref_slice %arg6[%dma_wait3A_408, %dma_wait3A_415, %dma_wait3A_416] : memref<8x128x64xf32, #tpu.memory_space<vmem>> -> memref<1x128x64xf32, #tpu.memory_space<vmem>>
    %dma_wait3A_418 = tpu.memref_squeeze %dma_wait3A_417 : memref<1x128x64xf32, #tpu.memory_space<vmem>> -> memref<128x64xf32, #tpu.memory_space<vmem>>
    tpu.wait_dma2 semaphore(%arg21 : memref<!tpu.dma_semaphore, #tpu.memory_space<semaphore_mem>>) src(%dma_wait3A_418 : memref<128x64xf32, #tpu.memory_space<vmem>>) dst(%dma_wait3A_414 : memref<128x64xf32, #tpu.memory_space<hbm>>)
    %mul3A_419 = arith.constant 25 : i32
    %mul3A_420 = arith.muli %add3A, %mul3A_419 : i32
    %add3A_421 = arith.constant 24 : i32
    %add3A_422 = arith.addi %mul3A_420, %add3A_421 : i32
    %jit3A_423 = arith.constant 32 : i32
    %div3A_424 = arith.divsi %add3A_422, %jit3A_423 : i32
    %sign3A_425 = arith.constant 0 : i32
    %sign3A_426 = arith.cmpi sgt, %add3A_422, %sign3A_425 : i32
    %sign3A_427 = arith.extui %sign3A_426 : i1 to i32
    %sign3A_428 = arith.constant 0 : i32
    %sign3A_429 = arith.cmpi slt, %add3A_422, %sign3A_428 : i32
    %sign3A_430 = arith.extui %sign3A_429 : i1 to i32
    %sign3A_431 = arith.subi %sign3A_427, %sign3A_430 : i32
    %sign3A_432 = arith.constant 0 : i32
    %sign3A_433 = arith.cmpi sgt, %jit3A_423, %sign3A_432 : i32
    %sign3A_434 = arith.extui %sign3A_433 : i1 to i32
    %sign3A_435 = arith.constant 0 : i32
    %sign3A_436 = arith.cmpi slt, %jit3A_423, %sign3A_435 : i32
    %sign3A_437 = arith.extui %sign3A_436 : i1 to i32
    %sign3A_438 = arith.subi %sign3A_434, %sign3A_437 : i32
    %ne3A_439 = arith.cmpi ne, %sign3A_431, %sign3A_438 : i32
    %rem3A_440 = arith.remsi %add3A_422, %jit3A_423 : i32
    %ne3A_441 = arith.constant 0 : i32
    %ne3A_442 = arith.cmpi ne, %rem3A_440, %ne3A_441 : i32
    %and3A_443 = arith.andi %ne3A_439, %ne3A_442 : i1
    %sub3A_444 = arith.constant 1 : i32
    %sub3A_445 = arith.subi %div3A_424, %sub3A_444 : i32
    %select_n3A_446 = arith.select %and3A_443, %sub3A_445, %div3A_424 : i32
    %rem3A_447 = arith.constant 32 : i32
    %rem3A_448 = arith.remsi %add3A_422, %rem3A_447 : i32
    %mul3A_449 = arith.constant 8 : i32
    %mul3A_450 = arith.muli %select_n3A_446, %mul3A_449 : i32
    %rem3A_451 = arith.constant 199 : i32
    %rem3A_452 = arith.constant 8 : i32
    %rem3A_453 = arith.remsi %rem3A_451, %rem3A_452 : i32
    %add3A_454 = arith.addi %mul3A_450, %rem3A_453 : i32
    %mul3A_455 = arith.constant 128 : i32
    %mul3A_456 = arith.muli %rem3A_448, %mul3A_455 : i32
    %mul3A_457 = arith.constant 128 : i32
    %mul3A_458 = arith.muli %add3A_454, %mul3A_457 : i32
    %dma_wait3A_459 = arith.constant 7 : i32
    %dma_wait3A_460 = arith.constant 0 : i32
    %dma_wait3A_461 = arith.constant 0 : i32
    %dma_wait3A_462 = tpu.memref_slice %arg6[%dma_wait3A_459, %dma_wait3A_460, %dma_wait3A_461] : memref<8x128x64xf32, #tpu.memory_space<vmem>> -> memref<1x128x64xf32, #tpu.memory_space<vmem>>
    %dma_wait3A_463 = tpu.memref_squeeze %dma_wait3A_462 : memref<1x128x64xf32, #tpu.memory_space<vmem>> -> memref<128x64xf32, #tpu.memory_space<vmem>>
    %dma_wait3A_464 = tpu.memref_slice %arg4[%mul3A_456, %mul3A_458] : memref<4096x25600xf32, #tpu.memory_space<hbm>> -> memref<128x64xf32, #tpu.memory_space<hbm>>
    %dma_wait3A_465 = tpu.memref_slice %arg4[%mul3A_456, %mul3A_458] : memref<4096x25600xf32, #tpu.memory_space<hbm>> -> memref<128x64xf32, #tpu.memory_space<hbm>>
    %dma_wait3A_466 = arith.constant 0 : i32
    %dma_wait3A_467 = arith.constant 0 : i32
    %dma_wait3A_468 = tpu.memref_slice %arg6[%dma_wait3A_459, %dma_wait3A_466, %dma_wait3A_467] : memref<8x128x64xf32, #tpu.memory_space<vmem>> -> memref<1x128x64xf32, #tpu.memory_space<vmem>>
    %dma_wait3A_469 = tpu.memref_squeeze %dma_wait3A_468 : memref<1x128x64xf32, #tpu.memory_space<vmem>> -> memref<128x64xf32, #tpu.memory_space<vmem>>
    tpu.wait_dma2 semaphore(%arg22 : memref<!tpu.dma_semaphore, #tpu.memory_space<semaphore_mem>>) src(%dma_wait3A_469 : memref<128x64xf32, #tpu.memory_space<vmem>>) dst(%dma_wait3A_465 : memref<128x64xf32, #tpu.memory_space<hbm>>)
    return
  }
}

</mosaic_0001>

<sc_bundles>
// kernel: kernel.3.cloned.1.call-start
scs
__scs_entry_jumppad:
0x0: {  	(pc) =	sbr.rel $0x88, $3  }
0x1: {  	(tag) =	ssettag $0x0;
	lr =	simm.s32 $0x1  }
0x2: {  	[smem:$0x3F9F] =	sst lr;
	_ =	strace $0xD0000000  }
0x3: {  	_ = 	snop  }
0x4: {  	_ = 	snop  }
0x5: {  	_ = 	snop  }
0x6: {  	_ = 	snop  }
0x7: {  	_ = 	snop  }
__scs_overlays_trampoline_lowered:
0x8: {  	[smem:$0x3FAE] =	sst s0  }
0x9: {  	[smem:$0x3FAF] =	sst s1  }
0xa: {  	[smem:$0x3FB0] =	sst s2  }
0xb: {  	[smem:$0x3FB1] =	sst s3  }
0xc: {  	[smem:$0x3FB2] =	sst s4  }
0xd: {  	[smem:$0x3FB3] =	sst s5  }
0xe: {  	[smem:$0x3FB4] =	sst s6  }
0xf: {  	[smem:$0x3FB5] =	sst s7  }
0x10: {  	[smem:$0x3FB6] =	sst s8  }
0x11: {  	[smem:$0x3FB7] =	sst s9;
	s0 =	simm.s32 @!p0 $0x0  }
0x12: {  	s1 =	sld [smem:$0x3F9D];
	s0 =	simm.s32 @p0 $0x1  }
0x13: {  	[smem:$0x3FB8] =	sst s0;
	s0 =	simm.s32 @!p1 $0x0  }
0x14: {  	s2 =	sld [smem:$0x3F9C];
	s0 =	simm.s32 @p1 $0x1  }
0x15: {  	[smem:$0x3FB9] =	sst s0;
	s0 =	simm.s32 @!p2 $0x0  }
0x16: {  	s3 =	sld [smem:$0x3FDB];
	s0 =	simm.s32 @p2 $0x1  }
0x17: {  	s4 =	simm.s32 $0x1BF5;
	[smem:$0x3FBB] =	sst s0  }
0x18: {  	s0 =	sld [smem:$0x3F9E];
	_ =	swait.ge [sflag:s4], $0x0  }
0x19: {  	s7 =	sld [smem:$0x3F9F]  }
0x1a: {  	s8 =	sadd.s32 $0xFFFFE003, lr  }
0x1b: {  	s9 =	sadd.s32 $0xFFFFFEF7, lr;
	s5 =	simm.s32 $0xFFFFFFFF;
	p2 =	slt.u32 s8, $0xFFFFF086  }
0x1c: {  	p1 =	slt.u32 s9, $0xF7A;
	s5 =	simm.s32 @!p2 $0x0  }
0x1d: {  	s5 =	simm.s32 @p1 $0x1;
	p0 =	seq.s32 s7, s2  }
0x1e: {  	s7 =	smul.u32 @!p0 $0xF7A, s2;
	p2 =	seq.s32 @!p0 s5, $0x0  }
0x1f: {  	s9 =	smul.u32 $0xF7A, s1;
	s8 =	simm.s32 @!p0 $0x1BF5;
	p2 =	por !p2, p0  }
0x20: {  	[sflag:s8] =	ssyncset.s32 @!p0 $0xFFFFF086;
	s6 =	sadd.s32 @!p0 s3, s7;
	s7 =	simm.s32 @!p0 $0x108  }
0x21: {  	s3 =	sadd.s32 s3, s9;
	s6 =	sadd.s32 @!p0 $0x88, s6;
	s7 =	simm.s32 @p2 $0x1082  }
0x22: {  	[simem:s7], [sflag:s8] =	dma.local @!p0 [hbm:s6], $0xF7A  }
0x23: {  	s9 =	sor.u32 $0xD0000000, s2;
	s6 =	simm.s32 $0x108;
	_ =	swait.ge @!p0 [sflag:s8], $0x0  }
0x24: {  	s3 =	sadd.s32 $0x88, s3;
	s6 =	simm.s32 @!p1 $0x1082;
	[sflag:s4] =	ssyncset.s32 $0xFFFFF086  }
0x25: {  	[simem:s6], [sflag:s4] =	dma.local [hbm:s3], $0xF7A  }
0x26: {  	[smem:$0x3F9F] =	sst s1;
	(tag) =	ssettag s2;
	_ =	strace s9  }
0x27: {  	s1 =	sld [smem:$0x3FAF]  }
0x28: {  	s2 =	sld [smem:$0x3FB0]  }
0x29: {  	s4 =	sld [smem:$0x3FB2]  }
0x2a: {  	p0 =	seq.s32 s5, $0x0;
	s5 =	sld [smem:$0x3FB3]  }
0x2b: {  	s6 =	sld [smem:$0x3FB4]  }
0x2c: {  	s7 =	sld [smem:$0x3FB5]  }
0x2d: {  	s3 =	simm.s32 $0x108;
	s8 =	sld [smem:$0x3FB6]  }
0x2e: {  	s3 =	simm.s32 @!p0 $0x1082;
	s9 =	sld [smem:$0x3FB7]  }
0x2f: {  	lr =	sadd.s32 s0, s3;
	s0 =	sld [smem:$0x3FAE]  }
0x30: {  	s3 =	sld [smem:$0x3FB1]  }
0x31: {  	[smem:$0x3FBA] =	sst s10  }
0x32: {  	s10 =	sld [smem:$0x3FB8];
	_ =	sdelay $0x3  }
0x33: {  	p0 =	seq.s32 s10, $0x1;
	s10 =	sld [smem:$0x3FBA];
	_ =	sdelay $0x3  }
0x34: {  	[smem:$0x3FBA] =	sst s10  }
0x35: {  	s10 =	sld [smem:$0x3FB9];
	_ =	sdelay $0x3  }
0x36: {  	p1 =	seq.s32 s10, $0x1;
	s10 =	sld [smem:$0x3FBA];
	_ =	sdelay $0x3  }
0x37: {  	[smem:$0x3FBA] =	sst s10  }
0x38: {  	s10 =	sld [smem:$0x3FBB]  }
0x39: {  	_ = 	snop;
	(pc) =	sbr.ind lr, $3  }
0x3a: {  	_ = 	snop  }
0x3b: {  	_ = 	snop  }
0x3c: {  	p2 =	seq.s32 s10, $0x1;
	s10 =	sld [smem:$0x3FBA]  }
0x3d: {  	_ =	shalt  }
0x3e: {  	_ =	shalt  }
0x3f: {  	_ =	shalt  }
0x40: {  	_ =	shalt  }
0x41: {  	_ =	shalt  }
0x42: {  	_ =	shalt  }
0x43: {  	_ =	shalt  }
0x44: {  	_ =	shalt  }
0x45: {  	_ =	shalt  }
0x46: {  	_ =	shalt  }
0x47: {  	_ =	shalt  }
0x48: {  	_ =	shalt  }
0x49: {  	_ =	shalt  }
0x4a: {  	_ =	shalt  }
0x4b: {  	_ =	shalt  }
0x4c: {  	_ =	shalt  }
0x4d: {  	_ =	shalt  }
0x4e: {  	_ =	shalt  }
0x4f: {  	_ =	shalt  }
0x50: {  	_ =	shalt  }
0x51: {  	_ =	shalt  }
0x52: {  	_ =	shalt  }
0x53: {  	_ =	shalt  }
0x54: {  	_ =	shalt  }
0x55: {  	_ =	shalt  }
0x56: {  	_ =	shalt  }
0x57: {  	_ =	shalt  }
0x58: {  	_ =	shalt  }
0x59: {  	_ =	shalt  }
0x5a: {  	_ =	shalt  }
0x5b: {  	_ =	shalt  }
0x5c: {  	_ =	shalt  }
0x5d: {  	_ =	shalt  }
0x5e: {  	_ =	shalt  }
0x5f: {  	_ =	shalt  }
0x60: {  	_ =	shalt  }
0x61: {  	_ =	shalt  }
0x62: {  	_ =	shalt  }
0x63: {  	_ =	shalt  }
0x64: {  	_ =	shalt  }
0x65: {  	_ =	shalt  }
0x66: {  	_ =	shalt  }
0x67: {  	_ =	shalt  }
0x68: {  	_ =	shalt  }
0x69: {  	_ =	shalt  }
0x6a: {  	_ =	shalt  }
0x6b: {  	_ =	shalt  }
0x6c: {  	_ =	shalt  }
0x6d: {  	_ =	shalt  }
0x6e: {  	_ =	shalt  }
0x6f: {  	_ =	shalt  }
0x70: {  	_ =	shalt  }
0x71: {  	_ =	shalt  }
0x72: {  	_ =	shalt  }
0x73: {  	_ =	shalt  }
0x74: {  	_ =	shalt  }
0x75: {  	_ =	shalt  }
0x76: {  	_ =	shalt  }
0x77: {  	_ =	shalt  }
0x78: {  	_ =	shalt  }
0x79: {  	_ =	shalt  }
0x7a: {  	_ =	shalt  }
0x7b: {  	_ =	shalt  }
0x7c: {  	_ =	shalt  }
0x7d: {  	_ =	shalt  }
0x7e: {  	_ =	shalt  }
0x7f: {  	_ =	shalt  }
0x80: {  	_ =	shalt  }
0x81: {  	_ =	shalt  }
0x82: {  	_ =	shalt  }
0x83: {  	_ =	shalt  }
0x84: {  	_ =	shalt  }
0x85: {  	_ =	shalt  }
0x86: {  	_ =	shalt  }
0x87: {  	_ =	shalt  }
.Lfunc_end0:
.L_simem_size_0:
called_computation.1_lowered:
.L_overlay_start_0:
0x88: {  	s2 =	sld [smem:$0x3FD9]  }
0x89: {  	s3 =	sld [smem:$0x3FFE];
	_ =	sdelay $0x1  }
0x8a: {  	s1 =	srdreg.scid  }
0x8b: {  	s0 =	sand.u32 $0x1, s1  }
0x8c: {  	s17 =	sshll.u32 s0, $0xA;
	s2 =	sadd.s32 s3, s2  }
0x8d: {  	s2 =	sadd.s32 s2, s17  }
0x8e: {  	[smem:$0x3FC6] =	sst s2  }
0x8f: {  	_ = 	snop  }
0x90: {  	s2 =	sld [smem:$0x3FC9];
	(tm) =	ssettm $0x1  }
0x91: {  	s18 =	sld [smem:$0x3FFB];
	_ =	sdelay $0x3  }
0x92: {  	_ =	strace s18  }
0x93: {  	s3 =	sld [smem:$0x3FFC];
	_ =	sdelay $0x3  }
0x94: {  	_ =	strace s3  }
0x95: {  	s3 =	sld [smem:$0x3FFD];
	_ =	sdelay $0x3  }
0x96: {  	_ =	strace s3  }
0x97: {  	_ =	strace $0x8FFFFFFF  }
0x98: {  	s19 =	sld [smem:$0x3FDB];
	_ =	sdelay $0x1  }
0x99: {  	s4 =	simm.s32 $_scs_section_size  }
0x9a: {  	s5 =	simm.s32 $_size__tile_overlayer_lowered;
	s6 =	simm.s32 $_tile_overlayer_lowered  }
0x9b: {  	s22 =	simm.s32 $0x1BFF;
	s21 =	sshll.u32 s6, $0x1;
	s3 =	sadd.s32 s4, s19  }
0x9c: {  	s7 =	simm.s32 $0x0;
	s20 =	sshll.u32 s5, $0x1;
	s5 =	sadd.s32 s21, s3  }
0x9d: {  	[timem:s7], [sflag:s22] =	dma.local [hbm:s5], s20  }
0x9e: {  	_ =	swait.ge [sflag:s22], s20  }
0x9f: {  	s4 =	ssub.s32 $0x0, s20;
	[sflag:s22] =	ssyncset.done $0x0  }
0xa0: {  	[sflag:s22] =	ssyncadd.s32 s4;
	_ =	sdelay $0x1  }
0xa1: {  	s23 =	simm.s32 $0x1B8B  }
0xa2: {  	_ =	swait.ge [sflag:s23], $0x1  }
0xa3: {  	[sflag:s23] =	ssyncset.done $0x0  }
0xa4: {  	s25 =	simm.s32 $0x1B8E;
	s24 =	sld [smem:$0x3FFE];
	[sflag:s23] =	ssyncadd.s32 $0xFFFFFFFF  }
0xa5: {  	s26 =	simm.s32 $execute0_lowered;
	[smem:$0x3FD2] =	sst s25  }
0xa6: {  	s5 =	sshll.u32 s26, $0x1;
	_ =	strace $0x80000046;
	[dreg:$0x1] =	wrdreg $0xFFFFFFFF  }
0xa7: {  	s28 =	simm.s32 $_size_execute0_lowered;
	s3 =	sadd.s32 s3, s5;
	[dreg:$0x0] =	wrdreg $0x0  }
0xa8: {  	s5 =	sshll.u32 s28, $0x1;
	[dreg:$0x2] =	wrdreg s3  }
0xa9: {  	[dreg:$0x3] =	wrdreg s5  }
0xaa: {  	[dreg:$0x4] =	wrdreg $0xC0  }
0xab: {  	_ =	task [dreg:s7], $0x5FFFF  }
0xac: {  	[dreg:$0x1] =	wrdreg $0xFFFFFFFF  }
0xad: {  	[dreg:$0x0] =	wrdreg $0x60  }
0xae: {  	[dreg:$0x2] =	wrdreg s24  }
0xaf: {  	[dreg:$0x3] =	wrdreg s2  }
0xb0: {  	[dreg:$0x4] =	wrdreg $0x9  }
0xb1: {  	_ =	task.clear_ibuf [dreg:s7], $0x5FFFF;
	_ =	strace $0x90000046  }
0xb2: {  	s29 =	simm.s32 $0x9;
	_ =	strace $0x80000048  }
0xb3: {  	_ =	swait.ge [sflag:s29], $0x1  }
0xb4: {  	[sflag:s29] =	ssyncadd.s32 $0xFFFFFFFF  }
0xb5: {  	_ =	strace $0x90000048  }
0xb6: {  	_ =	sfence  }
0xb7: {  	s30 =	sld [smem:$0x0];
	_ =	sdelay $0x2  }
0xb8: {  	s31 =	sshll.u32 s1, $0xD;
	s1 =	sshrl.u32 s1, $0x2  }
0xb9: {  	s3 =	sand.u32 $0x4000, s31;
	s1 =	sadd.s32 s1, s30  }
0xba: {  	s0 =	sor.u32 s3, s0;
	s1 =	sshll.u32 s1, $0x11  }
0xbb: {  	s0 =	sor.u32 s1, s0  }
0xbc: {  	s0 =	sadd.s32 $0x8F2B, s0  }
0xbd: {  	[sflag:s0] =	ssyncadd.remote.s32 $0x1  }
0xbe: {  	_ =	sfence.sel $0xFFFF  }
0xbf: {  	[dreg:$0x0] =	wrdreg $0xFFFFFFFF;
	(pc) =	sbr.abs _section_cstart, $3  }
0xc0: {  	[dreg:$0x1] =	wrdreg $0xFFFFFFFF  }
0xc1: {  	_ =	task.clear_ibuf [dreg:s7], $0x2FFFF;
	_ =	strace $0x9FFFFFFF  }
0xc2: {  	(tm) =	ssettm $0x7FFFFFFF  }
0xc3: {  	_ =	shalt  }
tec
execute0_lowered:
.L_overlay_start_1:
0x0: {  	(tag) =	ssettag $0x1  }
0x1: {  	s0 =	srdreg.scid;
	s2 =	rddreg [dreg:$0x0]  }
0x2: {  	s3 =	stileid.u32;
	s5 =	rddreg [dreg:$0x1];
	s4 =	simm.s32 $0x0  }
0x3: {  	s11 =	simm.s32 $0x6400;
	s12 =	simm.s32 $0x8400;
	s14 =	simm.s32 $0xA400  }
0x4: {  	s16 =	simm.s32 $0xC400;
	s17 =	simm.s32 $0x1;
	s18 =	simm.s32 $0x40  }
0x5: {  	s19 =	simm.s32 $0xE400;
	s20 =	simm.s32 $0x2;
	s21 =	simm.s32 $0x10400  }
0x6: {  	s22 =	simm.s32 $0x3;
	s23 =	simm.s32 $0x12400;
	s24 =	simm.s32 $0x4  }
0x7: {  	s28 =	simm.s32 $0x6;
	s29 =	simm.s32 $0x7;
	s30 =	simm.s32 $0x8  }
0x8: {  	s13 =	simm.s32 $0xC;
	s0 =	sand.u32 $0x1, s0;
	s6 =	smul.u32 $0x640, s3  }
0x9: {  	s1 =	sshll.u32 s3, $0x1;
	[smem:$0x7FF] =	sst s4;
	s9 =	smul.u32 $0x32, s3  }
0xa: {  	s3 =	sadd.s32 $0x800, s2;
	s4 =	sadd.s32 $0xC3E00, s2;
	s7 =	smul.u32 $0x320, s0  }
0xb: {  	s1 =	sor.u32 s0, s1;
	s8 =	ssub.s32 $0x2, s0;
	s0 =	smul.u32 $0x19, s0  }
0xc: {  	_ =	strace $0x80000047;
	s1 =	smul.u32 $0xC80, s1;
	s10 =	sshrl.u32 s8, $0x1  }
.Ltmp0:
0xd: {  	s25 =	ssub.s32 s8, s10;
	s31 =	sadd.s32 s7, s6;
	(pc) =	sbr.rel .LBB2_1-.Ltmp0, $4  }
0xe: {  	s0 =	sadd.s32 s0, s9;
	s10 =	simm.s32 $0x80;
	[dreg:$0x5] =	wrdreg s31  }
0xf: {  	s6 =	simm.s32 $0x10;
	s1 =	sadd.s32 s5, s1;
	[dreg:$0x6] =	wrdreg s0  }
0x10: {  	s7 =	simm.s32 $0x0;
	s26 =	smax.u32 s25, $0x1;
	[dreg:$0x3] =	wrdreg s1  }
0x11: {  	s25 =	simm.s32 $0x14400;
	[dreg:$0x4] =	wrdreg s26;
	s26 =	simm.s32 $0x5  }
.LBB2_4:
0x12: {  	s0 =	simm.s32 $0x9  }
0x13: {  	_ =	swait.ge [sflag:s0], $0x2000  }
0x14: {  	[sflag:s0] =	ssyncset.done $0x0  }
0x15: {  	s2 =	simm.s32 $0xA;
	[sflag:s0] =	ssyncadd.s32 $0xFFFFE000  }
0x16: {  	_ =	swait.ge [sflag:s2], $0x2000  }
0x17: {  	[sflag:s2] =	ssyncset.done $0x0  }
0x18: {  	s5 =	simm.s32 $0xB;
	[sflag:s2] =	ssyncadd.s32 $0xFFFFE000  }
0x19: {  	_ =	swait.ge [sflag:s5], $0x2000  }
0x1a: {  	[sflag:s5] =	ssyncset.done $0x0  }
0x1b: {  	[sflag:s5] =	ssyncadd.s32 $0xFFFFE000  }
0x1c: {  	_ =	swait.ge [sflag:s13], $0x2000  }
0x1d: {  	[sflag:s13] =	ssyncset.done $0x0  }
0x1e: {  	s8 =	simm.s32 $0xD;
	[sflag:s13] =	ssyncadd.s32 $0xFFFFE000  }
0x1f: {  	_ =	swait.ge [sflag:s8], $0x2000  }
0x20: {  	[sflag:s8] =	ssyncset.done $0x0  }
0x21: {  	s9 =	simm.s32 $0xE;
	[sflag:s8] =	ssyncadd.s32 $0xFFFFE000  }
0x22: {  	_ =	swait.ge [sflag:s9], $0x2000  }
0x23: {  	[sflag:s9] =	ssyncset.done $0x0  }
0x24: {  	s15 =	simm.s32 $0xF;
	[sflag:s9] =	ssyncadd.s32 $0xFFFFE000  }
0x25: {  	_ =	swait.ge [sflag:s15], $0x2000  }
0x26: {  	[sflag:s15] =	ssyncset.done $0x0  }
0x27: {  	[sflag:s15] =	ssyncadd.s32 $0xFFFFE000  }
0x28: {  	_ =	swait.ge [sflag:s6], $0x2000  }
0x29: {  	s7 =	sadd.s32 $0x1, s7;
	s31 =	rddreg [dreg:$0x4]  }
0x2a: {  	p0 =	sne.s32 s7, s31  }
.Ltmp1:
0x2b: {  	_ = 	snop;
	(pc) =	sbr.rel @!p0 .LBB2_5-.Ltmp1, $3  }
0x2c: {  	_ =	sdelay $0x1  }
0x2d: {  	[sflag:s6] =	ssyncset.done $0x0  }
0x2e: {  	[sflag:s6] =	ssyncadd.s32 $0xFFFFE000  }
.LBB2_1:
0x2f: {  	s0 =	simm.s32 $0x0;
	s1 =	rddreg [dreg:$0x3];
	s8 =	simm.s32 $0x11  }
0x30: {  	[tilespmem:s0], [sflag:$0x11] =	stream.linear.gather [hbm4b:s1+s0], $0x6400, $0x38;
	[tilespmem:$0x16400] =	vst v63  }
0x31: {  	_ =	swait.ge [sflag:s8], $0x6400  }
0x32: {  	[sflag:s8] =	ssyncset.done $0x0  }
0x33: {  	[sflag:s8] =	ssyncadd.s32 $0xFFFF9C00  }
0x34: {  	[tilespmem:s11], [sflag:$0x1] =	stream.indirect.gather [hbm4b:s3+s10], $0x40, s0, s10, $0xb8;
	[tilespmem:$0x16400] =	vst v63  }
0x35: {  	_ = 	snop  }
0x36: {  	[tilespmem:s12], [sflag:$0x2] =	stream.indirect.gather [hbm4b:s3+s10], $0x40, s10, s10, $0xb8;
	[tilespmem:$0x16400] =	vst v63  }
0x37: {  	s9 =	simm.s32 $0x100;
	s8 =	rddreg [dreg:$0x6]  }
0x38: {  	[tilespmem:s14], [sflag:$0x3] =	stream.indirect.gather [hbm4b:s3+s10], $0x40, s9, s10, $0xb8;
	[tilespmem:$0x16400] =	vst v63  }
0x39: {  	s15 =	simm.s32 $0x180;
	s31 =	simm.s32 $0x0;
	s9 =	rddreg [dreg:$0x5]  }
0x3a: {  	[tilespmem:s16], [sflag:$0x4] =	stream.indirect.gather [hbm4b:s3+s10], $0x40, s15, s10, $0xb8;
	[tilespmem:$0x16400] =	vst v63  }
.LBB2_2:
0x3b: {  	s1 =	sand.u32 $0x1F, s8  }
0x3c: {  	s1 =	smul.u32 $0x320000, s1  }
0x3d: {  	s0 =	sand.u32 $0x7FFFFC00, s9  }
0x3e: {  	_ =	swait.ge [sflag:s17], $0x2000;
	s1 =	sadd.s32 s0, s1  }
0x3f: {  	[sflag:s17] =	ssyncset.done $0x0;
	s0 =	sshrl.u32 s1, $0x3  }
0x40: {  	p0 =	seq.s32 s31, $0x0;
	[sflag:s17] =	ssyncadd.s32 $0xFFFFE000;
	s0 =	sadd.s32 s4, s0  }
0x41: {  	[hbm4b:s0+s18] =	stream.strided.scatter [tilespmem:s11], [sflag:$0x9], $0x2000, s11, s18, $0x38;
	[tilespmem:$0x16400] =	vst v63  }
0x42: {  	s0 =	simm.s32 @!p0 $0xD  }
0x43: {  	s15 =	sshra.s32 @!p0 s31, $0x2;
	_ =	swait.ge @!p0 [sflag:s0], $0x2000  }
0x44: {  	s15 =	simm.s32 @p0 $0x0;
	[sflag:s0] =	ssyncset.done @!p0 $0x0  }
0x45: {  	s2 =	sadd.s32 $0x200, s15;
	[sflag:s0] =	ssyncadd.s32 @!p0 $0xFFFFE000  }
0x46: {  	[tilespmem:s19], [sflag:$0x5] =	stream.indirect.gather [hbm4b:s3+s10], $0x40, s2, s10, $0xb8;
	[tilespmem:$0x16400] =	vst v63  }
0x47: {  	s5 =	sadd.s32 $0x80, s1;
	_ =	swait.ge [sflag:s20], $0x2000  }
0x48: {  	s0 =	sshrl.u32 s5, $0x3;
	[sflag:s20] =	ssyncset.done $0x0  }
0x49: {  	s0 =	sadd.s32 s4, s0;
	[sflag:s20] =	ssyncadd.s32 $0xFFFFE000  }
0x4a: {  	[hbm4b:s0+s18] =	stream.strided.scatter [tilespmem:s12], [sflag:$0xA], $0x2000, s11, s18, $0x38;
	[tilespmem:$0x16400] =	vst v63  }
0x4b: {  	s0 =	simm.s32 @!p0 $0xE  }
0x4c: {  	_ =	swait.ge @!p0 [sflag:s0], $0x2000  }
0x4d: {  	[sflag:s0] =	ssyncset.done @!p0 $0x0  }
0x4e: {  	s2 =	sadd.s32 $0x280, s15;
	[sflag:s0] =	ssyncadd.s32 @!p0 $0xFFFFE000  }
0x4f: {  	[tilespmem:s21], [sflag:$0x6] =	stream.indirect.gather [hbm4b:s3+s10], $0x40, s2, s10, $0xb8;
	[tilespmem:$0x16400] =	vst v63  }
0x50: {  	s5 =	sadd.s32 $0x100, s1;
	_ =	swait.ge [sflag:s22], $0x2000  }
0x51: {  	s0 =	sshrl.u32 s5, $0x3;
	[sflag:s22] =	ssyncset.done $0x0  }
0x52: {  	s0 =	sadd.s32 s4, s0;
	[sflag:s22] =	ssyncadd.s32 $0xFFFFE000  }
0x53: {  	[hbm4b:s0+s18] =	stream.strided.scatter [tilespmem:s14], [sflag:$0xB], $0x2000, s11, s18, $0x38;
	[tilespmem:$0x16400] =	vst v63  }
0x54: {  	s0 =	simm.s32 @!p0 $0xF  }
0x55: {  	_ =	swait.ge @!p0 [sflag:s0], $0x2000  }
0x56: {  	[sflag:s0] =	ssyncset.done @!p0 $0x0  }
0x57: {  	s2 =	sadd.s32 $0x300, s15;
	[sflag:s0] =	ssyncadd.s32 @!p0 $0xFFFFE000  }
0x58: {  	[tilespmem:s23], [sflag:$0x7] =	stream.indirect.gather [hbm4b:s3+s10], $0x40, s2, s10, $0xb8;
	[tilespmem:$0x16400] =	vst v63  }
0x59: {  	s5 =	sadd.s32 $0x180, s1;
	_ =	swait.ge [sflag:s24], $0x2000  }
0x5a: {  	s0 =	sshrl.u32 s5, $0x3;
	[sflag:s24] =	ssyncset.done $0x0  }
0x5b: {  	s0 =	sadd.s32 s4, s0;
	[sflag:s24] =	ssyncadd.s32 $0xFFFFE000  }
0x5c: {  	[hbm4b:s0+s18] =	stream.strided.scatter [tilespmem:s16], [sflag:$0xC], $0x2000, s11, s18, $0x38;
	[tilespmem:$0x16400] =	vst v63  }
0x5d: {  	s0 =	simm.s32 @!p0 $0x10  }
0x5e: {  	_ =	swait.ge @!p0 [sflag:s0], $0x2000  }
0x5f: {  	[sflag:s0] =	ssyncset.done @!p0 $0x0  }
0x60: {  	s2 =	sadd.s32 $0x380, s15;
	[sflag:s0] =	ssyncadd.s32 @!p0 $0xFFFFE000  }
0x61: {  	[tilespmem:s25], [sflag:$0x8] =	stream.indirect.gather [hbm4b:s3+s10], $0x40, s2, s10, $0xb8;
	[tilespmem:$0x16400] =	vst v63  }
0x62: {  	s5 =	sadd.s32 $0x200, s1;
	_ =	swait.ge [sflag:s26], $0x2000  }
0x63: {  	s0 =	sshrl.u32 s5, $0x3;
	[sflag:s26] =	ssyncset.done $0x0  }
0x64: {  	p0 =	seq.s32 s31, $0x18000;
	s0 =	sadd.s32 s4, s0;
	[sflag:s26] =	ssyncadd.s32 $0xFFFFE000  }
0x65: {  	[hbm4b:s0+s18] =	stream.strided.scatter [tilespmem:s19], [sflag:$0xD], $0x2000, s11, s18, $0x38;
	[tilespmem:$0x16400] =	vst v63  }
0x66: {  	s0 =	simm.s32 @!p0 $0x9  }
0x67: {  	_ =	swait.ge @!p0 [sflag:s0], $0x2000  }
0x68: {  	[sflag:s0] =	ssyncset.done @!p0 $0x0  }
0x69: {  	[sflag:s0] =	ssyncadd.s32 @!p0 $0xFFFFE000;
	s0 =	sshra.s32 @!p0 s31, $0x2  }
0x6a: {  	s2 =	simm.s32 @!p0 $0x80;
	s5 =	simm.s32 @!p0 $0x6400;
	s15 =	sadd.s32 @!p0 $0x400, s0  }
0x6b: {  	[tilespmem:s5], [sflag:$0x1] =	stream.indirect.gather @!p0 [hbm4b:s3+s2], $0x40, s15, s2, $0xb8;
	[tilespmem:$0x16400] =	vst v63  }
0x6c: {  	s15 =	sadd.s32 $0x280, s1;
	_ =	swait.ge [sflag:s28], $0x2000  }
0x6d: {  	s5 =	sshrl.u32 s15, $0x3;
	[sflag:s28] =	ssyncset.done $0x0  }
0x6e: {  	s5 =	sadd.s32 s4, s5;
	[sflag:s28] =	ssyncadd.s32 $0xFFFFE000  }
0x6f: {  	[hbm4b:s5+s18] =	stream.strided.scatter [tilespmem:s21], [sflag:$0xE], $0x2000, s11, s18, $0x38;
	[tilespmem:$0x16400] =	vst v63  }
0x70: {  	s5 =	simm.s32 @!p0 $0xA  }
0x71: {  	_ =	swait.ge @!p0 [sflag:s5], $0x2000  }
0x72: {  	[sflag:s5] =	ssyncset.done @!p0 $0x0  }
0x73: {  	s15 =	simm.s32 @!p0 $0x8400;
	[sflag:s5] =	ssyncadd.s32 @!p0 $0xFFFFE000;
	s5 =	sadd.s32 @!p0 $0x480, s0  }
0x74: {  	[tilespmem:s15], [sflag:$0x2] =	stream.indirect.gather @!p0 [hbm4b:s3+s2], $0x40, s5, s2, $0xb8;
	[tilespmem:$0x16400] =	vst v63  }
0x75: {  	s15 =	sadd.s32 $0x300, s1;
	_ =	swait.ge [sflag:s29], $0x2000  }
0x76: {  	s5 =	sshrl.u32 s15, $0x3;
	[sflag:s29] =	ssyncset.done $0x0  }
0x77: {  	s5 =	sadd.s32 s4, s5;
	[sflag:s29] =	ssyncadd.s32 $0xFFFFE000  }
0x78: {  	[hbm4b:s5+s18] =	stream.strided.scatter [tilespmem:s23], [sflag:$0xF], $0x2000, s11, s18, $0x38;
	[tilespmem:$0x16400] =	vst v63  }
0x79: {  	s5 =	simm.s32 @!p0 $0xB  }
0x7a: {  	_ =	swait.ge @!p0 [sflag:s5], $0x2000  }
0x7b: {  	[sflag:s5] =	ssyncset.done @!p0 $0x0  }
0x7c: {  	s0 =	sadd.s32 @!p0 $0x500, s0;
	[sflag:s5] =	ssyncadd.s32 @!p0 $0xFFFFE000;
	s5 =	simm.s32 @!p0 $0xA400  }
0x7d: {  	[tilespmem:s5], [sflag:$0x3] =	stream.indirect.gather @!p0 [hbm4b:s3+s2], $0x40, s0, s2, $0xb8;
	[tilespmem:$0x16400] =	vst v63  }
.Ltmp2:
0x7e: {  	_ = 	snop;
	(pc) =	sbr.rel @p0 .LBB2_4-.Ltmp2, $4  }
0x7f: {  	s15 =	sadd.s32 $0x380, s1;
	_ =	swait.ge [sflag:s30], $0x2000  }
0x80: {  	s0 =	sshrl.u32 s15, $0x3;
	[sflag:s30] =	ssyncset.done $0x0  }
0x81: {  	s0 =	sadd.s32 s4, s0;
	[sflag:s30] =	ssyncadd.s32 $0xFFFFE000  }
0x82: {  	[hbm4b:s0+s18] =	stream.strided.scatter [tilespmem:s25], [sflag:$0x10], $0x2000, s11, s18, $0x38;
	[tilespmem:$0x16400] =	vst v63  }
.Ltmp3:
0x83: {  	(pc) =	sbr.rel .LBB2_2-.Ltmp3, $4  }
0x84: {  	_ =	swait.ge [sflag:s13], $0x2000;
	s0 =	sshra.s32 s31, $0x2  }
0x85: {  	s31 =	sadd.s32 $0x1000, s31;
	s9 =	sadd.s32 $0x20, s9;
	[sflag:s13] =	ssyncset.done $0x0  }
0x86: {  	s8 =	sadd.s32 $0x1, s8;
	s0 =	sadd.s32 $0x580, s0;
	[sflag:s13] =	ssyncadd.s32 $0xFFFFE000  }
0x87: {  	[tilespmem:s16], [sflag:$0x4] =	stream.indirect.gather [hbm4b:s3+s10], $0x40, s0, s10, $0xb8;
	[tilespmem:$0x16400] =	vst v63  }
.LBB2_5:
0x88: {  	_ =	sfence.sel $0x180000  }
0x89: {  	[bflag:$0x0] =	sbarrier.arrive $0xFFFF  }
0x8a: {  	_ =	strace $0x90000047  }
0x8b: {  	s0 =	stileid.u32;
	[bflag:$0x2] =	sbarrier.arrive $0xFFFF  }
0x8c: {  	p0 =	sne.s32 s0, $0x0;
	s0 =	rddreg [dreg:$0x2]  }
0x8d: {  	s0 =	sadd.s32 @!p0 $0x100000, s0  }
0x8e: {  	[sflag:s0] =	ssyncadd.tile.s32 @!p0 $0x1;
	_ =	shalt  }
.Lfunc_end2:
_tile_overlayer_lowered:
.L_overlay_start_2:
0x8f: {  	(tag) =	ssettag $0x2  }
0x90: {  	s0 =	rddreg [dreg:$0x0];
	s2 =	stileid.u32  }
0x91: {  	s1 =	rddreg [dreg:$0x1];
	p0 =	sne.s32 s2, $0x0  }
0x92: {  	s3 =	rddreg [dreg:$0x2];
	[bflag:$0x3] =	sbarrier.arrive $0xFFFF;
	s2 =	simm.s32 @!p0 $0x1C11  }
0x93: {  	[timem:s3], [sflag:s2] =	dma.local @!p0 [hbm:s0], s1  }
0x94: {  	s0 =	simm.s32 @!p0 $0x11  }
0x95: {  	_ =	swait.ge @!p0 [sflag:s0], s1  }
0x96: {  	s1 =	ssub.s32 @!p0 $0x0, s1;
	[sflag:s0] =	ssyncset.done @!p0 $0x0  }
0x97: {  	[sflag:s0] =	ssyncadd.s32 @!p0 s1  }
0x98: {  	[bflag:$0x3] =	sbarrier.arrive $0xFFFF  }
0x99: {  	_ =	shalt  }

// kernel: sparse-core-data-format-call.cloned.1.call-start
scs
called_computation_lowered:
.L_overlay_start_0:
0x0: {  	s2 =	sld [smem:$0x3FD9]  }
0x1: {  	s3 =	sld [smem:$0x3FFE];
	_ =	sdelay $0x1  }
0x2: {  	s1 =	srdreg.scid  }
0x3: {  	s0 =	sand.u32 $0x1, s1  }
0x4: {  	s18 =	sshll.u32 s0, $0xA;
	s2 =	sadd.s32 s3, s2  }
0x5: {  	s2 =	sadd.s32 s2, s18  }
0x6: {  	[smem:$0x3FC6] =	sst s2  }
0x7: {  	_ = 	snop  }
0x8: {  	s2 =	sld [smem:$0x3FD0];
	(tm) =	ssettm $0x1  }
0x9: {  	s19 =	sld [smem:$0x3FFB];
	_ =	sdelay $0x3  }
0xa: {  	_ =	strace s19  }
0xb: {  	s3 =	sld [smem:$0x3FFC];
	_ =	sdelay $0x3  }
0xc: {  	_ =	strace s3  }
0xd: {  	s3 =	sld [smem:$0x3FFD];
	_ =	sdelay $0x3  }
0xe: {  	_ =	strace s3  }
0xf: {  	_ =	strace $0x8FFFFFFF  }
0x10: {  	s20 =	sld [smem:$0x3FDB];
	_ =	sdelay $0x1  }
0x11: {  	s4 =	simm.s32 $_scs_section_size  }
0x12: {  	s5 =	simm.s32 $_size__tile_overlayer_lowered;
	s6 =	simm.s32 $_tile_overlayer_lowered  }
0x13: {  	s23 =	simm.s32 $0x1BFF;
	s22 =	sshll.u32 s6, $0x1;
	s3 =	sadd.s32 s4, s20  }
0x14: {  	s7 =	simm.s32 $0x0;
	s21 =	sshll.u32 s5, $0x1;
	s5 =	sadd.s32 s22, s3  }
0x15: {  	[timem:s7], [sflag:s23] =	dma.local [hbm:s5], s21  }
0x16: {  	_ =	swait.ge [sflag:s23], s21  }
0x17: {  	s4 =	ssub.s32 $0x0, s21;
	[sflag:s23] =	ssyncset.done $0x0  }
0x18: {  	[sflag:s23] =	ssyncadd.s32 s4;
	_ =	sdelay $0x1  }
0x19: {  	s24 =	simm.s32 $0x1B8B  }
0x1a: {  	_ =	swait.ge [sflag:s24], $0x1  }
0x1b: {  	[sflag:s24] =	ssyncset.done $0x0  }
0x1c: {  	s26 =	simm.s32 $0x1B8E;
	s25 =	sld [smem:$0x3FFE];
	[sflag:s24] =	ssyncadd.s32 $0xFFFFFFFF  }
0x1d: {  	s27 =	simm.s32 $execute0_lowered;
	[smem:$0x3FD2] =	sst s26  }
0x1e: {  	s5 =	sshll.u32 s27, $0x1;
	_ =	strace $0x80000049;
	[dreg:$0x1] =	wrdreg $0xFFFFFFFF  }
0x1f: {  	s28 =	simm.s32 $_size_execute0_lowered;
	s3 =	sadd.s32 s3, s5;
	[dreg:$0x0] =	wrdreg $0x0  }
0x20: {  	s5 =	sshll.u32 s28, $0x1;
	[dreg:$0x2] =	wrdreg s3  }
0x21: {  	[dreg:$0x3] =	wrdreg s5  }
0x22: {  	[dreg:$0x4] =	wrdreg $0xC0  }
0x23: {  	_ =	task [dreg:s7], $0x5FFFF  }
0x24: {  	[dreg:$0x1] =	wrdreg $0xFFFFFFFF  }
0x25: {  	[dreg:$0x0] =	wrdreg $0x60  }
0x26: {  	[dreg:$0x2] =	wrdreg s25  }
0x27: {  	[dreg:$0x3] =	wrdreg s2  }
0x28: {  	[dreg:$0x4] =	wrdreg $0x9  }
0x29: {  	_ =	task.clear_ibuf [dreg:s7], $0x5FFFF;
	_ =	strace $0x90000049  }
0x2a: {  	s29 =	simm.s32 $0x9;
	_ =	strace $0x8000004B  }
0x2b: {  	_ =	swait.ge [sflag:s29], $0x1  }
0x2c: {  	[sflag:s29] =	ssyncadd.s32 $0xFFFFFFFF  }
0x2d: {  	_ =	strace $0x9000004B  }
0x2e: {  	_ =	sfence  }
0x2f: {  	s30 =	sld [smem:$0x0];
	_ =	sdelay $0x2  }
0x30: {  	s31 =	sshll.u32 s1, $0xD;
	s1 =	sshrl.u32 s1, $0x2  }
0x31: {  	s3 =	sand.u32 $0x4000, s31;
	s1 =	sadd.s32 s1, s30  }
0x32: {  	s0 =	sor.u32 s3, s0;
	s1 =	sshll.u32 s1, $0x11  }
0x33: {  	s0 =	sor.u32 s1, s0  }
0x34: {  	s0 =	sadd.s32 $0x8F2B, s0  }
0x35: {  	[sflag:s0] =	ssyncadd.remote.s32 $0x1  }
0x36: {  	_ =	sfence.sel $0xFFFF  }
0x37: {  	[dreg:$0x0] =	wrdreg $0xFFFFFFFF;
	(pc) =	sbr.abs _section_cstart, $3  }
0x38: {  	[dreg:$0x1] =	wrdreg $0xFFFFFFFF  }
0x39: {  	_ =	task.clear_ibuf [dreg:s7], $0x2FFFF;
	_ =	strace $0x9FFFFFFF  }
0x3a: {  	(tm) =	ssettm $0x7FFFFFFF  }
0x3b: {  	_ =	shalt  }
tec
execute0_lowered:
.L_overlay_start_1:
0x0: {  	(tag) =	ssettag $0x1  }
0x1: {  	s0 =	srdreg.scid  }
0x2: {  	s1 =	sshll.u32 s0, $0x4  }
0x3: {  	s0 =	stileid.u32;
	s1 =	sand.u32 $0x10, s1  }
0x4: {  	s1 =	sor.u32 s0, s1  }
0x5: {  	s6 =	rddreg [dreg:$0x0];
	s4 =	simm.s32 $0x1;
	s2 =	sshll.u32 s1, $0x7  }
0x6: {  	s7 =	simm.s32 $0x2;
	s12 =	simm.s32 $0x0;
	s1 =	ssub.s32 $0x1000, s2  }
0x7: {  	s8 =	simm.s32 $0x8000;
	s13 =	simm.s32 $0x0;
	s3 =	sand.u32 $0xF80, s1  }
0x8: {  	s9 =	simm.s32 $0x0;
	s5 =	sshrl.u32 s1, $0xC;
	p0 =	sne.s32 s3, $0x0  }
.Ltmp0:
0x9: {  	s1 =	rddreg [dreg:$0x2];
	s4 =	simm.s32 @!p0 $0x0;
	(pc) =	sbr.rel .LBB1_1-.Ltmp0, $4  }
0xa: {  	s11 =	simm.s32 $0x0;
	s3 =	rddreg [dreg:$0x1];
	s5 =	sadd.s32 s4, s5  }
0xb: {  	_ =	strace $0x8000004A;
	s4 =	simm.s32 $0x1;
	s5 =	smul.u32 $0xC8, s5  }
0xc: {  	s6 =	sadd.s32 $0xC3E00, s6;
	s10 =	smov.u32 s2;
	[sflag:s4] =	ssyncpa.u1 $0x0  }
0xd: {  	p0 =	por $0x0, $0x0;
	[sflag:s7] =	ssyncpa.u1 $0x0;
	s7 =	sor.u32 $0x1, s5  }
.LBB1_4:
0xe: {  	s16 =	sshll.u32 s13, $0x3;
	s17 =	sand.u32 $0x78, s13  }
0xf: {  	s30 =	sand.u32 $0x7E00, s13;
	s12 =	sshll.u32 s12, $0xF;
	s16 =	sand.u32 $0xC00, s16  }
0x10: {  	[tilespmem:s15+$0x810 ss:$0x81] =	vst.msk $0xffff, v2;
	s31 =	sand.u32 $0x7, s13;
	s16 =	sor.u32 s17, s16;
	s17 =	sadd.s32 s3, s30  }
0x11: {  	[tilespmem:s15+$0x1020 ss:$0x81] =	vst.msk $0xffff, v0;
	s13 =	sshll.u32 s31, $0x12;
	s12 =	sadd.s32 s12, s17;
	s16 =	sshrl.u32 s16, $0x3  }
0x12: {  	[tilespmem:s15+$0x0 ss:$0x81] =	vst.msk $0xffff, v1;
	s13 =	sor.u32 $0x400, s13;
	s12 =	sadd.s32 s16, s12  }
0x13: {  	[hbm4b:s12+s13] =	stream.strided.scatter [tilespmem:s14], [sflag:$0x2], $0x2000, s8, s13, $0x20;
	[tilespmem:$0x8080] =	vst v63  }
.LBB1_5:
0x14: {  	s14 =	sadd.s32 $0x1, s9  }
0x15: {  	s12 =	sadd.s32 $0x1000, s10;
	s16 =	smov.u32 s10;
	p2 =	sgt.s32 s14, $0xC7  }
0x16: {  	s16 =	smov.u32 @p2 s12  }
0x17: {  	s14 =	simm.s32 @p2 $0x0;
	p2 =	sgt.s32 s16, $0xFFF  }
0x18: {  	s16 =	smov.u32 @p2 s2;
	p2 =	sne.s32 s11, s7  }
.Ltmp1:
0x19: {  	p1 =	slt.u32 s11, $0x2;
	(pc) =	sbr.rel @!p2 .LBB1_6-.Ltmp1, $4  }
0x1a: {  	s15 =	simm.s32 @!p1 $0x2  }
0x1b: {  	s13 =	smov.u32 s10;
	p0 =	por !p0, !p0;
	_ =	swait.ge @!p1 [sflag:s15], $0x2000  }
0x1c: {  	s12 =	smov.u32 s9;
	[sflag:s15] =	ssyncset.done @!p1 $0x0;
	s9 =	smov.u32 s14  }
0x1d: {  	s11 =	sadd.s32 $0x1, s11;
	[sflag:s15] =	ssyncadd.s32 @!p1 $0xFFFFE000;
	s10 =	smov.u32 s16  }
.LBB1_1:
0x1e: {  	p1 =	sge.u32 s11, s5  }
0x1f: {  	s14 =	sand.u32 @!p1 $0x1FFFFFF, s9  }
0x20: {  	s15 =	smulhi.u32 @!p1 $0x147AE15, s14;
	_ =	sdelay $0x1  }
0x21: {  	s15 =	smul.u32 @!p1 $0xC8, s15  }
0x22: {  	s16 =	sxor.u32 @!p1 $0xFFFFFFFF, s11;
	s17 =	smul.u32 @!p1 $0xC80, s10  }
0x23: {  	s31 =	sadd.s32 $0xFFFFFFFF, s11;
	s16 =	sshll.u32 @!p1 s16, $0xD;
	s14 =	ssub.s32 @!p1 s14, s15  }
0x24: {  	s15 =	sand.u32 @!p1 $0x2000, s16;
	s16 =	sadd.s32 @!p1 s6, s17;
	s14 =	sshll.u32 @!p1 s14, $0x4  }
0x25: {  	s17 =	simm.s32 @!p1 $0x6400;
	s14 =	sadd.s32 @!p1 s14, s16;
	s16 =	simm.s32 @!p1 $0x40  }
0x26: {  	[tilespmem:s15], [sflag:$0x1] =	stream.strided.gather @!p1 [hbm4b:s14+s16], $0x2000, s17, s16, $0x38;
	[tilespmem:$0x8080] =	vst v63  }
0x27: {  	p1 =	sge.u32 s31, s5  }
.Ltmp2:
0x28: {  	_ = 	snop;
	(pc) =	sbr.rel @p1 .LBB1_5-.Ltmp2, $1  }
0x29: {  	_ =	sdelay $0x3  }
0x2a: {  	s14 =	simm.s32 $0x1  }
0x2b: {  	_ =	swait.ge [sflag:s4], $0x2000;
	s14 =	simm.s32 @!p0 $0x0  }
0x2c: {  	[sflag:s4] =	ssyncset.done $0x0;
	s15 =	sshll.u32 s14, $0xD  }
0x2d: {  	[sflag:s4] =	ssyncadd.s32 $0xFFFFE000;
	s18 =	sor.u32 $0x20, s15  }
0x2e: {  	s14 =	smul.u32 $0x8100, s14;
	v3 =	vld [tilespmem:s18+$0x10]  }
0x2f: {  	s30 =	sand.u32 $0x1, s11;
	v2 =	vld [tilespmem:s18+$0xFFFFFFF0]  }
0x30: {  	s15 =	smul.u32 $0x8100, s30;
	s14 =	sshrl.u32 s14, $0x2;
	v0 =	vld [tilespmem:s18+$0x0]  }
0x31: {  	v1 =	vld [tilespmem:s18+$0xFFFFFFE0];
	s16 =	sor.u32 $0x4000, s14  }
0x32: {  	s31 =	sshrl.u32 s15, $0x2;
	s15 =	sadd.s32 $0x0, s16  }
0x33: {  	s17 =	simm.s32 $0x4;
	s18 =	sadd.s32 $0x40, s18;
	s14 =	sor.u32 $0x4000, s31;
	[tilespmem:s15+$0x1830 ss:$0x81] =	vst.msk $0xffff, v3  }
.LBB1_3:
0x34: {  	v3 =	vld [tilespmem:s18+$0x10];
	p1 =	sne.s32 s17, $0x1FC;
	[tilespmem:s15+$0x810 ss:$0x81] =	vst.msk $0xffff, v2;
	s19 =	smov.u32 s17;
	s17 =	sadd.s32 $0x4, s17  }
.Ltmp3:
0x35: {  	v2 =	vld [tilespmem:s18+$0xFFFFFFF0];
	[tilespmem:s15+$0x1020 ss:$0x81] =	vst.msk $0xffff, v0;
	(pc) =	sbr.rel @p1 .LBB1_3-.Ltmp3, $4  }
0x36: {  	v0 =	vld [tilespmem:s18+$0x0];
	[tilespmem:s15+$0x0 ss:$0x81] =	vst.msk $0xffff, v1  }
0x37: {  	s15 =	sshra.s32 s19, $0x2;
	v1 =	vld [tilespmem:s18+$0xFFFFFFE0]  }
0x38: {  	s15 =	sadd.s32 s15, s16  }
0x39: {  	s18 =	sadd.s32 $0x40, s18;
	[tilespmem:s15+$0x1830 ss:$0x81] =	vst.msk $0xffff, v3  }
.Ltmp4:
0x3a: {  	_ = 	snop;
	(pc) =	sbr.rel .LBB1_4-.Ltmp4, $1  }
0x3b: {  	_ =	sdelay $0x3  }
.LBB1_6:
0x3c: {  	_ =	sfence.sel $0x180000  }
0x3d: {  	s2 =	simm.s32 $0x1;
	[bflag:$0x0] =	sbarrier.arrive $0xFFFF  }
0x3e: {  	s31 =	simm.s32 $0x2;
	[sflag:s2] =	ssyncpa.u1 $0x1  }
0x3f: {  	[sflag:s31] =	ssyncpa.u1 $0x1  }
0x40: {  	p0 =	sne.s32 s0, $0x0;
	_ =	strace $0x9000004A  }
0x41: {  	s0 =	sadd.s32 @!p0 $0x100000, s1;
	[bflag:$0x2] =	sbarrier.arrive $0xFFFF  }
0x42: {  	[sflag:s0] =	ssyncadd.tile.s32 @!p0 $0x1;
	_ =	shalt  }
.Lfunc_end1:
_tile_overlayer_lowered:
.L_overlay_start_2:
0x43: {  	(tag) =	ssettag $0x2  }
0x44: {  	s0 =	rddreg [dreg:$0x0];
	s2 =	stileid.u32  }
0x45: {  	s1 =	rddreg [dreg:$0x1];
	p0 =	sne.s32 s2, $0x0  }
0x46: {  	s3 =	rddreg [dreg:$0x2];
	[bflag:$0x3] =	sbarrier.arrive $0xFFFF;
	s2 =	simm.s32 @!p0 $0x1C01  }
0x47: {  	[timem:s3], [sflag:s2] =	dma.local @!p0 [hbm:s0], s1  }
0x48: {  	s0 =	simm.s32 @!p0 $0x1  }
0x49: {  	_ =	swait.ge @!p0 [sflag:s0], s1  }
0x4a: {  	s1 =	ssub.s32 @!p0 $0x0, s1;
	[sflag:s0] =	ssyncset.done @!p0 $0x0  }
0x4b: {  	[sflag:s0] =	ssyncadd.s32 @!p0 s1  }
0x4c: {  	[bflag:$0x3] =	sbarrier.arrive $0xFFFF  }
0x4d: {  	_ =	shalt  }

</sc_bundles>
